<compile_context>
chip_gen: v7x
topology: tpu7x:2x2x1
jax: 0.10.2.dev20260603
libtpu: 0.0.44.dev20260713+nightly
codegen_flags: <defaults>
</compile_context>

<pallas_src>
import functools

import jax
import jax.numpy as jnp
from jax import lax
from jax.experimental import pallas as pl
from jax.experimental.pallas import tpu as pltpu
import jax.experimental.pallas.tpu_sc as plsc

_NC, _NS = 2, 16
_NW = _NC * _NS
_CH = 128


def _sc_gather_body(gidx_hbm, table_hbm, out_hbm, idx_v, big_v, sem):
    rows = out_hbm.shape[0] // _NW
    nch = rows * 128 // _CH
    wid = lax.axis_index("s") * _NC + lax.axis_index("c")
    pltpu.sync_copy(gidx_hbm.at[pl.ds(wid * rows * 128 // _CH, nch), :], idx_v)
    fire = 16
    for g in range(nch // fire):
        descs = [
            pltpu.async_copy(
                table_hbm.at[idx_v.at[g * fire + c]],
                big_v.at[(g * fire + c) * _CH // 128],
                sem)
            for c in range(fire)
        ]
        for d in descs:
            d.wait()
    pltpu.sync_copy(big_v, out_hbm.at[pl.ds(wid * rows, rows), :])


def _tanh(x):
    x = jnp.clip(x, -7.99881172180175781, 7.99881172180175781)
    x2 = x * x
    alpha = x * (4.89352455891786e-03 + x2 * (
        6.37261928875436e-04 + x2 * (1.48572235717979e-05 + x2 * (
            5.12229709037114e-08 + x2 * (-8.60467152213735e-11 + x2 * (
                2.00018790482477e-13 + x2 * -2.76076847742355e-16))))))
    beta = 4.89352518554385e-03 + x2 * (2.26843463243900e-03 + x2 * (
        1.18534705686654e-04 + x2 * 1.19825839466702e-06))
    return alpha / beta


def _sigmoid(x):
    return 0.5 * _tanh(0.5 * x) + 0.5


def _gru_body(codes_ref, whh_ref, bhh_ref, p_ref, out_ref, h_ref, hsum_ref):
    t = pl.program_id(0)
    nt = pl.num_programs(0)

    @pl.when(t == 0)
    def _init():
        h_ref[...] = jnp.zeros_like(h_ref)
        hsum_ref[...] = jnp.zeros_like(hsum_ref)

    h = h_ref[...]
    c = codes_ref[0].astype(jnp.float32)
    m1 = c == 1.0
    m2 = c == 2.0
    gh = jnp.dot(h.astype(jnp.bfloat16), whh_ref[...],
                 preferred_element_type=jnp.float32)
    gh = gh + bhh_ref[...]

    def gi(g):
        s = slice(128 * g, 128 * (g + 1))
        return jnp.where(m1, p_ref[1:2, s],
                         jnp.where(m2, p_ref[2:3, s], p_ref[0:1, s]))

    r = _sigmoid(gi(0) + gh[:, 0:128])
    z = _sigmoid(gi(1) + gh[:, 128:256])
    n = _tanh(gi(2) + r * gh[:, 256:384])
    h_new = (1.0 - z) * n + z * h
    h_ref[...] = h_new
    hsum_ref[...] = hsum_ref[...] + h_new

    @pl.when(t == nt - 1)
    def _fin():
        out_ref[...] = hsum_ref[...]


def _head_body(uemb_ref, hsum_ref, vu_ref, vh_ref, red_ref, fcb_ref, out_ref):
    def b16(x):
        return x.astype(jnp.bfloat16).astype(jnp.float32)

    mean = hsum_ref[...] / 50.0
    s = b16(uemb_ref[...]) * vu_ref[...] + b16(mean) * vh_ref[...]
    out_ref[...] = (
        jnp.dot(s, red_ref[...], preferred_element_type=jnp.float32,
                precision=lax.Precision.HIGHEST)
        + fcb_ref[...]
    )


def _pack_rows(x):
    return jnp.tile(x, (1, 8)).reshape(384)


def kernel(user_id, launch_seq, user_table, launch_table, W_ih, W_hh,
           b_ih, b_hh, fc_W, fc_b):
    B, L = launch_seq.shape
    H = W_hh.shape[1]
    M = B // 8

    mesh = plsc.VectorSubcoreMesh(core_axis_name="c", subcore_axis_name="s",
                                  num_cores=_NC, num_subcores=_NS)
    gidx = (user_id.astype(jnp.int32)[:, None] * H
            + jnp.arange(H, dtype=jnp.int32)).reshape(M, 128)
    rows_per_tec = M // _NW
    user_emb = pl.kernel(
        _sc_gather_body,
        out_type=jax.ShapeDtypeStruct((M, 128), jnp.float32),
        mesh=mesh,
        scratch_types=[
            pltpu.VMEM((rows_per_tec, 128), jnp.int32),
            pltpu.VMEM((rows_per_tec, 128), jnp.float32),
            pltpu.SemaphoreType.DMA,
        ],
        compiler_params=pltpu.CompilerParams(use_tc_tiling_on_sc=False),
    )(gidx, user_table.reshape(-1))

    Wg = W_hh.reshape(3, H, H)
    whh_blk = jnp.concatenate(
        [jnp.kron(jnp.eye(8, dtype=W_hh.dtype), Wg[g].T) for g in range(3)],
        axis=1).astype(jnp.bfloat16)
    bhh_row = _pack_rows(b_hh.reshape(3, H)).reshape(1, 384)

    gi_full = jnp.dot(launch_table.astype(jnp.bfloat16),
                      W_ih.T.astype(jnp.bfloat16),
                      preferred_element_type=jnp.float32) + b_ih
    P = jnp.stack([_pack_rows(gi_full[g].reshape(3, H))
                   for g in range(3)])

    codes = launch_seq.astype(jnp.int8).T.reshape(L, M, 8, 1)
    codes = jnp.broadcast_to(codes, (L, M, 8, H)).reshape(L, M, 128)

    hsum = pl.pallas_call(
        _gru_body,
        grid=(L,),
        in_specs=[
            pl.BlockSpec((1, M, 128), lambda t: (t, 0, 0)),
            pl.BlockSpec((128, 384), lambda t: (0, 0)),
            pl.BlockSpec((1, 384), lambda t: (0, 0)),
            pl.BlockSpec((3, 384), lambda t: (0, 0)),
        ],
        out_specs=pl.BlockSpec((M, 128), lambda t: (0, 0)),
        out_shape=jax.ShapeDtypeStruct((M, 128), jnp.float32),
        scratch_shapes=[
            pltpu.VMEM((M, 128), jnp.float32),
            pltpu.VMEM((M, 128), jnp.float32),
        ],
    )(codes, whh_blk, bhh_row, P)

    fcw16 = fc_W.astype(jnp.bfloat16).astype(jnp.float32)
    vu = jnp.tile(fcw16[0, :H], 8).reshape(1, 128)
    vh = jnp.tile(fcw16[0, H:], 8).reshape(1, 128)
    red = jnp.kron(jnp.eye(8, dtype=jnp.float32),
                   jnp.ones((H, 1), dtype=jnp.float32))
    fcb = jnp.broadcast_to(fc_b.reshape(1, 1), (1, 8))

    out = pl.pallas_call(
        _head_body,
        in_specs=[pl.BlockSpec(x.shape, lambda: (0,) * x.ndim)
                  for x in (user_emb, hsum, vu, vh, red, fcb)],
        out_specs=pl.BlockSpec((M, 8), lambda: (0, 0)),
        out_shape=jax.ShapeDtypeStruct((M, 8), jnp.float32),
    )(user_emb, hsum, vu, vh, red, fcb)

    return out.reshape(B, 1)

# --- scband reference (transcript-rebuilt; emitter-appended) ---
"""Pipeline reference for scband-aqymodel-4973572129060 (READ-ONLY COPY).

The authoritative reference and input builder live on the scoring server;
editing this copy changes nothing except your own understanding.
"""

import jax, jax.numpy as jnp
import numpy as np

def setup_inputs(seed: int = 0):
    key = jax.random.key(seed)
    ks = jax.random.split(key, 10)
    B, L = 16384, 50
    user_id = jax.random.randint(ks[0], (B,), 0, 600001)
    launch_seq = jax.random.randint(ks[1], (B, L), 0, 3)
    user_table = jax.random.normal(ks[2], (600001, 16), dtype=jnp.float32) * 0.05
    launch_table = jax.random.normal(ks[3], (3, 16), dtype=jnp.float32) * 0.05
    W_ih = jax.random.normal(ks[4], (48, 16), dtype=jnp.float32) * 0.25
    W_hh = jax.random.normal(ks[5], (48, 16), dtype=jnp.float32) * 0.25
    b_ih = jax.random.normal(ks[6], (48,), dtype=jnp.float32) * 0.05
    b_hh = jax.random.normal(ks[7], (48,), dtype=jnp.float32) * 0.05
    fc_W = jax.random.normal(ks[8], (1, 32), dtype=jnp.float32) * 0.1
    fc_b = jax.random.normal(ks[9], (1,), dtype=jnp.float32) * 0.05
    return {"user_id": user_id, "launch_seq": launch_seq, "user_table": user_table,
            "launch_table": launch_table, "W_ih": W_ih, "W_hh": W_hh,
            "b_ih": b_ih, "b_hh": b_hh, "fc_W": fc_W, "fc_b": fc_b}

def _gru(x_seq, W_ih, W_hh, b_ih, b_hh):
    B = x_seq.shape[0]
    H = W_hh.shape[1]
    def step(h, x_t):
        gi = x_t @ W_ih.T + b_ih
        gh = h @ W_hh.T + b_hh
        i_r, i_z, i_n = jnp.split(gi, 3, axis=-1)
        h_r, h_z, h_n = jnp.split(gh, 3, axis=-1)
        r = jax.nn.sigmoid(i_r + h_r)
        z = jax.nn.sigmoid(i_z + h_z)
        n = jnp.tanh(i_n + r * h_n)
        h_new = (1.0 - z) * n + z * h
        return h_new, h_new
    h0 = jnp.zeros((B, H), dtype=x_seq.dtype)
    _, hs = jax.lax.scan(step, h0, jnp.swapaxes(x_seq, 0, 1))
    return jnp.swapaxes(hs, 0, 1)

def reference(user_id, launch_seq, user_table, launch_table, W_ih, W_hh, b_ih, b_hh, fc_W, fc_b):
    user_emb = jnp.take(user_table, user_id, axis=0)
    seq_emb = jnp.take(launch_table, launch_seq, axis=0)
    hs = _gru(seq_emb, W_ih, W_hh, b_ih, b_hh)
    seq_mean = jnp.mean(hs, axis=1)
    fc_in = jnp.concatenate([user_emb, seq_mean], axis=1)
    return fc_in @ fc_W.T + fc_b

if __name__ == "__main__":
    import jax
    _d = setup_inputs()
    print(jax.jit(kernel)(*tuple(_d.values())))

</pallas_src>

<mosaic_0001>
#map = affine_map<(d0, d1) -> (0, 0)>
#map1 = affine_map<(d0, d1) -> (0)>
module attributes {stable_mosaic.version = 14 : i64} {
  func.func @_sc_gather_body(%arg0: i32, %arg1: i32, %arg2: memref<2048x128xi32, #tpu.memory_space<hbm>>, %arg3: memref<9600016xf32, #tpu.memory_space<hbm>>, %arg4: memref<2048x128xf32, #tpu.memory_space<hbm>>, %arg5: memref<64x128xi32, #tpu.memory_space<vmem>>, %arg6: memref<64x128xf32, #tpu.memory_space<vmem>>, %arg7: memref<!tpu.dma_semaphore, #tpu.memory_space<semaphore_mem>>) attributes {dimension_semantics = [#tpu.dimension_semantics<core_parallel>, #tpu.dimension_semantics<subcore_parallel>], iteration_bounds = array<i64: 2, 16>, scalar_prefetch = 0 : i64, scratch_operands = 3 : i64, tpu.core_type = #tpu.core_type<sc_vector_subcore>, window_params = [{transform_indices = #map}, {transform_indices = #map1}, {transform_indices = #map}]} {
    %mul3A = arith.constant 2 : i32
    %mul3A_0 = arith.muli %arg1, %mul3A : i32
    %add3A = arith.addi %mul3A_0, %arg0 : i32
    %mul3A_1 = arith.constant 64 : i32
    %mul3A_2 = arith.muli %add3A, %mul3A_1 : i32
    %mul3A_3 = arith.constant 128 : i32
    %mul3A_4 = arith.muli %mul3A_2, %mul3A_3 : i32
    %jit3A = arith.constant 128 : i32
    %div3A = arith.divsi %mul3A_4, %jit3A : i32
    %sign3A = arith.constant 0 : i32
    %sign3A_5 = arith.cmpi sgt, %mul3A_4, %sign3A : i32
    %sign3A_6 = arith.extui %sign3A_5 : i1 to i32
    %sign3A_7 = arith.constant 0 : i32
    %sign3A_8 = arith.cmpi slt, %mul3A_4, %sign3A_7 : i32
    %sign3A_9 = arith.extui %sign3A_8 : i1 to i32
    %sign3A_10 = arith.subi %sign3A_6, %sign3A_9 : i32
    %sign3A_11 = arith.constant 0 : i32
    %sign3A_12 = arith.cmpi sgt, %jit3A, %sign3A_11 : i32
    %sign3A_13 = arith.extui %sign3A_12 : i1 to i32
    %sign3A_14 = arith.constant 0 : i32
    %sign3A_15 = arith.cmpi slt, %jit3A, %sign3A_14 : i32
    %sign3A_16 = arith.extui %sign3A_15 : i1 to i32
    %sign3A_17 = arith.subi %sign3A_13, %sign3A_16 : i32
    %ne3A = arith.cmpi ne, %sign3A_10, %sign3A_17 : i32
    %rem3A = arith.remsi %mul3A_4, %jit3A : i32
    %ne3A_18 = arith.constant 0 : i32
    %ne3A_19 = arith.cmpi ne, %rem3A, %ne3A_18 : i32
    %and3A = arith.andi %ne3A, %ne3A_19 : i1
    %sub3A = arith.constant 1 : i32
    %sub3A_20 = arith.subi %div3A, %sub3A : i32
    %select_n3A = arith.select %and3A, %sub3A_20, %div3A : i32
    "tpu.region"() ({
      %run_scoped3A = tpu.sem_alloc : memref<!tpu.dma_semaphore, #tpu.memory_space<semaphore_mem>>
      %dma_start3A_1301 = arith.constant 0 : i32
      %dma_start3A_1302 = tpu.memref_slice %arg2[%select_n3A, %dma_start3A_1301] : memref<2048x128xi32, #tpu.memory_space<hbm>> -> memref<64x128xi32, #tpu.memory_space<hbm>>
      %dma_start3A_1303 = arith.constant 0 : i32
      %dma_start3A_1304 = tpu.memref_slice %arg2[%select_n3A, %dma_start3A_1303] : memref<2048x128xi32, #tpu.memory_space<hbm>> -> memref<64x128xi32, #tpu.memory_space<hbm>>
      tpu.enqueue_dma source(%dma_start3A_1304 : memref<64x128xi32, #tpu.memory_space<hbm>>) target(%arg5 : memref<64x128xi32, #tpu.memory_space<vmem>>) target_semaphore(%run_scoped3A : memref<!tpu.dma_semaphore, #tpu.memory_space<semaphore_mem>>)
      %dma_wait3A_1305 = arith.constant 0 : i32
      %dma_wait3A_1306 = tpu.memref_slice %arg2[%select_n3A, %dma_wait3A_1305] : memref<2048x128xi32, #tpu.memory_space<hbm>> -> memref<64x128xi32, #tpu.memory_space<hbm>>
      %dma_wait3A_1307 = arith.constant 0 : i32
      %dma_wait3A_1308 = tpu.memref_slice %arg2[%select_n3A, %dma_wait3A_1307] : memref<2048x128xi32, #tpu.memory_space<hbm>> -> memref<64x128xi32, #tpu.memory_space<hbm>>
      tpu.wait_dma2 semaphore(%run_scoped3A : memref<!tpu.dma_semaphore, #tpu.memory_space<semaphore_mem>>) src(%dma_wait3A_1308 : memref<64x128xi32, #tpu.memory_space<hbm>>) dst(%arg5 : memref<64x128xi32, #tpu.memory_space<vmem>>)
      tpu.yield
    }) : () -> ()
    %dma_start3A = arith.constant 0 : i32
    %dma_start3A_21 = arith.constant 0 : i32
    %dma_start3A_22 = arith.constant 0 : i32
    %dma_start3A_23 = tpu.memref_slice %arg6[%dma_start3A_21, %dma_start3A_22] : memref<64x128xf32, #tpu.memory_space<vmem>> -> memref<1x128xf32, #tpu.memory_space<vmem>>
    %dma_start3A_24 = tpu.memref_squeeze %dma_start3A_23 : memref<1x128xf32, #tpu.memory_space<vmem>> -> memref<128xf32, #tpu.memory_space<vmem>>
    %dma_start3A_25 = arith.constant 0 : i32
    %dma_start3A_26 = tpu.memref_slice %arg5[%dma_start3A, %dma_start3A_25] : memref<64x128xi32, #tpu.memory_space<vmem>> -> memref<1x128xi32, #tpu.memory_space<vmem>>
    %dma_start3A_27 = tpu.memref_squeeze %dma_start3A_26 : memref<1x128xi32, #tpu.memory_space<vmem>> -> memref<128xi32, #tpu.memory_space<vmem>>
    %dma_start3A_28 = arith.constant 0 : i32
    %dma_start3A_29 = tpu.memref_slice %arg3[%dma_start3A_28] : memref<9600016xf32, #tpu.memory_space<hbm>> -> memref<9600016xf32, #tpu.memory_space<hbm>>
    tpu.enqueue_indirect_dma source(%dma_start3A_29 : memref<9600016xf32, #tpu.memory_space<hbm>>) target(%dma_start3A_24 : memref<128xf32, #tpu.memory_space<vmem>>) offsets(%dma_start3A_27 : memref<128xi32, #tpu.memory_space<vmem>>) semaphore(%arg7 : memref<!tpu.dma_semaphore, #tpu.memory_space<semaphore_mem>>)
    %dma_start3A_30 = arith.constant 1 : i32
    %dma_start3A_31 = arith.constant 1 : i32
    %dma_start3A_32 = arith.constant 0 : i32
    %dma_start3A_33 = tpu.memref_slice %arg6[%dma_start3A_31, %dma_start3A_32] : memref<64x128xf32, #tpu.memory_space<vmem>> -> memref<1x128xf32, #tpu.memory_space<vmem>>
    %dma_start3A_34 = tpu.memref_squeeze %dma_start3A_33 : memref<1x128xf32, #tpu.memory_space<vmem>> -> memref<128xf32, #tpu.memory_space<vmem>>
    %dma_start3A_35 = arith.constant 0 : i32
    %dma_start3A_36 = tpu.memref_slice %arg5[%dma_start3A_30, %dma_start3A_35] : memref<64x128xi32, #tpu.memory_space<vmem>> -> memref<1x128xi32, #tpu.memory_space<vmem>>
    %dma_start3A_37 = tpu.memref_squeeze %dma_start3A_36 : memref<1x128xi32, #tpu.memory_space<vmem>> -> memref<128xi32, #tpu.memory_space<vmem>>
    %dma_start3A_38 = arith.constant 0 : i32
    %dma_start3A_39 = tpu.memref_slice %arg3[%dma_start3A_38] : memref<9600016xf32, #tpu.memory_space<hbm>> -> memref<9600016xf32, #tpu.memory_space<hbm>>
    tpu.enqueue_indirect_dma source(%dma_start3A_39 : memref<9600016xf32, #tpu.memory_space<hbm>>) target(%dma_start3A_34 : memref<128xf32, #tpu.memory_space<vmem>>) offsets(%dma_start3A_37 : memref<128xi32, #tpu.memory_space<vmem>>) semaphore(%arg7 : memref<!tpu.dma_semaphore, #tpu.memory_space<semaphore_mem>>)
    %dma_start3A_40 = arith.constant 2 : i32
    %dma_start3A_41 = arith.constant 2 : i32
    %dma_start3A_42 = arith.constant 0 : i32
    %dma_start3A_43 = tpu.memref_slice %arg6[%dma_start3A_41, %dma_start3A_42] : memref<64x128xf32, #tpu.memory_space<vmem>> -> memref<1x128xf32, #tpu.memory_space<vmem>>
    %dma_start3A_44 = tpu.memref_squeeze %dma_start3A_43 : memref<1x128xf32, #tpu.memory_space<vmem>> -> memref<128xf32, #tpu.memory_space<vmem>>
    %dma_start3A_45 = arith.constant 0 : i32
    %dma_start3A_46 = tpu.memref_slice %arg5[%dma_start3A_40, %dma_start3A_45] : memref<64x128xi32, #tpu.memory_space<vmem>> -> memref<1x128xi32, #tpu.memory_space<vmem>>
    %dma_start3A_47 = tpu.memref_squeeze %dma_start3A_46 : memref<1x128xi32, #tpu.memory_space<vmem>> -> memref<128xi32, #tpu.memory_space<vmem>>
    %dma_start3A_48 = arith.constant 0 : i32
    %dma_start3A_49 = tpu.memref_slice %arg3[%dma_start3A_48] : memref<9600016xf32, #tpu.memory_space<hbm>> -> memref<9600016xf32, #tpu.memory_space<hbm>>
    tpu.enqueue_indirect_dma source(%dma_start3A_49 : memref<9600016xf32, #tpu.memory_space<hbm>>) target(%dma_start3A_44 : memref<128xf32, #tpu.memory_space<vmem>>) offsets(%dma_start3A_47 : memref<128xi32, #tpu.memory_space<vmem>>) semaphore(%arg7 : memref<!tpu.dma_semaphore, #tpu.memory_space<semaphore_mem>>)
    %dma_start3A_50 = arith.constant 3 : i32
    %dma_start3A_51 = arith.constant 3 : i32
    %dma_start3A_52 = arith.constant 0 : i32
    %dma_start3A_53 = tpu.memref_slice %arg6[%dma_start3A_51, %dma_start3A_52] : memref<64x128xf32, #tpu.memory_space<vmem>> -> memref<1x128xf32, #tpu.memory_space<vmem>>
    %dma_start3A_54 = tpu.memref_squeeze %dma_start3A_53 : memref<1x128xf32, #tpu.memory_space<vmem>> -> memref<128xf32, #tpu.memory_space<vmem>>
    %dma_start3A_55 = arith.constant 0 : i32
    %dma_start3A_56 = tpu.memref_slice %arg5[%dma_start3A_50, %dma_start3A_55] : memref<64x128xi32, #tpu.memory_space<vmem>> -> memref<1x128xi32, #tpu.memory_space<vmem>>
    %dma_start3A_57 = tpu.memref_squeeze %dma_start3A_56 : memref<1x128xi32, #tpu.memory_space<vmem>> -> memref<128xi32, #tpu.memory_space<vmem>>
    %dma_start3A_58 = arith.constant 0 : i32
    %dma_start3A_59 = tpu.memref_slice %arg3[%dma_start3A_58] : memref<9600016xf32, #tpu.memory_space<hbm>> -> memref<9600016xf32, #tpu.memory_space<hbm>>
    tpu.enqueue_indirect_dma source(%dma_start3A_59 : memref<9600016xf32, #tpu.memory_space<hbm>>) target(%dma_start3A_54 : memref<128xf32, #tpu.memory_space<vmem>>) offsets(%dma_start3A_57 : memref<128xi32, #tpu.memory_space<vmem>>) semaphore(%arg7 : memref<!tpu.dma_semaphore, #tpu.memory_space<semaphore_mem>>)
    %dma_start3A_60 = arith.constant 4 : i32
    %dma_start3A_61 = arith.constant 4 : i32
    %dma_start3A_62 = arith.constant 0 : i32
    %dma_start3A_63 = tpu.memref_slice %arg6[%dma_start3A_61, %dma_start3A_62] : memref<64x128xf32, #tpu.memory_space<vmem>> -> memref<1x128xf32, #tpu.memory_space<vmem>>
    %dma_start3A_64 = tpu.memref_squeeze %dma_start3A_63 : memref<1x128xf32, #tpu.memory_space<vmem>> -> memref<128xf32, #tpu.memory_space<vmem>>
    %dma_start3A_65 = arith.constant 0 : i32
    %dma_start3A_66 = tpu.memref_slice %arg5[%dma_start3A_60, %dma_start3A_65] : memref<64x128xi32, #tpu.memory_space<vmem>> -> memref<1x128xi32, #tpu.memory_space<vmem>>
    %dma_start3A_67 = tpu.memref_squeeze %dma_start3A_66 : memref<1x128xi32, #tpu.memory_space<vmem>> -> memref<128xi32, #tpu.memory_space<vmem>>
    %dma_start3A_68 = arith.constant 0 : i32
    %dma_start3A_69 = tpu.memref_slice %arg3[%dma_start3A_68] : memref<9600016xf32, #tpu.memory_space<hbm>> -> memref<9600016xf32, #tpu.memory_space<hbm>>
    tpu.enqueue_indirect_dma source(%dma_start3A_69 : memref<9600016xf32, #tpu.memory_space<hbm>>) target(%dma_start3A_64 : memref<128xf32, #tpu.memory_space<vmem>>) offsets(%dma_start3A_67 : memref<128xi32, #tpu.memory_space<vmem>>) semaphore(%arg7 : memref<!tpu.dma_semaphore, #tpu.memory_space<semaphore_mem>>)
    %dma_start3A_70 = arith.constant 5 : i32
    %dma_start3A_71 = arith.constant 5 : i32
    %dma_start3A_72 = arith.constant 0 : i32
    %dma_start3A_73 = tpu.memref_slice %arg6[%dma_start3A_71, %dma_start3A_72] : memref<64x128xf32, #tpu.memory_space<vmem>> -> memref<1x128xf32, #tpu.memory_space<vmem>>
    %dma_start3A_74 = tpu.memref_squeeze %dma_start3A_73 : memref<1x128xf32, #tpu.memory_space<vmem>> -> memref<128xf32, #tpu.memory_space<vmem>>
    %dma_start3A_75 = arith.constant 0 : i32
    %dma_start3A_76 = tpu.memref_slice %arg5[%dma_start3A_70, %dma_start3A_75] : memref<64x128xi32, #tpu.memory_space<vmem>> -> memref<1x128xi32, #tpu.memory_space<vmem>>
    %dma_start3A_77 = tpu.memref_squeeze %dma_start3A_76 : memref<1x128xi32, #tpu.memory_space<vmem>> -> memref<128xi32, #tpu.memory_space<vmem>>
    %dma_start3A_78 = arith.constant 0 : i32
    %dma_start3A_79 = tpu.memref_slice %arg3[%dma_start3A_78] : memref<9600016xf32, #tpu.memory_space<hbm>> -> memref<9600016xf32, #tpu.memory_space<hbm>>
    tpu.enqueue_indirect_dma source(%dma_start3A_79 : memref<9600016xf32, #tpu.memory_space<hbm>>) target(%dma_start3A_74 : memref<128xf32, #tpu.memory_space<vmem>>) offsets(%dma_start3A_77 : memref<128xi32, #tpu.memory_space<vmem>>) semaphore(%arg7 : memref<!tpu.dma_semaphore, #tpu.memory_space<semaphore_mem>>)
    %dma_start3A_80 = arith.constant 6 : i32
    %dma_start3A_81 = arith.constant 6 : i32
    %dma_start3A_82 = arith.constant 0 : i32
    %dma_start3A_83 = tpu.memref_slice %arg6[%dma_start3A_81, %dma_start3A_82] : memref<64x128xf32, #tpu.memory_space<vmem>> -> memref<1x128xf32, #tpu.memory_space<vmem>>
    %dma_start3A_84 = tpu.memref_squeeze %dma_start3A_83 : memref<1x128xf32, #tpu.memory_space<vmem>> -> memref<128xf32, #tpu.memory_space<vmem>>
    %dma_start3A_85 = arith.constant 0 : i32
    %dma_start3A_86 = tpu.memref_slice %arg5[%dma_start3A_80, %dma_start3A_85] : memref<64x128xi32, #tpu.memory_space<vmem>> -> memref<1x128xi32, #tpu.memory_space<vmem>>
    %dma_start3A_87 = tpu.memref_squeeze %dma_start3A_86 : memref<1x128xi32, #tpu.memory_space<vmem>> -> memref<128xi32, #tpu.memory_space<vmem>>
    %dma_start3A_88 = arith.constant 0 : i32
    %dma_start3A_89 = tpu.memref_slice %arg3[%dma_start3A_88] : memref<9600016xf32, #tpu.memory_space<hbm>> -> memref<9600016xf32, #tpu.memory_space<hbm>>
    tpu.enqueue_indirect_dma source(%dma_start3A_89 : memref<9600016xf32, #tpu.memory_space<hbm>>) target(%dma_start3A_84 : memref<128xf32, #tpu.memory_space<vmem>>) offsets(%dma_start3A_87 : memref<128xi32, #tpu.memory_space<vmem>>) semaphore(%arg7 : memref<!tpu.dma_semaphore, #tpu.memory_space<semaphore_mem>>)
    %dma_start3A_90 = arith.constant 7 : i32
    %dma_start3A_91 = arith.constant 7 : i32
    %dma_start3A_92 = arith.constant 0 : i32
    %dma_start3A_93 = tpu.memref_slice %arg6[%dma_start3A_91, %dma_start3A_92] : memref<64x128xf32, #tpu.memory_space<vmem>> -> memref<1x128xf32, #tpu.memory_space<vmem>>
    %dma_start3A_94 = tpu.memref_squeeze %dma_start3A_93 : memref<1x128xf32, #tpu.memory_space<vmem>> -> memref<128xf32, #tpu.memory_space<vmem>>
    %dma_start3A_95 = arith.constant 0 : i32
    %dma_start3A_96 = tpu.memref_slice %arg5[%dma_start3A_90, %dma_start3A_95] : memref<64x128xi32, #tpu.memory_space<vmem>> -> memref<1x128xi32, #tpu.memory_space<vmem>>
    %dma_start3A_97 = tpu.memref_squeeze %dma_start3A_96 : memref<1x128xi32, #tpu.memory_space<vmem>> -> memref<128xi32, #tpu.memory_space<vmem>>
    %dma_start3A_98 = arith.constant 0 : i32
    %dma_start3A_99 = tpu.memref_slice %arg3[%dma_start3A_98] : memref<9600016xf32, #tpu.memory_space<hbm>> -> memref<9600016xf32, #tpu.memory_space<hbm>>
    tpu.enqueue_indirect_dma source(%dma_start3A_99 : memref<9600016xf32, #tpu.memory_space<hbm>>) target(%dma_start3A_94 : memref<128xf32, #tpu.memory_space<vmem>>) offsets(%dma_start3A_97 : memref<128xi32, #tpu.memory_space<vmem>>) semaphore(%arg7 : memref<!tpu.dma_semaphore, #tpu.memory_space<semaphore_mem>>)
    %dma_start3A_100 = arith.constant 8 : i32
    %dma_start3A_101 = arith.constant 8 : i32
    %dma_start3A_102 = arith.constant 0 : i32
    %dma_start3A_103 = tpu.memref_slice %arg6[%dma_start3A_101, %dma_start3A_102] : memref<64x128xf32, #tpu.memory_space<vmem>> -> memref<1x128xf32, #tpu.memory_space<vmem>>
    %dma_start3A_104 = tpu.memref_squeeze %dma_start3A_103 : memref<1x128xf32, #tpu.memory_space<vmem>> -> memref<128xf32, #tpu.memory_space<vmem>>
    %dma_start3A_105 = arith.constant 0 : i32
    %dma_start3A_106 = tpu.memref_slice %arg5[%dma_start3A_100, %dma_start3A_105] : memref<64x128xi32, #tpu.memory_space<vmem>> -> memref<1x128xi32, #tpu.memory_space<vmem>>
    %dma_start3A_107 = tpu.memref_squeeze %dma_start3A_106 : memref<1x128xi32, #tpu.memory_space<vmem>> -> memref<128xi32, #tpu.memory_space<vmem>>
    %dma_start3A_108 = arith.constant 0 : i32
    %dma_start3A_109 = tpu.memref_slice %arg3[%dma_start3A_108] : memref<9600016xf32, #tpu.memory_space<hbm>> -> memref<9600016xf32, #tpu.memory_space<hbm>>
    tpu.enqueue_indirect_dma source(%dma_start3A_109 : memref<9600016xf32, #tpu.memory_space<hbm>>) target(%dma_start3A_104 : memref<128xf32, #tpu.memory_space<vmem>>) offsets(%dma_start3A_107 : memref<128xi32, #tpu.memory_space<vmem>>) semaphore(%arg7 : memref<!tpu.dma_semaphore, #tpu.memory_space<semaphore_mem>>)
    %dma_start3A_110 = arith.constant 9 : i32
    %dma_start3A_111 = arith.constant 9 : i32
    %dma_start3A_112 = arith.constant 0 : i32
    %dma_start3A_113 = tpu.memref_slice %arg6[%dma_start3A_111, %dma_start3A_112] : memref<64x128xf32, #tpu.memory_space<vmem>> -> memref<1x128xf32, #tpu.memory_space<vmem>>
    %dma_start3A_114 = tpu.memref_squeeze %dma_start3A_113 : memref<1x128xf32, #tpu.memory_space<vmem>> -> memref<128xf32, #tpu.memory_space<vmem>>
    %dma_start3A_115 = arith.constant 0 : i32
    %dma_start3A_116 = tpu.memref_slice %arg5[%dma_start3A_110, %dma_start3A_115] : memref<64x128xi32, #tpu.memory_space<vmem>> -> memref<1x128xi32, #tpu.memory_space<vmem>>
    %dma_start3A_117 = tpu.memref_squeeze %dma_start3A_116 : memref<1x128xi32, #tpu.memory_space<vmem>> -> memref<128xi32, #tpu.memory_space<vmem>>
    %dma_start3A_118 = arith.constant 0 : i32
    %dma_start3A_119 = tpu.memref_slice %arg3[%dma_start3A_118] : memref<9600016xf32, #tpu.memory_space<hbm>> -> memref<9600016xf32, #tpu.memory_space<hbm>>
    tpu.enqueue_indirect_dma source(%dma_start3A_119 : memref<9600016xf32, #tpu.memory_space<hbm>>) target(%dma_start3A_114 : memref<128xf32, #tpu.memory_space<vmem>>) offsets(%dma_start3A_117 : memref<128xi32, #tpu.memory_space<vmem>>) semaphore(%arg7 : memref<!tpu.dma_semaphore, #tpu.memory_space<semaphore_mem>>)
    %dma_start3A_120 = arith.constant 10 : i32
    %dma_start3A_121 = arith.constant 10 : i32
    %dma_start3A_122 = arith.constant 0 : i32
    %dma_start3A_123 = tpu.memref_slice %arg6[%dma_start3A_121, %dma_start3A_122] : memref<64x128xf32, #tpu.memory_space<vmem>> -> memref<1x128xf32, #tpu.memory_space<vmem>>
    %dma_start3A_124 = tpu.memref_squeeze %dma_start3A_123 : memref<1x128xf32, #tpu.memory_space<vmem>> -> memref<128xf32, #tpu.memory_space<vmem>>
    %dma_start3A_125 = arith.constant 0 : i32
    %dma_start3A_126 = tpu.memref_slice %arg5[%dma_start3A_120, %dma_start3A_125] : memref<64x128xi32, #tpu.memory_space<vmem>> -> memref<1x128xi32, #tpu.memory_space<vmem>>
    %dma_start3A_127 = tpu.memref_squeeze %dma_start3A_126 : memref<1x128xi32, #tpu.memory_space<vmem>> -> memref<128xi32, #tpu.memory_space<vmem>>
    %dma_start3A_128 = arith.constant 0 : i32
    %dma_start3A_129 = tpu.memref_slice %arg3[%dma_start3A_128] : memref<9600016xf32, #tpu.memory_space<hbm>> -> memref<9600016xf32, #tpu.memory_space<hbm>>
    tpu.enqueue_indirect_dma source(%dma_start3A_129 : memref<9600016xf32, #tpu.memory_space<hbm>>) target(%dma_start3A_124 : memref<128xf32, #tpu.memory_space<vmem>>) offsets(%dma_start3A_127 : memref<128xi32, #tpu.memory_space<vmem>>) semaphore(%arg7 : memref<!tpu.dma_semaphore, #tpu.memory_space<semaphore_mem>>)
    %dma_start3A_130 = arith.constant 11 : i32
    %dma_start3A_131 = arith.constant 11 : i32
    %dma_start3A_132 = arith.constant 0 : i32
    %dma_start3A_133 = tpu.memref_slice %arg6[%dma_start3A_131, %dma_start3A_132] : memref<64x128xf32, #tpu.memory_space<vmem>> -> memref<1x128xf32, #tpu.memory_space<vmem>>
    %dma_start3A_134 = tpu.memref_squeeze %dma_start3A_133 : memref<1x128xf32, #tpu.memory_space<vmem>> -> memref<128xf32, #tpu.memory_space<vmem>>
    %dma_start3A_135 = arith.constant 0 : i32
    %dma_start3A_136 = tpu.memref_slice %arg5[%dma_start3A_130, %dma_start3A_135] : memref<64x128xi32, #tpu.memory_space<vmem>> -> memref<1x128xi32, #tpu.memory_space<vmem>>
    %dma_start3A_137 = tpu.memref_squeeze %dma_start3A_136 : memref<1x128xi32, #tpu.memory_space<vmem>> -> memref<128xi32, #tpu.memory_space<vmem>>
    %dma_start3A_138 = arith.constant 0 : i32
    %dma_start3A_139 = tpu.memref_slice %arg3[%dma_start3A_138] : memref<9600016xf32, #tpu.memory_space<hbm>> -> memref<9600016xf32, #tpu.memory_space<hbm>>
    tpu.enqueue_indirect_dma source(%dma_start3A_139 : memref<9600016xf32, #tpu.memory_space<hbm>>) target(%dma_start3A_134 : memref<128xf32, #tpu.memory_space<vmem>>) offsets(%dma_start3A_137 : memref<128xi32, #tpu.memory_space<vmem>>) semaphore(%arg7 : memref<!tpu.dma_semaphore, #tpu.memory_space<semaphore_mem>>)
    %dma_start3A_140 = arith.constant 12 : i32
    %dma_start3A_141 = arith.constant 12 : i32
    %dma_start3A_142 = arith.constant 0 : i32
    %dma_start3A_143 = tpu.memref_slice %arg6[%dma_start3A_141, %dma_start3A_142] : memref<64x128xf32, #tpu.memory_space<vmem>> -> memref<1x128xf32, #tpu.memory_space<vmem>>
    %dma_start3A_144 = tpu.memref_squeeze %dma_start3A_143 : memref<1x128xf32, #tpu.memory_space<vmem>> -> memref<128xf32, #tpu.memory_space<vmem>>
    %dma_start3A_145 = arith.constant 0 : i32
    %dma_start3A_146 = tpu.memref_slice %arg5[%dma_start3A_140, %dma_start3A_145] : memref<64x128xi32, #tpu.memory_space<vmem>> -> memref<1x128xi32, #tpu.memory_space<vmem>>
    %dma_start3A_147 = tpu.memref_squeeze %dma_start3A_146 : memref<1x128xi32, #tpu.memory_space<vmem>> -> memref<128xi32, #tpu.memory_space<vmem>>
    %dma_start3A_148 = arith.constant 0 : i32
    %dma_start3A_149 = tpu.memref_slice %arg3[%dma_start3A_148] : memref<9600016xf32, #tpu.memory_space<hbm>> -> memref<9600016xf32, #tpu.memory_space<hbm>>
    tpu.enqueue_indirect_dma source(%dma_start3A_149 : memref<9600016xf32, #tpu.memory_space<hbm>>) target(%dma_start3A_144 : memref<128xf32, #tpu.memory_space<vmem>>) offsets(%dma_start3A_147 : memref<128xi32, #tpu.memory_space<vmem>>) semaphore(%arg7 : memref<!tpu.dma_semaphore, #tpu.memory_space<semaphore_mem>>)
    %dma_start3A_150 = arith.constant 13 : i32
    %dma_start3A_151 = arith.constant 13 : i32
    %dma_start3A_152 = arith.constant 0 : i32
    %dma_start3A_153 = tpu.memref_slice %arg6[%dma_start3A_151, %dma_start3A_152] : memref<64x128xf32, #tpu.memory_space<vmem>> -> memref<1x128xf32, #tpu.memory_space<vmem>>
    %dma_start3A_154 = tpu.memref_squeeze %dma_start3A_153 : memref<1x128xf32, #tpu.memory_space<vmem>> -> memref<128xf32, #tpu.memory_space<vmem>>
    %dma_start3A_155 = arith.constant 0 : i32
    %dma_start3A_156 = tpu.memref_slice %arg5[%dma_start3A_150, %dma_start3A_155] : memref<64x128xi32, #tpu.memory_space<vmem>> -> memref<1x128xi32, #tpu.memory_space<vmem>>
    %dma_start3A_157 = tpu.memref_squeeze %dma_start3A_156 : memref<1x128xi32, #tpu.memory_space<vmem>> -> memref<128xi32, #tpu.memory_space<vmem>>
    %dma_start3A_158 = arith.constant 0 : i32
    %dma_start3A_159 = tpu.memref_slice %arg3[%dma_start3A_158] : memref<9600016xf32, #tpu.memory_space<hbm>> -> memref<9600016xf32, #tpu.memory_space<hbm>>
    tpu.enqueue_indirect_dma source(%dma_start3A_159 : memref<9600016xf32, #tpu.memory_space<hbm>>) target(%dma_start3A_154 : memref<128xf32, #tpu.memory_space<vmem>>) offsets(%dma_start3A_157 : memref<128xi32, #tpu.memory_space<vmem>>) semaphore(%arg7 : memref<!tpu.dma_semaphore, #tpu.memory_space<semaphore_mem>>)
    %dma_start3A_160 = arith.constant 14 : i32
    %dma_start3A_161 = arith.constant 14 : i32
    %dma_start3A_162 = arith.constant 0 : i32
    %dma_start3A_163 = tpu.memref_slice %arg6[%dma_start3A_161, %dma_start3A_162] : memref<64x128xf32, #tpu.memory_space<vmem>> -> memref<1x128xf32, #tpu.memory_space<vmem>>
    %dma_start3A_164 = tpu.memref_squeeze %dma_start3A_163 : memref<1x128xf32, #tpu.memory_space<vmem>> -> memref<128xf32, #tpu.memory_space<vmem>>
    %dma_start3A_165 = arith.constant 0 : i32
    %dma_start3A_166 = tpu.memref_slice %arg5[%dma_start3A_160, %dma_start3A_165] : memref<64x128xi32, #tpu.memory_space<vmem>> -> memref<1x128xi32, #tpu.memory_space<vmem>>
    %dma_start3A_167 = tpu.memref_squeeze %dma_start3A_166 : memref<1x128xi32, #tpu.memory_space<vmem>> -> memref<128xi32, #tpu.memory_space<vmem>>
    %dma_start3A_168 = arith.constant 0 : i32
    %dma_start3A_169 = tpu.memref_slice %arg3[%dma_start3A_168] : memref<9600016xf32, #tpu.memory_space<hbm>> -> memref<9600016xf32, #tpu.memory_space<hbm>>
    tpu.enqueue_indirect_dma source(%dma_start3A_169 : memref<9600016xf32, #tpu.memory_space<hbm>>) target(%dma_start3A_164 : memref<128xf32, #tpu.memory_space<vmem>>) offsets(%dma_start3A_167 : memref<128xi32, #tpu.memory_space<vmem>>) semaphore(%arg7 : memref<!tpu.dma_semaphore, #tpu.memory_space<semaphore_mem>>)
    %dma_start3A_170 = arith.constant 15 : i32
    %dma_start3A_171 = arith.constant 15 : i32
    %dma_start3A_172 = arith.constant 0 : i32
    %dma_start3A_173 = tpu.memref_slice %arg6[%dma_start3A_171, %dma_start3A_172] : memref<64x128xf32, #tpu.memory_space<vmem>> -> memref<1x128xf32, #tpu.memory_space<vmem>>
    %dma_start3A_174 = tpu.memref_squeeze %dma_start3A_173 : memref<1x128xf32, #tpu.memory_space<vmem>> -> memref<128xf32, #tpu.memory_space<vmem>>
    %dma_start3A_175 = arith.constant 0 : i32
    %dma_start3A_176 = tpu.memref_slice %arg5[%dma_start3A_170, %dma_start3A_175] : memref<64x128xi32, #tpu.memory_space<vmem>> -> memref<1x128xi32, #tpu.memory_space<vmem>>
    %dma_start3A_177 = tpu.memref_squeeze %dma_start3A_176 : memref<1x128xi32, #tpu.memory_space<vmem>> -> memref<128xi32, #tpu.memory_space<vmem>>
    %dma_start3A_178 = arith.constant 0 : i32
    %dma_start3A_179 = tpu.memref_slice %arg3[%dma_start3A_178] : memref<9600016xf32, #tpu.memory_space<hbm>> -> memref<9600016xf32, #tpu.memory_space<hbm>>
    tpu.enqueue_indirect_dma source(%dma_start3A_179 : memref<9600016xf32, #tpu.memory_space<hbm>>) target(%dma_start3A_174 : memref<128xf32, #tpu.memory_space<vmem>>) offsets(%dma_start3A_177 : memref<128xi32, #tpu.memory_space<vmem>>) semaphore(%arg7 : memref<!tpu.dma_semaphore, #tpu.memory_space<semaphore_mem>>)
    %dma_wait3A = arith.constant 0 : i32
    %dma_wait3A_180 = arith.constant 0 : i32
    %dma_wait3A_181 = arith.constant 0 : i32
    %dma_wait3A_182 = tpu.memref_slice %arg6[%dma_wait3A_180, %dma_wait3A_181] : memref<64x128xf32, #tpu.memory_space<vmem>> -> memref<1x128xf32, #tpu.memory_space<vmem>>
    %dma_wait3A_183 = tpu.memref_squeeze %dma_wait3A_182 : memref<1x128xf32, #tpu.memory_space<vmem>> -> memref<128xf32, #tpu.memory_space<vmem>>
    %dma_wait3A_184 = arith.constant 0 : i32
    %dma_wait3A_185 = tpu.memref_slice %arg5[%dma_wait3A, %dma_wait3A_184] : memref<64x128xi32, #tpu.memory_space<vmem>> -> memref<1x128xi32, #tpu.memory_space<vmem>>
    %dma_wait3A_186 = tpu.memref_squeeze %dma_wait3A_185 : memref<1x128xi32, #tpu.memory_space<vmem>> -> memref<128xi32, #tpu.memory_space<vmem>>
    %dma_wait3A_187 = arith.constant 0 : i32
    %dma_wait3A_188 = tpu.memref_slice %arg3[%dma_wait3A_187] : memref<9600016xf32, #tpu.memory_space<hbm>> -> memref<9600016xf32, #tpu.memory_space<hbm>>
    tpu.wait_indirect_dma semaphore(%arg7 : memref<!tpu.dma_semaphore, #tpu.memory_space<semaphore_mem>>) src(%dma_wait3A_188 : memref<9600016xf32, #tpu.memory_space<hbm>>) dst(%dma_wait3A_183 : memref<128xf32, #tpu.memory_space<vmem>>)
    %dma_wait3A_189 = arith.constant 1 : i32
    %dma_wait3A_190 = arith.constant 1 : i32
    %dma_wait3A_191 = arith.constant 0 : i32
    %dma_wait3A_192 = tpu.memref_slice %arg6[%dma_wait3A_190, %dma_wait3A_191] : memref<64x128xf32, #tpu.memory_space<vmem>> -> memref<1x128xf32, #tpu.memory_space<vmem>>
    %dma_wait3A_193 = tpu.memref_squeeze %dma_wait3A_192 : memref<1x128xf32, #tpu.memory_space<vmem>> -> memref<128xf32, #tpu.memory_space<vmem>>
    %dma_wait3A_194 = arith.constant 0 : i32
    %dma_wait3A_195 = tpu.memref_slice %arg5[%dma_wait3A_189, %dma_wait3A_194] : memref<64x128xi32, #tpu.memory_space<vmem>> -> memref<1x128xi32, #tpu.memory_space<vmem>>
    %dma_wait3A_196 = tpu.memref_squeeze %dma_wait3A_195 : memref<1x128xi32, #tpu.memory_space<vmem>> -> memref<128xi32, #tpu.memory_space<vmem>>
    %dma_wait3A_197 = arith.constant 0 : i32
    %dma_wait3A_198 = tpu.memref_slice %arg3[%dma_wait3A_197] : memref<9600016xf32, #tpu.memory_space<hbm>> -> memref<9600016xf32, #tpu.memory_space<hbm>>
    tpu.wait_indirect_dma semaphore(%arg7 : memref<!tpu.dma_semaphore, #tpu.memory_space<semaphore_mem>>) src(%dma_wait3A_198 : memref<9600016xf32, #tpu.memory_space<hbm>>) dst(%dma_wait3A_193 : memref<128xf32, #tpu.memory_space<vmem>>)
    %dma_wait3A_199 = arith.constant 2 : i32
    %dma_wait3A_200 = arith.constant 2 : i32
    %dma_wait3A_201 = arith.constant 0 : i32
    %dma_wait3A_202 = tpu.memref_slice %arg6[%dma_wait3A_200, %dma_wait3A_201] : memref<64x128xf32, #tpu.memory_space<vmem>> -> memref<1x128xf32, #tpu.memory_space<vmem>>
    %dma_wait3A_203 = tpu.memref_squeeze %dma_wait3A_202 : memref<1x128xf32, #tpu.memory_space<vmem>> -> memref<128xf32, #tpu.memory_space<vmem>>
    %dma_wait3A_204 = arith.constant 0 : i32
    %dma_wait3A_205 = tpu.memref_slice %arg5[%dma_wait3A_199, %dma_wait3A_204] : memref<64x128xi32, #tpu.memory_space<vmem>> -> memref<1x128xi32, #tpu.memory_space<vmem>>
    %dma_wait3A_206 = tpu.memref_squeeze %dma_wait3A_205 : memref<1x128xi32, #tpu.memory_space<vmem>> -> memref<128xi32, #tpu.memory_space<vmem>>
    %dma_wait3A_207 = arith.constant 0 : i32
    %dma_wait3A_208 = tpu.memref_slice %arg3[%dma_wait3A_207] : memref<9600016xf32, #tpu.memory_space<hbm>> -> memref<9600016xf32, #tpu.memory_space<hbm>>
    tpu.wait_indirect_dma semaphore(%arg7 : memref<!tpu.dma_semaphore, #tpu.memory_space<semaphore_mem>>) src(%dma_wait3A_208 : memref<9600016xf32, #tpu.memory_space<hbm>>) dst(%dma_wait3A_203 : memref<128xf32, #tpu.memory_space<vmem>>)
    %dma_wait3A_209 = arith.constant 3 : i32
    %dma_wait3A_210 = arith.constant 3 : i32
    %dma_wait3A_211 = arith.constant 0 : i32
    %dma_wait3A_212 = tpu.memref_slice %arg6[%dma_wait3A_210, %dma_wait3A_211] : memref<64x128xf32, #tpu.memory_space<vmem>> -> memref<1x128xf32, #tpu.memory_space<vmem>>
    %dma_wait3A_213 = tpu.memref_squeeze %dma_wait3A_212 : memref<1x128xf32, #tpu.memory_space<vmem>> -> memref<128xf32, #tpu.memory_space<vmem>>
    %dma_wait3A_214 = arith.constant 0 : i32
    %dma_wait3A_215 = tpu.memref_slice %arg5[%dma_wait3A_209, %dma_wait3A_214] : memref<64x128xi32, #tpu.memory_space<vmem>> -> memref<1x128xi32, #tpu.memory_space<vmem>>
    %dma_wait3A_216 = tpu.memref_squeeze %dma_wait3A_215 : memref<1x128xi32, #tpu.memory_space<vmem>> -> memref<128xi32, #tpu.memory_space<vmem>>
    %dma_wait3A_217 = arith.constant 0 : i32
    %dma_wait3A_218 = tpu.memref_slice %arg3[%dma_wait3A_217] : memref<9600016xf32, #tpu.memory_space<hbm>> -> memref<9600016xf32, #tpu.memory_space<hbm>>
    tpu.wait_indirect_dma semaphore(%arg7 : memref<!tpu.dma_semaphore, #tpu.memory_space<semaphore_mem>>) src(%dma_wait3A_218 : memref<9600016xf32, #tpu.memory_space<hbm>>) dst(%dma_wait3A_213 : memref<128xf32, #tpu.memory_space<vmem>>)
    %dma_wait3A_219 = arith.constant 4 : i32
    %dma_wait3A_220 = arith.constant 4 : i32
    %dma_wait3A_221 = arith.constant 0 : i32
    %dma_wait3A_222 = tpu.memref_slice %arg6[%dma_wait3A_220, %dma_wait3A_221] : memref<64x128xf32, #tpu.memory_space<vmem>> -> memref<1x128xf32, #tpu.memory_space<vmem>>
    %dma_wait3A_223 = tpu.memref_squeeze %dma_wait3A_222 : memref<1x128xf32, #tpu.memory_space<vmem>> -> memref<128xf32, #tpu.memory_space<vmem>>
    %dma_wait3A_224 = arith.constant 0 : i32
    %dma_wait3A_225 = tpu.memref_slice %arg5[%dma_wait3A_219, %dma_wait3A_224] : memref<64x128xi32, #tpu.memory_space<vmem>> -> memref<1x128xi32, #tpu.memory_space<vmem>>
    %dma_wait3A_226 = tpu.memref_squeeze %dma_wait3A_225 : memref<1x128xi32, #tpu.memory_space<vmem>> -> memref<128xi32, #tpu.memory_space<vmem>>
    %dma_wait3A_227 = arith.constant 0 : i32
    %dma_wait3A_228 = tpu.memref_slice %arg3[%dma_wait3A_227] : memref<9600016xf32, #tpu.memory_space<hbm>> -> memref<9600016xf32, #tpu.memory_space<hbm>>
    tpu.wait_indirect_dma semaphore(%arg7 : memref<!tpu.dma_semaphore, #tpu.memory_space<semaphore_mem>>) src(%dma_wait3A_228 : memref<9600016xf32, #tpu.memory_space<hbm>>) dst(%dma_wait3A_223 : memref<128xf32, #tpu.memory_space<vmem>>)
    %dma_wait3A_229 = arith.constant 5 : i32
    %dma_wait3A_230 = arith.constant 5 : i32
    %dma_wait3A_231 = arith.constant 0 : i32
    %dma_wait3A_232 = tpu.memref_slice %arg6[%dma_wait3A_230, %dma_wait3A_231] : memref<64x128xf32, #tpu.memory_space<vmem>> -> memref<1x128xf32, #tpu.memory_space<vmem>>
    %dma_wait3A_233 = tpu.memref_squeeze %dma_wait3A_232 : memref<1x128xf32, #tpu.memory_space<vmem>> -> memref<128xf32, #tpu.memory_space<vmem>>
    %dma_wait3A_234 = arith.constant 0 : i32
    %dma_wait3A_235 = tpu.memref_slice %arg5[%dma_wait3A_229, %dma_wait3A_234] : memref<64x128xi32, #tpu.memory_space<vmem>> -> memref<1x128xi32, #tpu.memory_space<vmem>>
    %dma_wait3A_236 = tpu.memref_squeeze %dma_wait3A_235 : memref<1x128xi32, #tpu.memory_space<vmem>> -> memref<128xi32, #tpu.memory_space<vmem>>
    %dma_wait3A_237 = arith.constant 0 : i32
    %dma_wait3A_238 = tpu.memref_slice %arg3[%dma_wait3A_237] : memref<9600016xf32, #tpu.memory_space<hbm>> -> memref<9600016xf32, #tpu.memory_space<hbm>>
    tpu.wait_indirect_dma semaphore(%arg7 : memref<!tpu.dma_semaphore, #tpu.memory_space<semaphore_mem>>) src(%dma_wait3A_238 : memref<9600016xf32, #tpu.memory_space<hbm>>) dst(%dma_wait3A_233 : memref<128xf32, #tpu.memory_space<vmem>>)
    %dma_wait3A_239 = arith.constant 6 : i32
    %dma_wait3A_240 = arith.constant 6 : i32
    %dma_wait3A_241 = arith.constant 0 : i32
    %dma_wait3A_242 = tpu.memref_slice %arg6[%dma_wait3A_240, %dma_wait3A_241] : memref<64x128xf32, #tpu.memory_space<vmem>> -> memref<1x128xf32, #tpu.memory_space<vmem>>
    %dma_wait3A_243 = tpu.memref_squeeze %dma_wait3A_242 : memref<1x128xf32, #tpu.memory_space<vmem>> -> memref<128xf32, #tpu.memory_space<vmem>>
    %dma_wait3A_244 = arith.constant 0 : i32
    %dma_wait3A_245 = tpu.memref_slice %arg5[%dma_wait3A_239, %dma_wait3A_244] : memref<64x128xi32, #tpu.memory_space<vmem>> -> memref<1x128xi32, #tpu.memory_space<vmem>>
    %dma_wait3A_246 = tpu.memref_squeeze %dma_wait3A_245 : memref<1x128xi32, #tpu.memory_space<vmem>> -> memref<128xi32, #tpu.memory_space<vmem>>
    %dma_wait3A_247 = arith.constant 0 : i32
    %dma_wait3A_248 = tpu.memref_slice %arg3[%dma_wait3A_247] : memref<9600016xf32, #tpu.memory_space<hbm>> -> memref<9600016xf32, #tpu.memory_space<hbm>>
    tpu.wait_indirect_dma semaphore(%arg7 : memref<!tpu.dma_semaphore, #tpu.memory_space<semaphore_mem>>) src(%dma_wait3A_248 : memref<9600016xf32, #tpu.memory_space<hbm>>) dst(%dma_wait3A_243 : memref<128xf32, #tpu.memory_space<vmem>>)
    %dma_wait3A_249 = arith.constant 7 : i32
    %dma_wait3A_250 = arith.constant 7 : i32
    %dma_wait3A_251 = arith.constant 0 : i32
    %dma_wait3A_252 = tpu.memref_slice %arg6[%dma_wait3A_250, %dma_wait3A_251] : memref<64x128xf32, #tpu.memory_space<vmem>> -> memref<1x128xf32, #tpu.memory_space<vmem>>
    %dma_wait3A_253 = tpu.memref_squeeze %dma_wait3A_252 : memref<1x128xf32, #tpu.memory_space<vmem>> -> memref<128xf32, #tpu.memory_space<vmem>>
    %dma_wait3A_254 = arith.constant 0 : i32
    %dma_wait3A_255 = tpu.memref_slice %arg5[%dma_wait3A_249, %dma_wait3A_254] : memref<64x128xi32, #tpu.memory_space<vmem>> -> memref<1x128xi32, #tpu.memory_space<vmem>>
    %dma_wait3A_256 = tpu.memref_squeeze %dma_wait3A_255 : memref<1x128xi32, #tpu.memory_space<vmem>> -> memref<128xi32, #tpu.memory_space<vmem>>
    %dma_wait3A_257 = arith.constant 0 : i32
    %dma_wait3A_258 = tpu.memref_slice %arg3[%dma_wait3A_257] : memref<9600016xf32, #tpu.memory_space<hbm>> -> memref<9600016xf32, #tpu.memory_space<hbm>>
    tpu.wait_indirect_dma semaphore(%arg7 : memref<!tpu.dma_semaphore, #tpu.memory_space<semaphore_mem>>) src(%dma_wait3A_258 : memref<9600016xf32, #tpu.memory_space<hbm>>) dst(%dma_wait3A_253 : memref<128xf32, #tpu.memory_space<vmem>>)
    %dma_wait3A_259 = arith.constant 8 : i32
    %dma_wait3A_260 = arith.constant 8 : i32
    %dma_wait3A_261 = arith.constant 0 : i32
    %dma_wait3A_262 = tpu.memref_slice %arg6[%dma_wait3A_260, %dma_wait3A_261] : memref<64x128xf32, #tpu.memory_space<vmem>> -> memref<1x128xf32, #tpu.memory_space<vmem>>
    %dma_wait3A_263 = tpu.memref_squeeze %dma_wait3A_262 : memref<1x128xf32, #tpu.memory_space<vmem>> -> memref<128xf32, #tpu.memory_space<vmem>>
    %dma_wait3A_264 = arith.constant 0 : i32
    %dma_wait3A_265 = tpu.memref_slice %arg5[%dma_wait3A_259, %dma_wait3A_264] : memref<64x128xi32, #tpu.memory_space<vmem>> -> memref<1x128xi32, #tpu.memory_space<vmem>>
    %dma_wait3A_266 = tpu.memref_squeeze %dma_wait3A_265 : memref<1x128xi32, #tpu.memory_space<vmem>> -> memref<128xi32, #tpu.memory_space<vmem>>
    %dma_wait3A_267 = arith.constant 0 : i32
    %dma_wait3A_268 = tpu.memref_slice %arg3[%dma_wait3A_267] : memref<9600016xf32, #tpu.memory_space<hbm>> -> memref<9600016xf32, #tpu.memory_space<hbm>>
    tpu.wait_indirect_dma semaphore(%arg7 : memref<!tpu.dma_semaphore, #tpu.memory_space<semaphore_mem>>) src(%dma_wait3A_268 : memref<9600016xf32, #tpu.memory_space<hbm>>) dst(%dma_wait3A_263 : memref<128xf32, #tpu.memory_space<vmem>>)
    %dma_wait3A_269 = arith.constant 9 : i32
    %dma_wait3A_270 = arith.constant 9 : i32
    %dma_wait3A_271 = arith.constant 0 : i32
    %dma_wait3A_272 = tpu.memref_slice %arg6[%dma_wait3A_270, %dma_wait3A_271] : memref<64x128xf32, #tpu.memory_space<vmem>> -> memref<1x128xf32, #tpu.memory_space<vmem>>
    %dma_wait3A_273 = tpu.memref_squeeze %dma_wait3A_272 : memref<1x128xf32, #tpu.memory_space<vmem>> -> memref<128xf32, #tpu.memory_space<vmem>>
    %dma_wait3A_274 = arith.constant 0 : i32
    %dma_wait3A_275 = tpu.memref_slice %arg5[%dma_wait3A_269, %dma_wait3A_274] : memref<64x128xi32, #tpu.memory_space<vmem>> -> memref<1x128xi32, #tpu.memory_space<vmem>>
    %dma_wait3A_276 = tpu.memref_squeeze %dma_wait3A_275 : memref<1x128xi32, #tpu.memory_space<vmem>> -> memref<128xi32, #tpu.memory_space<vmem>>
    %dma_wait3A_277 = arith.constant 0 : i32
    %dma_wait3A_278 = tpu.memref_slice %arg3[%dma_wait3A_277] : memref<9600016xf32, #tpu.memory_space<hbm>> -> memref<9600016xf32, #tpu.memory_space<hbm>>
    tpu.wait_indirect_dma semaphore(%arg7 : memref<!tpu.dma_semaphore, #tpu.memory_space<semaphore_mem>>) src(%dma_wait3A_278 : memref<9600016xf32, #tpu.memory_space<hbm>>) dst(%dma_wait3A_273 : memref<128xf32, #tpu.memory_space<vmem>>)
    %dma_wait3A_279 = arith.constant 10 : i32
    %dma_wait3A_280 = arith.constant 10 : i32
    %dma_wait3A_281 = arith.constant 0 : i32
    %dma_wait3A_282 = tpu.memref_slice %arg6[%dma_wait3A_280, %dma_wait3A_281] : memref<64x128xf32, #tpu.memory_space<vmem>> -> memref<1x128xf32, #tpu.memory_space<vmem>>
    %dma_wait3A_283 = tpu.memref_squeeze %dma_wait3A_282 : memref<1x128xf32, #tpu.memory_space<vmem>> -> memref<128xf32, #tpu.memory_space<vmem>>
    %dma_wait3A_284 = arith.constant 0 : i32
    %dma_wait3A_285 = tpu.memref_slice %arg5[%dma_wait3A_279, %dma_wait3A_284] : memref<64x128xi32, #tpu.memory_space<vmem>> -> memref<1x128xi32, #tpu.memory_space<vmem>>
    %dma_wait3A_286 = tpu.memref_squeeze %dma_wait3A_285 : memref<1x128xi32, #tpu.memory_space<vmem>> -> memref<128xi32, #tpu.memory_space<vmem>>
    %dma_wait3A_287 = arith.constant 0 : i32
    %dma_wait3A_288 = tpu.memref_slice %arg3[%dma_wait3A_287] : memref<9600016xf32, #tpu.memory_space<hbm>> -> memref<9600016xf32, #tpu.memory_space<hbm>>
    tpu.wait_indirect_dma semaphore(%arg7 : memref<!tpu.dma_semaphore, #tpu.memory_space<semaphore_mem>>) src(%dma_wait3A_288 : memref<9600016xf32, #tpu.memory_space<hbm>>) dst(%dma_wait3A_283 : memref<128xf32, #tpu.memory_space<vmem>>)
    %dma_wait3A_289 = arith.constant 11 : i32
    %dma_wait3A_290 = arith.constant 11 : i32
    %dma_wait3A_291 = arith.constant 0 : i32
    %dma_wait3A_292 = tpu.memref_slice %arg6[%dma_wait3A_290, %dma_wait3A_291] : memref<64x128xf32, #tpu.memory_space<vmem>> -> memref<1x128xf32, #tpu.memory_space<vmem>>
    %dma_wait3A_293 = tpu.memref_squeeze %dma_wait3A_292 : memref<1x128xf32, #tpu.memory_space<vmem>> -> memref<128xf32, #tpu.memory_space<vmem>>
    %dma_wait3A_294 = arith.constant 0 : i32
    %dma_wait3A_295 = tpu.memref_slice %arg5[%dma_wait3A_289, %dma_wait3A_294] : memref<64x128xi32, #tpu.memory_space<vmem>> -> memref<1x128xi32, #tpu.memory_space<vmem>>
    %dma_wait3A_296 = tpu.memref_squeeze %dma_wait3A_295 : memref<1x128xi32, #tpu.memory_space<vmem>> -> memref<128xi32, #tpu.memory_space<vmem>>
    %dma_wait3A_297 = arith.constant 0 : i32
    %dma_wait3A_298 = tpu.memref_slice %arg3[%dma_wait3A_297] : memref<9600016xf32, #tpu.memory_space<hbm>> -> memref<9600016xf32, #tpu.memory_space<hbm>>
    tpu.wait_indirect_dma semaphore(%arg7 : memref<!tpu.dma_semaphore, #tpu.memory_space<semaphore_mem>>) src(%dma_wait3A_298 : memref<9600016xf32, #tpu.memory_space<hbm>>) dst(%dma_wait3A_293 : memref<128xf32, #tpu.memory_space<vmem>>)
    %dma_wait3A_299 = arith.constant 12 : i32
    %dma_wait3A_300 = arith.constant 12 : i32
    %dma_wait3A_301 = arith.constant 0 : i32
    %dma_wait3A_302 = tpu.memref_slice %arg6[%dma_wait3A_300, %dma_wait3A_301] : memref<64x128xf32, #tpu.memory_space<vmem>> -> memref<1x128xf32, #tpu.memory_space<vmem>>
    %dma_wait3A_303 = tpu.memref_squeeze %dma_wait3A_302 : memref<1x128xf32, #tpu.memory_space<vmem>> -> memref<128xf32, #tpu.memory_space<vmem>>
    %dma_wait3A_304 = arith.constant 0 : i32
    %dma_wait3A_305 = tpu.memref_slice %arg5[%dma_wait3A_299, %dma_wait3A_304] : memref<64x128xi32, #tpu.memory_space<vmem>> -> memref<1x128xi32, #tpu.memory_space<vmem>>
    %dma_wait3A_306 = tpu.memref_squeeze %dma_wait3A_305 : memref<1x128xi32, #tpu.memory_space<vmem>> -> memref<128xi32, #tpu.memory_space<vmem>>
    %dma_wait3A_307 = arith.constant 0 : i32
    %dma_wait3A_308 = tpu.memref_slice %arg3[%dma_wait3A_307] : memref<9600016xf32, #tpu.memory_space<hbm>> -> memref<9600016xf32, #tpu.memory_space<hbm>>
    tpu.wait_indirect_dma semaphore(%arg7 : memref<!tpu.dma_semaphore, #tpu.memory_space<semaphore_mem>>) src(%dma_wait3A_308 : memref<9600016xf32, #tpu.memory_space<hbm>>) dst(%dma_wait3A_303 : memref<128xf32, #tpu.memory_space<vmem>>)
    %dma_wait3A_309 = arith.constant 13 : i32
    %dma_wait3A_310 = arith.constant 13 : i32
    %dma_wait3A_311 = arith.constant 0 : i32
    %dma_wait3A_312 = tpu.memref_slice %arg6[%dma_wait3A_310, %dma_wait3A_311] : memref<64x128xf32, #tpu.memory_space<vmem>> -> memref<1x128xf32, #tpu.memory_space<vmem>>
    %dma_wait3A_313 = tpu.memref_squeeze %dma_wait3A_312 : memref<1x128xf32, #tpu.memory_space<vmem>> -> memref<128xf32, #tpu.memory_space<vmem>>
    %dma_wait3A_314 = arith.constant 0 : i32
    %dma_wait3A_315 = tpu.memref_slice %arg5[%dma_wait3A_309, %dma_wait3A_314] : memref<64x128xi32, #tpu.memory_space<vmem>> -> memref<1x128xi32, #tpu.memory_space<vmem>>
    %dma_wait3A_316 = tpu.memref_squeeze %dma_wait3A_315 : memref<1x128xi32, #tpu.memory_space<vmem>> -> memref<128xi32, #tpu.memory_space<vmem>>
    %dma_wait3A_317 = arith.constant 0 : i32
    %dma_wait3A_318 = tpu.memref_slice %arg3[%dma_wait3A_317] : memref<9600016xf32, #tpu.memory_space<hbm>> -> memref<9600016xf32, #tpu.memory_space<hbm>>
    tpu.wait_indirect_dma semaphore(%arg7 : memref<!tpu.dma_semaphore, #tpu.memory_space<semaphore_mem>>) src(%dma_wait3A_318 : memref<9600016xf32, #tpu.memory_space<hbm>>) dst(%dma_wait3A_313 : memref<128xf32, #tpu.memory_space<vmem>>)
    %dma_wait3A_319 = arith.constant 14 : i32
    %dma_wait3A_320 = arith.constant 14 : i32
    %dma_wait3A_321 = arith.constant 0 : i32
    %dma_wait3A_322 = tpu.memref_slice %arg6[%dma_wait3A_320, %dma_wait3A_321] : memref<64x128xf32, #tpu.memory_space<vmem>> -> memref<1x128xf32, #tpu.memory_space<vmem>>
    %dma_wait3A_323 = tpu.memref_squeeze %dma_wait3A_322 : memref<1x128xf32, #tpu.memory_space<vmem>> -> memref<128xf32, #tpu.memory_space<vmem>>
    %dma_wait3A_324 = arith.constant 0 : i32
    %dma_wait3A_325 = tpu.memref_slice %arg5[%dma_wait3A_319, %dma_wait3A_324] : memref<64x128xi32, #tpu.memory_space<vmem>> -> memref<1x128xi32, #tpu.memory_space<vmem>>
    %dma_wait3A_326 = tpu.memref_squeeze %dma_wait3A_325 : memref<1x128xi32, #tpu.memory_space<vmem>> -> memref<128xi32, #tpu.memory_space<vmem>>
    %dma_wait3A_327 = arith.constant 0 : i32
    %dma_wait3A_328 = tpu.memref_slice %arg3[%dma_wait3A_327] : memref<9600016xf32, #tpu.memory_space<hbm>> -> memref<9600016xf32, #tpu.memory_space<hbm>>
    tpu.wait_indirect_dma semaphore(%arg7 : memref<!tpu.dma_semaphore, #tpu.memory_space<semaphore_mem>>) src(%dma_wait3A_328 : memref<9600016xf32, #tpu.memory_space<hbm>>) dst(%dma_wait3A_323 : memref<128xf32, #tpu.memory_space<vmem>>)
    %dma_wait3A_329 = arith.constant 15 : i32
    %dma_wait3A_330 = arith.constant 15 : i32
    %dma_wait3A_331 = arith.constant 0 : i32
    %dma_wait3A_332 = tpu.memref_slice %arg6[%dma_wait3A_330, %dma_wait3A_331] : memref<64x128xf32, #tpu.memory_space<vmem>> -> memref<1x128xf32, #tpu.memory_space<vmem>>
    %dma_wait3A_333 = tpu.memref_squeeze %dma_wait3A_332 : memref<1x128xf32, #tpu.memory_space<vmem>> -> memref<128xf32, #tpu.memory_space<vmem>>
    %dma_wait3A_334 = arith.constant 0 : i32
    %dma_wait3A_335 = tpu.memref_slice %arg5[%dma_wait3A_329, %dma_wait3A_334] : memref<64x128xi32, #tpu.memory_space<vmem>> -> memref<1x128xi32, #tpu.memory_space<vmem>>
    %dma_wait3A_336 = tpu.memref_squeeze %dma_wait3A_335 : memref<1x128xi32, #tpu.memory_space<vmem>> -> memref<128xi32, #tpu.memory_space<vmem>>
    %dma_wait3A_337 = arith.constant 0 : i32
    %dma_wait3A_338 = tpu.memref_slice %arg3[%dma_wait3A_337] : memref<9600016xf32, #tpu.memory_space<hbm>> -> memref<9600016xf32, #tpu.memory_space<hbm>>
    tpu.wait_indirect_dma semaphore(%arg7 : memref<!tpu.dma_semaphore, #tpu.memory_space<semaphore_mem>>) src(%dma_wait3A_338 : memref<9600016xf32, #tpu.memory_space<hbm>>) dst(%dma_wait3A_333 : memref<128xf32, #tpu.memory_space<vmem>>)
    %dma_start3A_339 = arith.constant 16 : i32
    %dma_start3A_340 = arith.constant 16 : i32
    %dma_start3A_341 = arith.constant 0 : i32
    %dma_start3A_342 = tpu.memref_slice %arg6[%dma_start3A_340, %dma_start3A_341] : memref<64x128xf32, #tpu.memory_space<vmem>> -> memref<1x128xf32, #tpu.memory_space<vmem>>
    %dma_start3A_343 = tpu.memref_squeeze %dma_start3A_342 : memref<1x128xf32, #tpu.memory_space<vmem>> -> memref<128xf32, #tpu.memory_space<vmem>>
    %dma_start3A_344 = arith.constant 0 : i32
    %dma_start3A_345 = tpu.memref_slice %arg5[%dma_start3A_339, %dma_start3A_344] : memref<64x128xi32, #tpu.memory_space<vmem>> -> memref<1x128xi32, #tpu.memory_space<vmem>>
    %dma_start3A_346 = tpu.memref_squeeze %dma_start3A_345 : memref<1x128xi32, #tpu.memory_space<vmem>> -> memref<128xi32, #tpu.memory_space<vmem>>
    %dma_start3A_347 = arith.constant 0 : i32
    %dma_start3A_348 = tpu.memref_slice %arg3[%dma_start3A_347] : memref<9600016xf32, #tpu.memory_space<hbm>> -> memref<9600016xf32, #tpu.memory_space<hbm>>
    tpu.enqueue_indirect_dma source(%dma_start3A_348 : memref<9600016xf32, #tpu.memory_space<hbm>>) target(%dma_start3A_343 : memref<128xf32, #tpu.memory_space<vmem>>) offsets(%dma_start3A_346 : memref<128xi32, #tpu.memory_space<vmem>>) semaphore(%arg7 : memref<!tpu.dma_semaphore, #tpu.memory_space<semaphore_mem>>)
    %dma_start3A_349 = arith.constant 17 : i32
    %dma_start3A_350 = arith.constant 17 : i32
    %dma_start3A_351 = arith.constant 0 : i32
    %dma_start3A_352 = tpu.memref_slice %arg6[%dma_start3A_350, %dma_start3A_351] : memref<64x128xf32, #tpu.memory_space<vmem>> -> memref<1x128xf32, #tpu.memory_space<vmem>>
    %dma_start3A_353 = tpu.memref_squeeze %dma_start3A_352 : memref<1x128xf32, #tpu.memory_space<vmem>> -> memref<128xf32, #tpu.memory_space<vmem>>
    %dma_start3A_354 = arith.constant 0 : i32
    %dma_start3A_355 = tpu.memref_slice %arg5[%dma_start3A_349, %dma_start3A_354] : memref<64x128xi32, #tpu.memory_space<vmem>> -> memref<1x128xi32, #tpu.memory_space<vmem>>
    %dma_start3A_356 = tpu.memref_squeeze %dma_start3A_355 : memref<1x128xi32, #tpu.memory_space<vmem>> -> memref<128xi32, #tpu.memory_space<vmem>>
    %dma_start3A_357 = arith.constant 0 : i32
    %dma_start3A_358 = tpu.memref_slice %arg3[%dma_start3A_357] : memref<9600016xf32, #tpu.memory_space<hbm>> -> memref<9600016xf32, #tpu.memory_space<hbm>>
    tpu.enqueue_indirect_dma source(%dma_start3A_358 : memref<9600016xf32, #tpu.memory_space<hbm>>) target(%dma_start3A_353 : memref<128xf32, #tpu.memory_space<vmem>>) offsets(%dma_start3A_356 : memref<128xi32, #tpu.memory_space<vmem>>) semaphore(%arg7 : memref<!tpu.dma_semaphore, #tpu.memory_space<semaphore_mem>>)
    %dma_start3A_359 = arith.constant 18 : i32
    %dma_start3A_360 = arith.constant 18 : i32
    %dma_start3A_361 = arith.constant 0 : i32
    %dma_start3A_362 = tpu.memref_slice %arg6[%dma_start3A_360, %dma_start3A_361] : memref<64x128xf32, #tpu.memory_space<vmem>> -> memref<1x128xf32, #tpu.memory_space<vmem>>
    %dma_start3A_363 = tpu.memref_squeeze %dma_start3A_362 : memref<1x128xf32, #tpu.memory_space<vmem>> -> memref<128xf32, #tpu.memory_space<vmem>>
    %dma_start3A_364 = arith.constant 0 : i32
    %dma_start3A_365 = tpu.memref_slice %arg5[%dma_start3A_359, %dma_start3A_364] : memref<64x128xi32, #tpu.memory_space<vmem>> -> memref<1x128xi32, #tpu.memory_space<vmem>>
    %dma_start3A_366 = tpu.memref_squeeze %dma_start3A_365 : memref<1x128xi32, #tpu.memory_space<vmem>> -> memref<128xi32, #tpu.memory_space<vmem>>
    %dma_start3A_367 = arith.constant 0 : i32
    %dma_start3A_368 = tpu.memref_slice %arg3[%dma_start3A_367] : memref<9600016xf32, #tpu.memory_space<hbm>> -> memref<9600016xf32, #tpu.memory_space<hbm>>
    tpu.enqueue_indirect_dma source(%dma_start3A_368 : memref<9600016xf32, #tpu.memory_space<hbm>>) target(%dma_start3A_363 : memref<128xf32, #tpu.memory_space<vmem>>) offsets(%dma_start3A_366 : memref<128xi32, #tpu.memory_space<vmem>>) semaphore(%arg7 : memref<!tpu.dma_semaphore, #tpu.memory_space<semaphore_mem>>)
    %dma_start3A_369 = arith.constant 19 : i32
    %dma_start3A_370 = arith.constant 19 : i32
    %dma_start3A_371 = arith.constant 0 : i32
    %dma_start3A_372 = tpu.memref_slice %arg6[%dma_start3A_370, %dma_start3A_371] : memref<64x128xf32, #tpu.memory_space<vmem>> -> memref<1x128xf32, #tpu.memory_space<vmem>>
    %dma_start3A_373 = tpu.memref_squeeze %dma_start3A_372 : memref<1x128xf32, #tpu.memory_space<vmem>> -> memref<128xf32, #tpu.memory_space<vmem>>
    %dma_start3A_374 = arith.constant 0 : i32
    %dma_start3A_375 = tpu.memref_slice %arg5[%dma_start3A_369, %dma_start3A_374] : memref<64x128xi32, #tpu.memory_space<vmem>> -> memref<1x128xi32, #tpu.memory_space<vmem>>
    %dma_start3A_376 = tpu.memref_squeeze %dma_start3A_375 : memref<1x128xi32, #tpu.memory_space<vmem>> -> memref<128xi32, #tpu.memory_space<vmem>>
    %dma_start3A_377 = arith.constant 0 : i32
    %dma_start3A_378 = tpu.memref_slice %arg3[%dma_start3A_377] : memref<9600016xf32, #tpu.memory_space<hbm>> -> memref<9600016xf32, #tpu.memory_space<hbm>>
    tpu.enqueue_indirect_dma source(%dma_start3A_378 : memref<9600016xf32, #tpu.memory_space<hbm>>) target(%dma_start3A_373 : memref<128xf32, #tpu.memory_space<vmem>>) offsets(%dma_start3A_376 : memref<128xi32, #tpu.memory_space<vmem>>) semaphore(%arg7 : memref<!tpu.dma_semaphore, #tpu.memory_space<semaphore_mem>>)
    %dma_start3A_379 = arith.constant 20 : i32
    %dma_start3A_380 = arith.constant 20 : i32
    %dma_start3A_381 = arith.constant 0 : i32
    %dma_start3A_382 = tpu.memref_slice %arg6[%dma_start3A_380, %dma_start3A_381] : memref<64x128xf32, #tpu.memory_space<vmem>> -> memref<1x128xf32, #tpu.memory_space<vmem>>
    %dma_start3A_383 = tpu.memref_squeeze %dma_start3A_382 : memref<1x128xf32, #tpu.memory_space<vmem>> -> memref<128xf32, #tpu.memory_space<vmem>>
    %dma_start3A_384 = arith.constant 0 : i32
    %dma_start3A_385 = tpu.memref_slice %arg5[%dma_start3A_379, %dma_start3A_384] : memref<64x128xi32, #tpu.memory_space<vmem>> -> memref<1x128xi32, #tpu.memory_space<vmem>>
    %dma_start3A_386 = tpu.memref_squeeze %dma_start3A_385 : memref<1x128xi32, #tpu.memory_space<vmem>> -> memref<128xi32, #tpu.memory_space<vmem>>
    %dma_start3A_387 = arith.constant 0 : i32
    %dma_start3A_388 = tpu.memref_slice %arg3[%dma_start3A_387] : memref<9600016xf32, #tpu.memory_space<hbm>> -> memref<9600016xf32, #tpu.memory_space<hbm>>
    tpu.enqueue_indirect_dma source(%dma_start3A_388 : memref<9600016xf32, #tpu.memory_space<hbm>>) target(%dma_start3A_383 : memref<128xf32, #tpu.memory_space<vmem>>) offsets(%dma_start3A_386 : memref<128xi32, #tpu.memory_space<vmem>>) semaphore(%arg7 : memref<!tpu.dma_semaphore, #tpu.memory_space<semaphore_mem>>)
    %dma_start3A_389 = arith.constant 21 : i32
    %dma_start3A_390 = arith.constant 21 : i32
    %dma_start3A_391 = arith.constant 0 : i32
    %dma_start3A_392 = tpu.memref_slice %arg6[%dma_start3A_390, %dma_start3A_391] : memref<64x128xf32, #tpu.memory_space<vmem>> -> memref<1x128xf32, #tpu.memory_space<vmem>>
    %dma_start3A_393 = tpu.memref_squeeze %dma_start3A_392 : memref<1x128xf32, #tpu.memory_space<vmem>> -> memref<128xf32, #tpu.memory_space<vmem>>
    %dma_start3A_394 = arith.constant 0 : i32
    %dma_start3A_395 = tpu.memref_slice %arg5[%dma_start3A_389, %dma_start3A_394] : memref<64x128xi32, #tpu.memory_space<vmem>> -> memref<1x128xi32, #tpu.memory_space<vmem>>
    %dma_start3A_396 = tpu.memref_squeeze %dma_start3A_395 : memref<1x128xi32, #tpu.memory_space<vmem>> -> memref<128xi32, #tpu.memory_space<vmem>>
    %dma_start3A_397 = arith.constant 0 : i32
    %dma_start3A_398 = tpu.memref_slice %arg3[%dma_start3A_397] : memref<9600016xf32, #tpu.memory_space<hbm>> -> memref<9600016xf32, #tpu.memory_space<hbm>>
    tpu.enqueue_indirect_dma source(%dma_start3A_398 : memref<9600016xf32, #tpu.memory_space<hbm>>) target(%dma_start3A_393 : memref<128xf32, #tpu.memory_space<vmem>>) offsets(%dma_start3A_396 : memref<128xi32, #tpu.memory_space<vmem>>) semaphore(%arg7 : memref<!tpu.dma_semaphore, #tpu.memory_space<semaphore_mem>>)
    %dma_start3A_399 = arith.constant 22 : i32
    %dma_start3A_400 = arith.constant 22 : i32
    %dma_start3A_401 = arith.constant 0 : i32
    %dma_start3A_402 = tpu.memref_slice %arg6[%dma_start3A_400, %dma_start3A_401] : memref<64x128xf32, #tpu.memory_space<vmem>> -> memref<1x128xf32, #tpu.memory_space<vmem>>
    %dma_start3A_403 = tpu.memref_squeeze %dma_start3A_402 : memref<1x128xf32, #tpu.memory_space<vmem>> -> memref<128xf32, #tpu.memory_space<vmem>>
    %dma_start3A_404 = arith.constant 0 : i32
    %dma_start3A_405 = tpu.memref_slice %arg5[%dma_start3A_399, %dma_start3A_404] : memref<64x128xi32, #tpu.memory_space<vmem>> -> memref<1x128xi32, #tpu.memory_space<vmem>>
    %dma_start3A_406 = tpu.memref_squeeze %dma_start3A_405 : memref<1x128xi32, #tpu.memory_space<vmem>> -> memref<128xi32, #tpu.memory_space<vmem>>
    %dma_start3A_407 = arith.constant 0 : i32
    %dma_start3A_408 = tpu.memref_slice %arg3[%dma_start3A_407] : memref<9600016xf32, #tpu.memory_space<hbm>> -> memref<9600016xf32, #tpu.memory_space<hbm>>
    tpu.enqueue_indirect_dma source(%dma_start3A_408 : memref<9600016xf32, #tpu.memory_space<hbm>>) target(%dma_start3A_403 : memref<128xf32, #tpu.memory_space<vmem>>) offsets(%dma_start3A_406 : memref<128xi32, #tpu.memory_space<vmem>>) semaphore(%arg7 : memref<!tpu.dma_semaphore, #tpu.memory_space<semaphore_mem>>)
    %dma_start3A_409 = arith.constant 23 : i32
    %dma_start3A_410 = arith.constant 23 : i32
    %dma_start3A_411 = arith.constant 0 : i32
    %dma_start3A_412 = tpu.memref_slice %arg6[%dma_start3A_410, %dma_start3A_411] : memref<64x128xf32, #tpu.memory_space<vmem>> -> memref<1x128xf32, #tpu.memory_space<vmem>>
    %dma_start3A_413 = tpu.memref_squeeze %dma_start3A_412 : memref<1x128xf32, #tpu.memory_space<vmem>> -> memref<128xf32, #tpu.memory_space<vmem>>
    %dma_start3A_414 = arith.constant 0 : i32
    %dma_start3A_415 = tpu.memref_slice %arg5[%dma_start3A_409, %dma_start3A_414] : memref<64x128xi32, #tpu.memory_space<vmem>> -> memref<1x128xi32, #tpu.memory_space<vmem>>
    %dma_start3A_416 = tpu.memref_squeeze %dma_start3A_415 : memref<1x128xi32, #tpu.memory_space<vmem>> -> memref<128xi32, #tpu.memory_space<vmem>>
    %dma_start3A_417 = arith.constant 0 : i32
    %dma_start3A_418 = tpu.memref_slice %arg3[%dma_start3A_417] : memref<9600016xf32, #tpu.memory_space<hbm>> -> memref<9600016xf32, #tpu.memory_space<hbm>>
    tpu.enqueue_indirect_dma source(%dma_start3A_418 : memref<9600016xf32, #tpu.memory_space<hbm>>) target(%dma_start3A_413 : memref<128xf32, #tpu.memory_space<vmem>>) offsets(%dma_start3A_416 : memref<128xi32, #tpu.memory_space<vmem>>) semaphore(%arg7 : memref<!tpu.dma_semaphore, #tpu.memory_space<semaphore_mem>>)
    %dma_start3A_419 = arith.constant 24 : i32
    %dma_start3A_420 = arith.constant 24 : i32
    %dma_start3A_421 = arith.constant 0 : i32
    %dma_start3A_422 = tpu.memref_slice %arg6[%dma_start3A_420, %dma_start3A_421] : memref<64x128xf32, #tpu.memory_space<vmem>> -> memref<1x128xf32, #tpu.memory_space<vmem>>
    %dma_start3A_423 = tpu.memref_squeeze %dma_start3A_422 : memref<1x128xf32, #tpu.memory_space<vmem>> -> memref<128xf32, #tpu.memory_space<vmem>>
    %dma_start3A_424 = arith.constant 0 : i32
    %dma_start3A_425 = tpu.memref_slice %arg5[%dma_start3A_419, %dma_start3A_424] : memref<64x128xi32, #tpu.memory_space<vmem>> -> memref<1x128xi32, #tpu.memory_space<vmem>>
    %dma_start3A_426 = tpu.memref_squeeze %dma_start3A_425 : memref<1x128xi32, #tpu.memory_space<vmem>> -> memref<128xi32, #tpu.memory_space<vmem>>
    %dma_start3A_427 = arith.constant 0 : i32
    %dma_start3A_428 = tpu.memref_slice %arg3[%dma_start3A_427] : memref<9600016xf32, #tpu.memory_space<hbm>> -> memref<9600016xf32, #tpu.memory_space<hbm>>
    tpu.enqueue_indirect_dma source(%dma_start3A_428 : memref<9600016xf32, #tpu.memory_space<hbm>>) target(%dma_start3A_423 : memref<128xf32, #tpu.memory_space<vmem>>) offsets(%dma_start3A_426 : memref<128xi32, #tpu.memory_space<vmem>>) semaphore(%arg7 : memref<!tpu.dma_semaphore, #tpu.memory_space<semaphore_mem>>)
    %dma_start3A_429 = arith.constant 25 : i32
    %dma_start3A_430 = arith.constant 25 : i32
    %dma_start3A_431 = arith.constant 0 : i32
    %dma_start3A_432 = tpu.memref_slice %arg6[%dma_start3A_430, %dma_start3A_431] : memref<64x128xf32, #tpu.memory_space<vmem>> -> memref<1x128xf32, #tpu.memory_space<vmem>>
    %dma_start3A_433 = tpu.memref_squeeze %dma_start3A_432 : memref<1x128xf32, #tpu.memory_space<vmem>> -> memref<128xf32, #tpu.memory_space<vmem>>
    %dma_start3A_434 = arith.constant 0 : i32
    %dma_start3A_435 = tpu.memref_slice %arg5[%dma_start3A_429, %dma_start3A_434] : memref<64x128xi32, #tpu.memory_space<vmem>> -> memref<1x128xi32, #tpu.memory_space<vmem>>
    %dma_start3A_436 = tpu.memref_squeeze %dma_start3A_435 : memref<1x128xi32, #tpu.memory_space<vmem>> -> memref<128xi32, #tpu.memory_space<vmem>>
    %dma_start3A_437 = arith.constant 0 : i32
    %dma_start3A_438 = tpu.memref_slice %arg3[%dma_start3A_437] : memref<9600016xf32, #tpu.memory_space<hbm>> -> memref<9600016xf32, #tpu.memory_space<hbm>>
    tpu.enqueue_indirect_dma source(%dma_start3A_438 : memref<9600016xf32, #tpu.memory_space<hbm>>) target(%dma_start3A_433 : memref<128xf32, #tpu.memory_space<vmem>>) offsets(%dma_start3A_436 : memref<128xi32, #tpu.memory_space<vmem>>) semaphore(%arg7 : memref<!tpu.dma_semaphore, #tpu.memory_space<semaphore_mem>>)
    %dma_start3A_439 = arith.constant 26 : i32
    %dma_start3A_440 = arith.constant 26 : i32
    %dma_start3A_441 = arith.constant 0 : i32
    %dma_start3A_442 = tpu.memref_slice %arg6[%dma_start3A_440, %dma_start3A_441] : memref<64x128xf32, #tpu.memory_space<vmem>> -> memref<1x128xf32, #tpu.memory_space<vmem>>
    %dma_start3A_443 = tpu.memref_squeeze %dma_start3A_442 : memref<1x128xf32, #tpu.memory_space<vmem>> -> memref<128xf32, #tpu.memory_space<vmem>>
    %dma_start3A_444 = arith.constant 0 : i32
    %dma_start3A_445 = tpu.memref_slice %arg5[%dma_start3A_439, %dma_start3A_444] : memref<64x128xi32, #tpu.memory_space<vmem>> -> memref<1x128xi32, #tpu.memory_space<vmem>>
    %dma_start3A_446 = tpu.memref_squeeze %dma_start3A_445 : memref<1x128xi32, #tpu.memory_space<vmem>> -> memref<128xi32, #tpu.memory_space<vmem>>
    %dma_start3A_447 = arith.constant 0 : i32
    %dma_start3A_448 = tpu.memref_slice %arg3[%dma_start3A_447] : memref<9600016xf32, #tpu.memory_space<hbm>> -> memref<9600016xf32, #tpu.memory_space<hbm>>
    tpu.enqueue_indirect_dma source(%dma_start3A_448 : memref<9600016xf32, #tpu.memory_space<hbm>>) target(%dma_start3A_443 : memref<128xf32, #tpu.memory_space<vmem>>) offsets(%dma_start3A_446 : memref<128xi32, #tpu.memory_space<vmem>>) semaphore(%arg7 : memref<!tpu.dma_semaphore, #tpu.memory_space<semaphore_mem>>)
    %dma_start3A_449 = arith.constant 27 : i32
    %dma_start3A_450 = arith.constant 27 : i32
    %dma_start3A_451 = arith.constant 0 : i32
    %dma_start3A_452 = tpu.memref_slice %arg6[%dma_start3A_450, %dma_start3A_451] : memref<64x128xf32, #tpu.memory_space<vmem>> -> memref<1x128xf32, #tpu.memory_space<vmem>>
    %dma_start3A_453 = tpu.memref_squeeze %dma_start3A_452 : memref<1x128xf32, #tpu.memory_space<vmem>> -> memref<128xf32, #tpu.memory_space<vmem>>
    %dma_start3A_454 = arith.constant 0 : i32
    %dma_start3A_455 = tpu.memref_slice %arg5[%dma_start3A_449, %dma_start3A_454] : memref<64x128xi32, #tpu.memory_space<vmem>> -> memref<1x128xi32, #tpu.memory_space<vmem>>
    %dma_start3A_456 = tpu.memref_squeeze %dma_start3A_455 : memref<1x128xi32, #tpu.memory_space<vmem>> -> memref<128xi32, #tpu.memory_space<vmem>>
    %dma_start3A_457 = arith.constant 0 : i32
    %dma_start3A_458 = tpu.memref_slice %arg3[%dma_start3A_457] : memref<9600016xf32, #tpu.memory_space<hbm>> -> memref<9600016xf32, #tpu.memory_space<hbm>>
    tpu.enqueue_indirect_dma source(%dma_start3A_458 : memref<9600016xf32, #tpu.memory_space<hbm>>) target(%dma_start3A_453 : memref<128xf32, #tpu.memory_space<vmem>>) offsets(%dma_start3A_456 : memref<128xi32, #tpu.memory_space<vmem>>) semaphore(%arg7 : memref<!tpu.dma_semaphore, #tpu.memory_space<semaphore_mem>>)
    %dma_start3A_459 = arith.constant 28 : i32
    %dma_start3A_460 = arith.constant 28 : i32
    %dma_start3A_461 = arith.constant 0 : i32
    %dma_start3A_462 = tpu.memref_slice %arg6[%dma_start3A_460, %dma_start3A_461] : memref<64x128xf32, #tpu.memory_space<vmem>> -> memref<1x128xf32, #tpu.memory_space<vmem>>
    %dma_start3A_463 = tpu.memref_squeeze %dma_start3A_462 : memref<1x128xf32, #tpu.memory_space<vmem>> -> memref<128xf32, #tpu.memory_space<vmem>>
    %dma_start3A_464 = arith.constant 0 : i32
    %dma_start3A_465 = tpu.memref_slice %arg5[%dma_start3A_459, %dma_start3A_464] : memref<64x128xi32, #tpu.memory_space<vmem>> -> memref<1x128xi32, #tpu.memory_space<vmem>>
    %dma_start3A_466 = tpu.memref_squeeze %dma_start3A_465 : memref<1x128xi32, #tpu.memory_space<vmem>> -> memref<128xi32, #tpu.memory_space<vmem>>
    %dma_start3A_467 = arith.constant 0 : i32
    %dma_start3A_468 = tpu.memref_slice %arg3[%dma_start3A_467] : memref<9600016xf32, #tpu.memory_space<hbm>> -> memref<9600016xf32, #tpu.memory_space<hbm>>
    tpu.enqueue_indirect_dma source(%dma_start3A_468 : memref<9600016xf32, #tpu.memory_space<hbm>>) target(%dma_start3A_463 : memref<128xf32, #tpu.memory_space<vmem>>) offsets(%dma_start3A_466 : memref<128xi32, #tpu.memory_space<vmem>>) semaphore(%arg7 : memref<!tpu.dma_semaphore, #tpu.memory_space<semaphore_mem>>)
    %dma_start3A_469 = arith.constant 29 : i32
    %dma_start3A_470 = arith.constant 29 : i32
    %dma_start3A_471 = arith.constant 0 : i32
    %dma_start3A_472 = tpu.memref_slice %arg6[%dma_start3A_470, %dma_start3A_471] : memref<64x128xf32, #tpu.memory_space<vmem>> -> memref<1x128xf32, #tpu.memory_space<vmem>>
    %dma_start3A_473 = tpu.memref_squeeze %dma_start3A_472 : memref<1x128xf32, #tpu.memory_space<vmem>> -> memref<128xf32, #tpu.memory_space<vmem>>
    %dma_start3A_474 = arith.constant 0 : i32
    %dma_start3A_475 = tpu.memref_slice %arg5[%dma_start3A_469, %dma_start3A_474] : memref<64x128xi32, #tpu.memory_space<vmem>> -> memref<1x128xi32, #tpu.memory_space<vmem>>
    %dma_start3A_476 = tpu.memref_squeeze %dma_start3A_475 : memref<1x128xi32, #tpu.memory_space<vmem>> -> memref<128xi32, #tpu.memory_space<vmem>>
    %dma_start3A_477 = arith.constant 0 : i32
    %dma_start3A_478 = tpu.memref_slice %arg3[%dma_start3A_477] : memref<9600016xf32, #tpu.memory_space<hbm>> -> memref<9600016xf32, #tpu.memory_space<hbm>>
    tpu.enqueue_indirect_dma source(%dma_start3A_478 : memref<9600016xf32, #tpu.memory_space<hbm>>) target(%dma_start3A_473 : memref<128xf32, #tpu.memory_space<vmem>>) offsets(%dma_start3A_476 : memref<128xi32, #tpu.memory_space<vmem>>) semaphore(%arg7 : memref<!tpu.dma_semaphore, #tpu.memory_space<semaphore_mem>>)
    %dma_start3A_479 = arith.constant 30 : i32
    %dma_start3A_480 = arith.constant 30 : i32
    %dma_start3A_481 = arith.constant 0 : i32
    %dma_start3A_482 = tpu.memref_slice %arg6[%dma_start3A_480, %dma_start3A_481] : memref<64x128xf32, #tpu.memory_space<vmem>> -> memref<1x128xf32, #tpu.memory_space<vmem>>
    %dma_start3A_483 = tpu.memref_squeeze %dma_start3A_482 : memref<1x128xf32, #tpu.memory_space<vmem>> -> memref<128xf32, #tpu.memory_space<vmem>>
    %dma_start3A_484 = arith.constant 0 : i32
    %dma_start3A_485 = tpu.memref_slice %arg5[%dma_start3A_479, %dma_start3A_484] : memref<64x128xi32, #tpu.memory_space<vmem>> -> memref<1x128xi32, #tpu.memory_space<vmem>>
    %dma_start3A_486 = tpu.memref_squeeze %dma_start3A_485 : memref<1x128xi32, #tpu.memory_space<vmem>> -> memref<128xi32, #tpu.memory_space<vmem>>
    %dma_start3A_487 = arith.constant 0 : i32
    %dma_start3A_488 = tpu.memref_slice %arg3[%dma_start3A_487] : memref<9600016xf32, #tpu.memory_space<hbm>> -> memref<9600016xf32, #tpu.memory_space<hbm>>
    tpu.enqueue_indirect_dma source(%dma_start3A_488 : memref<9600016xf32, #tpu.memory_space<hbm>>) target(%dma_start3A_483 : memref<128xf32, #tpu.memory_space<vmem>>) offsets(%dma_start3A_486 : memref<128xi32, #tpu.memory_space<vmem>>) semaphore(%arg7 : memref<!tpu.dma_semaphore, #tpu.memory_space<semaphore_mem>>)
    %dma_start3A_489 = arith.constant 31 : i32
    %dma_start3A_490 = arith.constant 31 : i32
    %dma_start3A_491 = arith.constant 0 : i32
    %dma_start3A_492 = tpu.memref_slice %arg6[%dma_start3A_490, %dma_start3A_491] : memref<64x128xf32, #tpu.memory_space<vmem>> -> memref<1x128xf32, #tpu.memory_space<vmem>>
    %dma_start3A_493 = tpu.memref_squeeze %dma_start3A_492 : memref<1x128xf32, #tpu.memory_space<vmem>> -> memref<128xf32, #tpu.memory_space<vmem>>
    %dma_start3A_494 = arith.constant 0 : i32
    %dma_start3A_495 = tpu.memref_slice %arg5[%dma_start3A_489, %dma_start3A_494] : memref<64x128xi32, #tpu.memory_space<vmem>> -> memref<1x128xi32, #tpu.memory_space<vmem>>
    %dma_start3A_496 = tpu.memref_squeeze %dma_start3A_495 : memref<1x128xi32, #tpu.memory_space<vmem>> -> memref<128xi32, #tpu.memory_space<vmem>>
    %dma_start3A_497 = arith.constant 0 : i32
    %dma_start3A_498 = tpu.memref_slice %arg3[%dma_start3A_497] : memref<9600016xf32, #tpu.memory_space<hbm>> -> memref<9600016xf32, #tpu.memory_space<hbm>>
    tpu.enqueue_indirect_dma source(%dma_start3A_498 : memref<9600016xf32, #tpu.memory_space<hbm>>) target(%dma_start3A_493 : memref<128xf32, #tpu.memory_space<vmem>>) offsets(%dma_start3A_496 : memref<128xi32, #tpu.memory_space<vmem>>) semaphore(%arg7 : memref<!tpu.dma_semaphore, #tpu.memory_space<semaphore_mem>>)
    %dma_wait3A_499 = arith.constant 16 : i32
    %dma_wait3A_500 = arith.constant 16 : i32
    %dma_wait3A_501 = arith.constant 0 : i32
    %dma_wait3A_502 = tpu.memref_slice %arg6[%dma_wait3A_500, %dma_wait3A_501] : memref<64x128xf32, #tpu.memory_space<vmem>> -> memref<1x128xf32, #tpu.memory_space<vmem>>
    %dma_wait3A_503 = tpu.memref_squeeze %dma_wait3A_502 : memref<1x128xf32, #tpu.memory_space<vmem>> -> memref<128xf32, #tpu.memory_space<vmem>>
    %dma_wait3A_504 = arith.constant 0 : i32
    %dma_wait3A_505 = tpu.memref_slice %arg5[%dma_wait3A_499, %dma_wait3A_504] : memref<64x128xi32, #tpu.memory_space<vmem>> -> memref<1x128xi32, #tpu.memory_space<vmem>>
    %dma_wait3A_506 = tpu.memref_squeeze %dma_wait3A_505 : memref<1x128xi32, #tpu.memory_space<vmem>> -> memref<128xi32, #tpu.memory_space<vmem>>
    %dma_wait3A_507 = arith.constant 0 : i32
    %dma_wait3A_508 = tpu.memref_slice %arg3[%dma_wait3A_507] : memref<9600016xf32, #tpu.memory_space<hbm>> -> memref<9600016xf32, #tpu.memory_space<hbm>>
    tpu.wait_indirect_dma semaphore(%arg7 : memref<!tpu.dma_semaphore, #tpu.memory_space<semaphore_mem>>) src(%dma_wait3A_508 : memref<9600016xf32, #tpu.memory_space<hbm>>) dst(%dma_wait3A_503 : memref<128xf32, #tpu.memory_space<vmem>>)
    %dma_wait3A_509 = arith.constant 17 : i32
    %dma_wait3A_510 = arith.constant 17 : i32
    %dma_wait3A_511 = arith.constant 0 : i32
    %dma_wait3A_512 = tpu.memref_slice %arg6[%dma_wait3A_510, %dma_wait3A_511] : memref<64x128xf32, #tpu.memory_space<vmem>> -> memref<1x128xf32, #tpu.memory_space<vmem>>
    %dma_wait3A_513 = tpu.memref_squeeze %dma_wait3A_512 : memref<1x128xf32, #tpu.memory_space<vmem>> -> memref<128xf32, #tpu.memory_space<vmem>>
    %dma_wait3A_514 = arith.constant 0 : i32
    %dma_wait3A_515 = tpu.memref_slice %arg5[%dma_wait3A_509, %dma_wait3A_514] : memref<64x128xi32, #tpu.memory_space<vmem>> -> memref<1x128xi32, #tpu.memory_space<vmem>>
    %dma_wait3A_516 = tpu.memref_squeeze %dma_wait3A_515 : memref<1x128xi32, #tpu.memory_space<vmem>> -> memref<128xi32, #tpu.memory_space<vmem>>
    %dma_wait3A_517 = arith.constant 0 : i32
    %dma_wait3A_518 = tpu.memref_slice %arg3[%dma_wait3A_517] : memref<9600016xf32, #tpu.memory_space<hbm>> -> memref<9600016xf32, #tpu.memory_space<hbm>>
    tpu.wait_indirect_dma semaphore(%arg7 : memref<!tpu.dma_semaphore, #tpu.memory_space<semaphore_mem>>) src(%dma_wait3A_518 : memref<9600016xf32, #tpu.memory_space<hbm>>) dst(%dma_wait3A_513 : memref<128xf32, #tpu.memory_space<vmem>>)
    %dma_wait3A_519 = arith.constant 18 : i32
    %dma_wait3A_520 = arith.constant 18 : i32
    %dma_wait3A_521 = arith.constant 0 : i32
    %dma_wait3A_522 = tpu.memref_slice %arg6[%dma_wait3A_520, %dma_wait3A_521] : memref<64x128xf32, #tpu.memory_space<vmem>> -> memref<1x128xf32, #tpu.memory_space<vmem>>
    %dma_wait3A_523 = tpu.memref_squeeze %dma_wait3A_522 : memref<1x128xf32, #tpu.memory_space<vmem>> -> memref<128xf32, #tpu.memory_space<vmem>>
    %dma_wait3A_524 = arith.constant 0 : i32
    %dma_wait3A_525 = tpu.memref_slice %arg5[%dma_wait3A_519, %dma_wait3A_524] : memref<64x128xi32, #tpu.memory_space<vmem>> -> memref<1x128xi32, #tpu.memory_space<vmem>>
    %dma_wait3A_526 = tpu.memref_squeeze %dma_wait3A_525 : memref<1x128xi32, #tpu.memory_space<vmem>> -> memref<128xi32, #tpu.memory_space<vmem>>
    %dma_wait3A_527 = arith.constant 0 : i32
    %dma_wait3A_528 = tpu.memref_slice %arg3[%dma_wait3A_527] : memref<9600016xf32, #tpu.memory_space<hbm>> -> memref<9600016xf32, #tpu.memory_space<hbm>>
    tpu.wait_indirect_dma semaphore(%arg7 : memref<!tpu.dma_semaphore, #tpu.memory_space<semaphore_mem>>) src(%dma_wait3A_528 : memref<9600016xf32, #tpu.memory_space<hbm>>) dst(%dma_wait3A_523 : memref<128xf32, #tpu.memory_space<vmem>>)
    %dma_wait3A_529 = arith.constant 19 : i32
    %dma_wait3A_530 = arith.constant 19 : i32
    %dma_wait3A_531 = arith.constant 0 : i32
    %dma_wait3A_532 = tpu.memref_slice %arg6[%dma_wait3A_530, %dma_wait3A_531] : memref<64x128xf32, #tpu.memory_space<vmem>> -> memref<1x128xf32, #tpu.memory_space<vmem>>
    %dma_wait3A_533 = tpu.memref_squeeze %dma_wait3A_532 : memref<1x128xf32, #tpu.memory_space<vmem>> -> memref<128xf32, #tpu.memory_space<vmem>>
    %dma_wait3A_534 = arith.constant 0 : i32
    %dma_wait3A_535 = tpu.memref_slice %arg5[%dma_wait3A_529, %dma_wait3A_534] : memref<64x128xi32, #tpu.memory_space<vmem>> -> memref<1x128xi32, #tpu.memory_space<vmem>>
    %dma_wait3A_536 = tpu.memref_squeeze %dma_wait3A_535 : memref<1x128xi32, #tpu.memory_space<vmem>> -> memref<128xi32, #tpu.memory_space<vmem>>
    %dma_wait3A_537 = arith.constant 0 : i32
    %dma_wait3A_538 = tpu.memref_slice %arg3[%dma_wait3A_537] : memref<9600016xf32, #tpu.memory_space<hbm>> -> memref<9600016xf32, #tpu.memory_space<hbm>>
    tpu.wait_indirect_dma semaphore(%arg7 : memref<!tpu.dma_semaphore, #tpu.memory_space<semaphore_mem>>) src(%dma_wait3A_538 : memref<9600016xf32, #tpu.memory_space<hbm>>) dst(%dma_wait3A_533 : memref<128xf32, #tpu.memory_space<vmem>>)
    %dma_wait3A_539 = arith.constant 20 : i32
    %dma_wait3A_540 = arith.constant 20 : i32
    %dma_wait3A_541 = arith.constant 0 : i32
    %dma_wait3A_542 = tpu.memref_slice %arg6[%dma_wait3A_540, %dma_wait3A_541] : memref<64x128xf32, #tpu.memory_space<vmem>> -> memref<1x128xf32, #tpu.memory_space<vmem>>
    %dma_wait3A_543 = tpu.memref_squeeze %dma_wait3A_542 : memref<1x128xf32, #tpu.memory_space<vmem>> -> memref<128xf32, #tpu.memory_space<vmem>>
    %dma_wait3A_544 = arith.constant 0 : i32
    %dma_wait3A_545 = tpu.memref_slice %arg5[%dma_wait3A_539, %dma_wait3A_544] : memref<64x128xi32, #tpu.memory_space<vmem>> -> memref<1x128xi32, #tpu.memory_space<vmem>>
    %dma_wait3A_546 = tpu.memref_squeeze %dma_wait3A_545 : memref<1x128xi32, #tpu.memory_space<vmem>> -> memref<128xi32, #tpu.memory_space<vmem>>
    %dma_wait3A_547 = arith.constant 0 : i32
    %dma_wait3A_548 = tpu.memref_slice %arg3[%dma_wait3A_547] : memref<9600016xf32, #tpu.memory_space<hbm>> -> memref<9600016xf32, #tpu.memory_space<hbm>>
    tpu.wait_indirect_dma semaphore(%arg7 : memref<!tpu.dma_semaphore, #tpu.memory_space<semaphore_mem>>) src(%dma_wait3A_548 : memref<9600016xf32, #tpu.memory_space<hbm>>) dst(%dma_wait3A_543 : memref<128xf32, #tpu.memory_space<vmem>>)
    %dma_wait3A_549 = arith.constant 21 : i32
    %dma_wait3A_550 = arith.constant 21 : i32
    %dma_wait3A_551 = arith.constant 0 : i32
    %dma_wait3A_552 = tpu.memref_slice %arg6[%dma_wait3A_550, %dma_wait3A_551] : memref<64x128xf32, #tpu.memory_space<vmem>> -> memref<1x128xf32, #tpu.memory_space<vmem>>
    %dma_wait3A_553 = tpu.memref_squeeze %dma_wait3A_552 : memref<1x128xf32, #tpu.memory_space<vmem>> -> memref<128xf32, #tpu.memory_space<vmem>>
    %dma_wait3A_554 = arith.constant 0 : i32
    %dma_wait3A_555 = tpu.memref_slice %arg5[%dma_wait3A_549, %dma_wait3A_554] : memref<64x128xi32, #tpu.memory_space<vmem>> -> memref<1x128xi32, #tpu.memory_space<vmem>>
    %dma_wait3A_556 = tpu.memref_squeeze %dma_wait3A_555 : memref<1x128xi32, #tpu.memory_space<vmem>> -> memref<128xi32, #tpu.memory_space<vmem>>
    %dma_wait3A_557 = arith.constant 0 : i32
    %dma_wait3A_558 = tpu.memref_slice %arg3[%dma_wait3A_557] : memref<9600016xf32, #tpu.memory_space<hbm>> -> memref<9600016xf32, #tpu.memory_space<hbm>>
    tpu.wait_indirect_dma semaphore(%arg7 : memref<!tpu.dma_semaphore, #tpu.memory_space<semaphore_mem>>) src(%dma_wait3A_558 : memref<9600016xf32, #tpu.memory_space<hbm>>) dst(%dma_wait3A_553 : memref<128xf32, #tpu.memory_space<vmem>>)
    %dma_wait3A_559 = arith.constant 22 : i32
    %dma_wait3A_560 = arith.constant 22 : i32
    %dma_wait3A_561 = arith.constant 0 : i32
    %dma_wait3A_562 = tpu.memref_slice %arg6[%dma_wait3A_560, %dma_wait3A_561] : memref<64x128xf32, #tpu.memory_space<vmem>> -> memref<1x128xf32, #tpu.memory_space<vmem>>
    %dma_wait3A_563 = tpu.memref_squeeze %dma_wait3A_562 : memref<1x128xf32, #tpu.memory_space<vmem>> -> memref<128xf32, #tpu.memory_space<vmem>>
    %dma_wait3A_564 = arith.constant 0 : i32
    %dma_wait3A_565 = tpu.memref_slice %arg5[%dma_wait3A_559, %dma_wait3A_564] : memref<64x128xi32, #tpu.memory_space<vmem>> -> memref<1x128xi32, #tpu.memory_space<vmem>>
    %dma_wait3A_566 = tpu.memref_squeeze %dma_wait3A_565 : memref<1x128xi32, #tpu.memory_space<vmem>> -> memref<128xi32, #tpu.memory_space<vmem>>
    %dma_wait3A_567 = arith.constant 0 : i32
    %dma_wait3A_568 = tpu.memref_slice %arg3[%dma_wait3A_567] : memref<9600016xf32, #tpu.memory_space<hbm>> -> memref<9600016xf32, #tpu.memory_space<hbm>>
    tpu.wait_indirect_dma semaphore(%arg7 : memref<!tpu.dma_semaphore, #tpu.memory_space<semaphore_mem>>) src(%dma_wait3A_568 : memref<9600016xf32, #tpu.memory_space<hbm>>) dst(%dma_wait3A_563 : memref<128xf32, #tpu.memory_space<vmem>>)
    %dma_wait3A_569 = arith.constant 23 : i32
    %dma_wait3A_570 = arith.constant 23 : i32
    %dma_wait3A_571 = arith.constant 0 : i32
    %dma_wait3A_572 = tpu.memref_slice %arg6[%dma_wait3A_570, %dma_wait3A_571] : memref<64x128xf32, #tpu.memory_space<vmem>> -> memref<1x128xf32, #tpu.memory_space<vmem>>
    %dma_wait3A_573 = tpu.memref_squeeze %dma_wait3A_572 : memref<1x128xf32, #tpu.memory_space<vmem>> -> memref<128xf32, #tpu.memory_space<vmem>>
    %dma_wait3A_574 = arith.constant 0 : i32
    %dma_wait3A_575 = tpu.memref_slice %arg5[%dma_wait3A_569, %dma_wait3A_574] : memref<64x128xi32, #tpu.memory_space<vmem>> -> memref<1x128xi32, #tpu.memory_space<vmem>>
    %dma_wait3A_576 = tpu.memref_squeeze %dma_wait3A_575 : memref<1x128xi32, #tpu.memory_space<vmem>> -> memref<128xi32, #tpu.memory_space<vmem>>
    %dma_wait3A_577 = arith.constant 0 : i32
    %dma_wait3A_578 = tpu.memref_slice %arg3[%dma_wait3A_577] : memref<9600016xf32, #tpu.memory_space<hbm>> -> memref<9600016xf32, #tpu.memory_space<hbm>>
    tpu.wait_indirect_dma semaphore(%arg7 : memref<!tpu.dma_semaphore, #tpu.memory_space<semaphore_mem>>) src(%dma_wait3A_578 : memref<9600016xf32, #tpu.memory_space<hbm>>) dst(%dma_wait3A_573 : memref<128xf32, #tpu.memory_space<vmem>>)
    %dma_wait3A_579 = arith.constant 24 : i32
    %dma_wait3A_580 = arith.constant 24 : i32
    %dma_wait3A_581 = arith.constant 0 : i32
    %dma_wait3A_582 = tpu.memref_slice %arg6[%dma_wait3A_580, %dma_wait3A_581] : memref<64x128xf32, #tpu.memory_space<vmem>> -> memref<1x128xf32, #tpu.memory_space<vmem>>
    %dma_wait3A_583 = tpu.memref_squeeze %dma_wait3A_582 : memref<1x128xf32, #tpu.memory_space<vmem>> -> memref<128xf32, #tpu.memory_space<vmem>>
    %dma_wait3A_584 = arith.constant 0 : i32
    %dma_wait3A_585 = tpu.memref_slice %arg5[%dma_wait3A_579, %dma_wait3A_584] : memref<64x128xi32, #tpu.memory_space<vmem>> -> memref<1x128xi32, #tpu.memory_space<vmem>>
    %dma_wait3A_586 = tpu.memref_squeeze %dma_wait3A_585 : memref<1x128xi32, #tpu.memory_space<vmem>> -> memref<128xi32, #tpu.memory_space<vmem>>
    %dma_wait3A_587 = arith.constant 0 : i32
    %dma_wait3A_588 = tpu.memref_slice %arg3[%dma_wait3A_587] : memref<9600016xf32, #tpu.memory_space<hbm>> -> memref<9600016xf32, #tpu.memory_space<hbm>>
    tpu.wait_indirect_dma semaphore(%arg7 : memref<!tpu.dma_semaphore, #tpu.memory_space<semaphore_mem>>) src(%dma_wait3A_588 : memref<9600016xf32, #tpu.memory_space<hbm>>) dst(%dma_wait3A_583 : memref<128xf32, #tpu.memory_space<vmem>>)
    %dma_wait3A_589 = arith.constant 25 : i32
    %dma_wait3A_590 = arith.constant 25 : i32
    %dma_wait3A_591 = arith.constant 0 : i32
    %dma_wait3A_592 = tpu.memref_slice %arg6[%dma_wait3A_590, %dma_wait3A_591] : memref<64x128xf32, #tpu.memory_space<vmem>> -> memref<1x128xf32, #tpu.memory_space<vmem>>
    %dma_wait3A_593 = tpu.memref_squeeze %dma_wait3A_592 : memref<1x128xf32, #tpu.memory_space<vmem>> -> memref<128xf32, #tpu.memory_space<vmem>>
    %dma_wait3A_594 = arith.constant 0 : i32
    %dma_wait3A_595 = tpu.memref_slice %arg5[%dma_wait3A_589, %dma_wait3A_594] : memref<64x128xi32, #tpu.memory_space<vmem>> -> memref<1x128xi32, #tpu.memory_space<vmem>>
    %dma_wait3A_596 = tpu.memref_squeeze %dma_wait3A_595 : memref<1x128xi32, #tpu.memory_space<vmem>> -> memref<128xi32, #tpu.memory_space<vmem>>
    %dma_wait3A_597 = arith.constant 0 : i32
    %dma_wait3A_598 = tpu.memref_slice %arg3[%dma_wait3A_597] : memref<9600016xf32, #tpu.memory_space<hbm>> -> memref<9600016xf32, #tpu.memory_space<hbm>>
    tpu.wait_indirect_dma semaphore(%arg7 : memref<!tpu.dma_semaphore, #tpu.memory_space<semaphore_mem>>) src(%dma_wait3A_598 : memref<9600016xf32, #tpu.memory_space<hbm>>) dst(%dma_wait3A_593 : memref<128xf32, #tpu.memory_space<vmem>>)
    %dma_wait3A_599 = arith.constant 26 : i32
    %dma_wait3A_600 = arith.constant 26 : i32
    %dma_wait3A_601 = arith.constant 0 : i32
    %dma_wait3A_602 = tpu.memref_slice %arg6[%dma_wait3A_600, %dma_wait3A_601] : memref<64x128xf32, #tpu.memory_space<vmem>> -> memref<1x128xf32, #tpu.memory_space<vmem>>
    %dma_wait3A_603 = tpu.memref_squeeze %dma_wait3A_602 : memref<1x128xf32, #tpu.memory_space<vmem>> -> memref<128xf32, #tpu.memory_space<vmem>>
    %dma_wait3A_604 = arith.constant 0 : i32
    %dma_wait3A_605 = tpu.memref_slice %arg5[%dma_wait3A_599, %dma_wait3A_604] : memref<64x128xi32, #tpu.memory_space<vmem>> -> memref<1x128xi32, #tpu.memory_space<vmem>>
    %dma_wait3A_606 = tpu.memref_squeeze %dma_wait3A_605 : memref<1x128xi32, #tpu.memory_space<vmem>> -> memref<128xi32, #tpu.memory_space<vmem>>
    %dma_wait3A_607 = arith.constant 0 : i32
    %dma_wait3A_608 = tpu.memref_slice %arg3[%dma_wait3A_607] : memref<9600016xf32, #tpu.memory_space<hbm>> -> memref<9600016xf32, #tpu.memory_space<hbm>>
    tpu.wait_indirect_dma semaphore(%arg7 : memref<!tpu.dma_semaphore, #tpu.memory_space<semaphore_mem>>) src(%dma_wait3A_608 : memref<9600016xf32, #tpu.memory_space<hbm>>) dst(%dma_wait3A_603 : memref<128xf32, #tpu.memory_space<vmem>>)
    %dma_wait3A_609 = arith.constant 27 : i32
    %dma_wait3A_610 = arith.constant 27 : i32
    %dma_wait3A_611 = arith.constant 0 : i32
    %dma_wait3A_612 = tpu.memref_slice %arg6[%dma_wait3A_610, %dma_wait3A_611] : memref<64x128xf32, #tpu.memory_space<vmem>> -> memref<1x128xf32, #tpu.memory_space<vmem>>
    %dma_wait3A_613 = tpu.memref_squeeze %dma_wait3A_612 : memref<1x128xf32, #tpu.memory_space<vmem>> -> memref<128xf32, #tpu.memory_space<vmem>>
    %dma_wait3A_614 = arith.constant 0 : i32
    %dma_wait3A_615 = tpu.memref_slice %arg5[%dma_wait3A_609, %dma_wait3A_614] : memref<64x128xi32, #tpu.memory_space<vmem>> -> memref<1x128xi32, #tpu.memory_space<vmem>>
    %dma_wait3A_616 = tpu.memref_squeeze %dma_wait3A_615 : memref<1x128xi32, #tpu.memory_space<vmem>> -> memref<128xi32, #tpu.memory_space<vmem>>
    %dma_wait3A_617 = arith.constant 0 : i32
    %dma_wait3A_618 = tpu.memref_slice %arg3[%dma_wait3A_617] : memref<9600016xf32, #tpu.memory_space<hbm>> -> memref<9600016xf32, #tpu.memory_space<hbm>>
    tpu.wait_indirect_dma semaphore(%arg7 : memref<!tpu.dma_semaphore, #tpu.memory_space<semaphore_mem>>) src(%dma_wait3A_618 : memref<9600016xf32, #tpu.memory_space<hbm>>) dst(%dma_wait3A_613 : memref<128xf32, #tpu.memory_space<vmem>>)
    %dma_wait3A_619 = arith.constant 28 : i32
    %dma_wait3A_620 = arith.constant 28 : i32
    %dma_wait3A_621 = arith.constant 0 : i32
    %dma_wait3A_622 = tpu.memref_slice %arg6[%dma_wait3A_620, %dma_wait3A_621] : memref<64x128xf32, #tpu.memory_space<vmem>> -> memref<1x128xf32, #tpu.memory_space<vmem>>
    %dma_wait3A_623 = tpu.memref_squeeze %dma_wait3A_622 : memref<1x128xf32, #tpu.memory_space<vmem>> -> memref<128xf32, #tpu.memory_space<vmem>>
    %dma_wait3A_624 = arith.constant 0 : i32
    %dma_wait3A_625 = tpu.memref_slice %arg5[%dma_wait3A_619, %dma_wait3A_624] : memref<64x128xi32, #tpu.memory_space<vmem>> -> memref<1x128xi32, #tpu.memory_space<vmem>>
    %dma_wait3A_626 = tpu.memref_squeeze %dma_wait3A_625 : memref<1x128xi32, #tpu.memory_space<vmem>> -> memref<128xi32, #tpu.memory_space<vmem>>
    %dma_wait3A_627 = arith.constant 0 : i32
    %dma_wait3A_628 = tpu.memref_slice %arg3[%dma_wait3A_627] : memref<9600016xf32, #tpu.memory_space<hbm>> -> memref<9600016xf32, #tpu.memory_space<hbm>>
    tpu.wait_indirect_dma semaphore(%arg7 : memref<!tpu.dma_semaphore, #tpu.memory_space<semaphore_mem>>) src(%dma_wait3A_628 : memref<9600016xf32, #tpu.memory_space<hbm>>) dst(%dma_wait3A_623 : memref<128xf32, #tpu.memory_space<vmem>>)
    %dma_wait3A_629 = arith.constant 29 : i32
    %dma_wait3A_630 = arith.constant 29 : i32
    %dma_wait3A_631 = arith.constant 0 : i32
    %dma_wait3A_632 = tpu.memref_slice %arg6[%dma_wait3A_630, %dma_wait3A_631] : memref<64x128xf32, #tpu.memory_space<vmem>> -> memref<1x128xf32, #tpu.memory_space<vmem>>
    %dma_wait3A_633 = tpu.memref_squeeze %dma_wait3A_632 : memref<1x128xf32, #tpu.memory_space<vmem>> -> memref<128xf32, #tpu.memory_space<vmem>>
    %dma_wait3A_634 = arith.constant 0 : i32
    %dma_wait3A_635 = tpu.memref_slice %arg5[%dma_wait3A_629, %dma_wait3A_634] : memref<64x128xi32, #tpu.memory_space<vmem>> -> memref<1x128xi32, #tpu.memory_space<vmem>>
    %dma_wait3A_636 = tpu.memref_squeeze %dma_wait3A_635 : memref<1x128xi32, #tpu.memory_space<vmem>> -> memref<128xi32, #tpu.memory_space<vmem>>
    %dma_wait3A_637 = arith.constant 0 : i32
    %dma_wait3A_638 = tpu.memref_slice %arg3[%dma_wait3A_637] : memref<9600016xf32, #tpu.memory_space<hbm>> -> memref<9600016xf32, #tpu.memory_space<hbm>>
    tpu.wait_indirect_dma semaphore(%arg7 : memref<!tpu.dma_semaphore, #tpu.memory_space<semaphore_mem>>) src(%dma_wait3A_638 : memref<9600016xf32, #tpu.memory_space<hbm>>) dst(%dma_wait3A_633 : memref<128xf32, #tpu.memory_space<vmem>>)
    %dma_wait3A_639 = arith.constant 30 : i32
    %dma_wait3A_640 = arith.constant 30 : i32
    %dma_wait3A_641 = arith.constant 0 : i32
    %dma_wait3A_642 = tpu.memref_slice %arg6[%dma_wait3A_640, %dma_wait3A_641] : memref<64x128xf32, #tpu.memory_space<vmem>> -> memref<1x128xf32, #tpu.memory_space<vmem>>
    %dma_wait3A_643 = tpu.memref_squeeze %dma_wait3A_642 : memref<1x128xf32, #tpu.memory_space<vmem>> -> memref<128xf32, #tpu.memory_space<vmem>>
    %dma_wait3A_644 = arith.constant 0 : i32
    %dma_wait3A_645 = tpu.memref_slice %arg5[%dma_wait3A_639, %dma_wait3A_644] : memref<64x128xi32, #tpu.memory_space<vmem>> -> memref<1x128xi32, #tpu.memory_space<vmem>>
    %dma_wait3A_646 = tpu.memref_squeeze %dma_wait3A_645 : memref<1x128xi32, #tpu.memory_space<vmem>> -> memref<128xi32, #tpu.memory_space<vmem>>
    %dma_wait3A_647 = arith.constant 0 : i32
    %dma_wait3A_648 = tpu.memref_slice %arg3[%dma_wait3A_647] : memref<9600016xf32, #tpu.memory_space<hbm>> -> memref<9600016xf32, #tpu.memory_space<hbm>>
    tpu.wait_indirect_dma semaphore(%arg7 : memref<!tpu.dma_semaphore, #tpu.memory_space<semaphore_mem>>) src(%dma_wait3A_648 : memref<9600016xf32, #tpu.memory_space<hbm>>) dst(%dma_wait3A_643 : memref<128xf32, #tpu.memory_space<vmem>>)
    %dma_wait3A_649 = arith.constant 31 : i32
    %dma_wait3A_650 = arith.constant 31 : i32
    %dma_wait3A_651 = arith.constant 0 : i32
    %dma_wait3A_652 = tpu.memref_slice %arg6[%dma_wait3A_650, %dma_wait3A_651] : memref<64x128xf32, #tpu.memory_space<vmem>> -> memref<1x128xf32, #tpu.memory_space<vmem>>
    %dma_wait3A_653 = tpu.memref_squeeze %dma_wait3A_652 : memref<1x128xf32, #tpu.memory_space<vmem>> -> memref<128xf32, #tpu.memory_space<vmem>>
    %dma_wait3A_654 = arith.constant 0 : i32
    %dma_wait3A_655 = tpu.memref_slice %arg5[%dma_wait3A_649, %dma_wait3A_654] : memref<64x128xi32, #tpu.memory_space<vmem>> -> memref<1x128xi32, #tpu.memory_space<vmem>>
    %dma_wait3A_656 = tpu.memref_squeeze %dma_wait3A_655 : memref<1x128xi32, #tpu.memory_space<vmem>> -> memref<128xi32, #tpu.memory_space<vmem>>
    %dma_wait3A_657 = arith.constant 0 : i32
    %dma_wait3A_658 = tpu.memref_slice %arg3[%dma_wait3A_657] : memref<9600016xf32, #tpu.memory_space<hbm>> -> memref<9600016xf32, #tpu.memory_space<hbm>>
    tpu.wait_indirect_dma semaphore(%arg7 : memref<!tpu.dma_semaphore, #tpu.memory_space<semaphore_mem>>) src(%dma_wait3A_658 : memref<9600016xf32, #tpu.memory_space<hbm>>) dst(%dma_wait3A_653 : memref<128xf32, #tpu.memory_space<vmem>>)
    %dma_start3A_659 = arith.constant 32 : i32
    %dma_start3A_660 = arith.constant 32 : i32
    %dma_start3A_661 = arith.constant 0 : i32
    %dma_start3A_662 = tpu.memref_slice %arg6[%dma_start3A_660, %dma_start3A_661] : memref<64x128xf32, #tpu.memory_space<vmem>> -> memref<1x128xf32, #tpu.memory_space<vmem>>
    %dma_start3A_663 = tpu.memref_squeeze %dma_start3A_662 : memref<1x128xf32, #tpu.memory_space<vmem>> -> memref<128xf32, #tpu.memory_space<vmem>>
    %dma_start3A_664 = arith.constant 0 : i32
    %dma_start3A_665 = tpu.memref_slice %arg5[%dma_start3A_659, %dma_start3A_664] : memref<64x128xi32, #tpu.memory_space<vmem>> -> memref<1x128xi32, #tpu.memory_space<vmem>>
    %dma_start3A_666 = tpu.memref_squeeze %dma_start3A_665 : memref<1x128xi32, #tpu.memory_space<vmem>> -> memref<128xi32, #tpu.memory_space<vmem>>
    %dma_start3A_667 = arith.constant 0 : i32
    %dma_start3A_668 = tpu.memref_slice %arg3[%dma_start3A_667] : memref<9600016xf32, #tpu.memory_space<hbm>> -> memref<9600016xf32, #tpu.memory_space<hbm>>
    tpu.enqueue_indirect_dma source(%dma_start3A_668 : memref<9600016xf32, #tpu.memory_space<hbm>>) target(%dma_start3A_663 : memref<128xf32, #tpu.memory_space<vmem>>) offsets(%dma_start3A_666 : memref<128xi32, #tpu.memory_space<vmem>>) semaphore(%arg7 : memref<!tpu.dma_semaphore, #tpu.memory_space<semaphore_mem>>)
    %dma_start3A_669 = arith.constant 33 : i32
    %dma_start3A_670 = arith.constant 33 : i32
    %dma_start3A_671 = arith.constant 0 : i32
    %dma_start3A_672 = tpu.memref_slice %arg6[%dma_start3A_670, %dma_start3A_671] : memref<64x128xf32, #tpu.memory_space<vmem>> -> memref<1x128xf32, #tpu.memory_space<vmem>>
    %dma_start3A_673 = tpu.memref_squeeze %dma_start3A_672 : memref<1x128xf32, #tpu.memory_space<vmem>> -> memref<128xf32, #tpu.memory_space<vmem>>
    %dma_start3A_674 = arith.constant 0 : i32
    %dma_start3A_675 = tpu.memref_slice %arg5[%dma_start3A_669, %dma_start3A_674] : memref<64x128xi32, #tpu.memory_space<vmem>> -> memref<1x128xi32, #tpu.memory_space<vmem>>
    %dma_start3A_676 = tpu.memref_squeeze %dma_start3A_675 : memref<1x128xi32, #tpu.memory_space<vmem>> -> memref<128xi32, #tpu.memory_space<vmem>>
    %dma_start3A_677 = arith.constant 0 : i32
    %dma_start3A_678 = tpu.memref_slice %arg3[%dma_start3A_677] : memref<9600016xf32, #tpu.memory_space<hbm>> -> memref<9600016xf32, #tpu.memory_space<hbm>>
    tpu.enqueue_indirect_dma source(%dma_start3A_678 : memref<9600016xf32, #tpu.memory_space<hbm>>) target(%dma_start3A_673 : memref<128xf32, #tpu.memory_space<vmem>>) offsets(%dma_start3A_676 : memref<128xi32, #tpu.memory_space<vmem>>) semaphore(%arg7 : memref<!tpu.dma_semaphore, #tpu.memory_space<semaphore_mem>>)
    %dma_start3A_679 = arith.constant 34 : i32
    %dma_start3A_680 = arith.constant 34 : i32
    %dma_start3A_681 = arith.constant 0 : i32
    %dma_start3A_682 = tpu.memref_slice %arg6[%dma_start3A_680, %dma_start3A_681] : memref<64x128xf32, #tpu.memory_space<vmem>> -> memref<1x128xf32, #tpu.memory_space<vmem>>
    %dma_start3A_683 = tpu.memref_squeeze %dma_start3A_682 : memref<1x128xf32, #tpu.memory_space<vmem>> -> memref<128xf32, #tpu.memory_space<vmem>>
    %dma_start3A_684 = arith.constant 0 : i32
    %dma_start3A_685 = tpu.memref_slice %arg5[%dma_start3A_679, %dma_start3A_684] : memref<64x128xi32, #tpu.memory_space<vmem>> -> memref<1x128xi32, #tpu.memory_space<vmem>>
    %dma_start3A_686 = tpu.memref_squeeze %dma_start3A_685 : memref<1x128xi32, #tpu.memory_space<vmem>> -> memref<128xi32, #tpu.memory_space<vmem>>
    %dma_start3A_687 = arith.constant 0 : i32
    %dma_start3A_688 = tpu.memref_slice %arg3[%dma_start3A_687] : memref<9600016xf32, #tpu.memory_space<hbm>> -> memref<9600016xf32, #tpu.memory_space<hbm>>
    tpu.enqueue_indirect_dma source(%dma_start3A_688 : memref<9600016xf32, #tpu.memory_space<hbm>>) target(%dma_start3A_683 : memref<128xf32, #tpu.memory_space<vmem>>) offsets(%dma_start3A_686 : memref<128xi32, #tpu.memory_space<vmem>>) semaphore(%arg7 : memref<!tpu.dma_semaphore, #tpu.memory_space<semaphore_mem>>)
    %dma_start3A_689 = arith.constant 35 : i32
    %dma_start3A_690 = arith.constant 35 : i32
    %dma_start3A_691 = arith.constant 0 : i32
    %dma_start3A_692 = tpu.memref_slice %arg6[%dma_start3A_690, %dma_start3A_691] : memref<64x128xf32, #tpu.memory_space<vmem>> -> memref<1x128xf32, #tpu.memory_space<vmem>>
    %dma_start3A_693 = tpu.memref_squeeze %dma_start3A_692 : memref<1x128xf32, #tpu.memory_space<vmem>> -> memref<128xf32, #tpu.memory_space<vmem>>
    %dma_start3A_694 = arith.constant 0 : i32
    %dma_start3A_695 = tpu.memref_slice %arg5[%dma_start3A_689, %dma_start3A_694] : memref<64x128xi32, #tpu.memory_space<vmem>> -> memref<1x128xi32, #tpu.memory_space<vmem>>
    %dma_start3A_696 = tpu.memref_squeeze %dma_start3A_695 : memref<1x128xi32, #tpu.memory_space<vmem>> -> memref<128xi32, #tpu.memory_space<vmem>>
    %dma_start3A_697 = arith.constant 0 : i32
    %dma_start3A_698 = tpu.memref_slice %arg3[%dma_start3A_697] : memref<9600016xf32, #tpu.memory_space<hbm>> -> memref<9600016xf32, #tpu.memory_space<hbm>>
    tpu.enqueue_indirect_dma source(%dma_start3A_698 : memref<9600016xf32, #tpu.memory_space<hbm>>) target(%dma_start3A_693 : memref<128xf32, #tpu.memory_space<vmem>>) offsets(%dma_start3A_696 : memref<128xi32, #tpu.memory_space<vmem>>) semaphore(%arg7 : memref<!tpu.dma_semaphore, #tpu.memory_space<semaphore_mem>>)
    %dma_start3A_699 = arith.constant 36 : i32
    %dma_start3A_700 = arith.constant 36 : i32
    %dma_start3A_701 = arith.constant 0 : i32
    %dma_start3A_702 = tpu.memref_slice %arg6[%dma_start3A_700, %dma_start3A_701] : memref<64x128xf32, #tpu.memory_space<vmem>> -> memref<1x128xf32, #tpu.memory_space<vmem>>
    %dma_start3A_703 = tpu.memref_squeeze %dma_start3A_702 : memref<1x128xf32, #tpu.memory_space<vmem>> -> memref<128xf32, #tpu.memory_space<vmem>>
    %dma_start3A_704 = arith.constant 0 : i32
    %dma_start3A_705 = tpu.memref_slice %arg5[%dma_start3A_699, %dma_start3A_704] : memref<64x128xi32, #tpu.memory_space<vmem>> -> memref<1x128xi32, #tpu.memory_space<vmem>>
    %dma_start3A_706 = tpu.memref_squeeze %dma_start3A_705 : memref<1x128xi32, #tpu.memory_space<vmem>> -> memref<128xi32, #tpu.memory_space<vmem>>
    %dma_start3A_707 = arith.constant 0 : i32
    %dma_start3A_708 = tpu.memref_slice %arg3[%dma_start3A_707] : memref<9600016xf32, #tpu.memory_space<hbm>> -> memref<9600016xf32, #tpu.memory_space<hbm>>
    tpu.enqueue_indirect_dma source(%dma_start3A_708 : memref<9600016xf32, #tpu.memory_space<hbm>>) target(%dma_start3A_703 : memref<128xf32, #tpu.memory_space<vmem>>) offsets(%dma_start3A_706 : memref<128xi32, #tpu.memory_space<vmem>>) semaphore(%arg7 : memref<!tpu.dma_semaphore, #tpu.memory_space<semaphore_mem>>)
    %dma_start3A_709 = arith.constant 37 : i32
    %dma_start3A_710 = arith.constant 37 : i32
    %dma_start3A_711 = arith.constant 0 : i32
    %dma_start3A_712 = tpu.memref_slice %arg6[%dma_start3A_710, %dma_start3A_711] : memref<64x128xf32, #tpu.memory_space<vmem>> -> memref<1x128xf32, #tpu.memory_space<vmem>>
    %dma_start3A_713 = tpu.memref_squeeze %dma_start3A_712 : memref<1x128xf32, #tpu.memory_space<vmem>> -> memref<128xf32, #tpu.memory_space<vmem>>
    %dma_start3A_714 = arith.constant 0 : i32
    %dma_start3A_715 = tpu.memref_slice %arg5[%dma_start3A_709, %dma_start3A_714] : memref<64x128xi32, #tpu.memory_space<vmem>> -> memref<1x128xi32, #tpu.memory_space<vmem>>
    %dma_start3A_716 = tpu.memref_squeeze %dma_start3A_715 : memref<1x128xi32, #tpu.memory_space<vmem>> -> memref<128xi32, #tpu.memory_space<vmem>>
    %dma_start3A_717 = arith.constant 0 : i32
    %dma_start3A_718 = tpu.memref_slice %arg3[%dma_start3A_717] : memref<9600016xf32, #tpu.memory_space<hbm>> -> memref<9600016xf32, #tpu.memory_space<hbm>>
    tpu.enqueue_indirect_dma source(%dma_start3A_718 : memref<9600016xf32, #tpu.memory_space<hbm>>) target(%dma_start3A_713 : memref<128xf32, #tpu.memory_space<vmem>>) offsets(%dma_start3A_716 : memref<128xi32, #tpu.memory_space<vmem>>) semaphore(%arg7 : memref<!tpu.dma_semaphore, #tpu.memory_space<semaphore_mem>>)
    %dma_start3A_719 = arith.constant 38 : i32
    %dma_start3A_720 = arith.constant 38 : i32
    %dma_start3A_721 = arith.constant 0 : i32
    %dma_start3A_722 = tpu.memref_slice %arg6[%dma_start3A_720, %dma_start3A_721] : memref<64x128xf32, #tpu.memory_space<vmem>> -> memref<1x128xf32, #tpu.memory_space<vmem>>
    %dma_start3A_723 = tpu.memref_squeeze %dma_start3A_722 : memref<1x128xf32, #tpu.memory_space<vmem>> -> memref<128xf32, #tpu.memory_space<vmem>>
    %dma_start3A_724 = arith.constant 0 : i32
    %dma_start3A_725 = tpu.memref_slice %arg5[%dma_start3A_719, %dma_start3A_724] : memref<64x128xi32, #tpu.memory_space<vmem>> -> memref<1x128xi32, #tpu.memory_space<vmem>>
    %dma_start3A_726 = tpu.memref_squeeze %dma_start3A_725 : memref<1x128xi32, #tpu.memory_space<vmem>> -> memref<128xi32, #tpu.memory_space<vmem>>
    %dma_start3A_727 = arith.constant 0 : i32
    %dma_start3A_728 = tpu.memref_slice %arg3[%dma_start3A_727] : memref<9600016xf32, #tpu.memory_space<hbm>> -> memref<9600016xf32, #tpu.memory_space<hbm>>
    tpu.enqueue_indirect_dma source(%dma_start3A_728 : memref<9600016xf32, #tpu.memory_space<hbm>>) target(%dma_start3A_723 : memref<128xf32, #tpu.memory_space<vmem>>) offsets(%dma_start3A_726 : memref<128xi32, #tpu.memory_space<vmem>>) semaphore(%arg7 : memref<!tpu.dma_semaphore, #tpu.memory_space<semaphore_mem>>)
    %dma_start3A_729 = arith.constant 39 : i32
    %dma_start3A_730 = arith.constant 39 : i32
    %dma_start3A_731 = arith.constant 0 : i32
    %dma_start3A_732 = tpu.memref_slice %arg6[%dma_start3A_730, %dma_start3A_731] : memref<64x128xf32, #tpu.memory_space<vmem>> -> memref<1x128xf32, #tpu.memory_space<vmem>>
    %dma_start3A_733 = tpu.memref_squeeze %dma_start3A_732 : memref<1x128xf32, #tpu.memory_space<vmem>> -> memref<128xf32, #tpu.memory_space<vmem>>
    %dma_start3A_734 = arith.constant 0 : i32
    %dma_start3A_735 = tpu.memref_slice %arg5[%dma_start3A_729, %dma_start3A_734] : memref<64x128xi32, #tpu.memory_space<vmem>> -> memref<1x128xi32, #tpu.memory_space<vmem>>
    %dma_start3A_736 = tpu.memref_squeeze %dma_start3A_735 : memref<1x128xi32, #tpu.memory_space<vmem>> -> memref<128xi32, #tpu.memory_space<vmem>>
    %dma_start3A_737 = arith.constant 0 : i32
    %dma_start3A_738 = tpu.memref_slice %arg3[%dma_start3A_737] : memref<9600016xf32, #tpu.memory_space<hbm>> -> memref<9600016xf32, #tpu.memory_space<hbm>>
    tpu.enqueue_indirect_dma source(%dma_start3A_738 : memref<9600016xf32, #tpu.memory_space<hbm>>) target(%dma_start3A_733 : memref<128xf32, #tpu.memory_space<vmem>>) offsets(%dma_start3A_736 : memref<128xi32, #tpu.memory_space<vmem>>) semaphore(%arg7 : memref<!tpu.dma_semaphore, #tpu.memory_space<semaphore_mem>>)
    %dma_start3A_739 = arith.constant 40 : i32
    %dma_start3A_740 = arith.constant 40 : i32
    %dma_start3A_741 = arith.constant 0 : i32
    %dma_start3A_742 = tpu.memref_slice %arg6[%dma_start3A_740, %dma_start3A_741] : memref<64x128xf32, #tpu.memory_space<vmem>> -> memref<1x128xf32, #tpu.memory_space<vmem>>
    %dma_start3A_743 = tpu.memref_squeeze %dma_start3A_742 : memref<1x128xf32, #tpu.memory_space<vmem>> -> memref<128xf32, #tpu.memory_space<vmem>>
    %dma_start3A_744 = arith.constant 0 : i32
    %dma_start3A_745 = tpu.memref_slice %arg5[%dma_start3A_739, %dma_start3A_744] : memref<64x128xi32, #tpu.memory_space<vmem>> -> memref<1x128xi32, #tpu.memory_space<vmem>>
    %dma_start3A_746 = tpu.memref_squeeze %dma_start3A_745 : memref<1x128xi32, #tpu.memory_space<vmem>> -> memref<128xi32, #tpu.memory_space<vmem>>
    %dma_start3A_747 = arith.constant 0 : i32
    %dma_start3A_748 = tpu.memref_slice %arg3[%dma_start3A_747] : memref<9600016xf32, #tpu.memory_space<hbm>> -> memref<9600016xf32, #tpu.memory_space<hbm>>
    tpu.enqueue_indirect_dma source(%dma_start3A_748 : memref<9600016xf32, #tpu.memory_space<hbm>>) target(%dma_start3A_743 : memref<128xf32, #tpu.memory_space<vmem>>) offsets(%dma_start3A_746 : memref<128xi32, #tpu.memory_space<vmem>>) semaphore(%arg7 : memref<!tpu.dma_semaphore, #tpu.memory_space<semaphore_mem>>)
    %dma_start3A_749 = arith.constant 41 : i32
    %dma_start3A_750 = arith.constant 41 : i32
    %dma_start3A_751 = arith.constant 0 : i32
    %dma_start3A_752 = tpu.memref_slice %arg6[%dma_start3A_750, %dma_start3A_751] : memref<64x128xf32, #tpu.memory_space<vmem>> -> memref<1x128xf32, #tpu.memory_space<vmem>>
    %dma_start3A_753 = tpu.memref_squeeze %dma_start3A_752 : memref<1x128xf32, #tpu.memory_space<vmem>> -> memref<128xf32, #tpu.memory_space<vmem>>
    %dma_start3A_754 = arith.constant 0 : i32
    %dma_start3A_755 = tpu.memref_slice %arg5[%dma_start3A_749, %dma_start3A_754] : memref<64x128xi32, #tpu.memory_space<vmem>> -> memref<1x128xi32, #tpu.memory_space<vmem>>
    %dma_start3A_756 = tpu.memref_squeeze %dma_start3A_755 : memref<1x128xi32, #tpu.memory_space<vmem>> -> memref<128xi32, #tpu.memory_space<vmem>>
    %dma_start3A_757 = arith.constant 0 : i32
    %dma_start3A_758 = tpu.memref_slice %arg3[%dma_start3A_757] : memref<9600016xf32, #tpu.memory_space<hbm>> -> memref<9600016xf32, #tpu.memory_space<hbm>>
    tpu.enqueue_indirect_dma source(%dma_start3A_758 : memref<9600016xf32, #tpu.memory_space<hbm>>) target(%dma_start3A_753 : memref<128xf32, #tpu.memory_space<vmem>>) offsets(%dma_start3A_756 : memref<128xi32, #tpu.memory_space<vmem>>) semaphore(%arg7 : memref<!tpu.dma_semaphore, #tpu.memory_space<semaphore_mem>>)
    %dma_start3A_759 = arith.constant 42 : i32
    %dma_start3A_760 = arith.constant 42 : i32
    %dma_start3A_761 = arith.constant 0 : i32
    %dma_start3A_762 = tpu.memref_slice %arg6[%dma_start3A_760, %dma_start3A_761] : memref<64x128xf32, #tpu.memory_space<vmem>> -> memref<1x128xf32, #tpu.memory_space<vmem>>
    %dma_start3A_763 = tpu.memref_squeeze %dma_start3A_762 : memref<1x128xf32, #tpu.memory_space<vmem>> -> memref<128xf32, #tpu.memory_space<vmem>>
    %dma_start3A_764 = arith.constant 0 : i32
    %dma_start3A_765 = tpu.memref_slice %arg5[%dma_start3A_759, %dma_start3A_764] : memref<64x128xi32, #tpu.memory_space<vmem>> -> memref<1x128xi32, #tpu.memory_space<vmem>>
    %dma_start3A_766 = tpu.memref_squeeze %dma_start3A_765 : memref<1x128xi32, #tpu.memory_space<vmem>> -> memref<128xi32, #tpu.memory_space<vmem>>
    %dma_start3A_767 = arith.constant 0 : i32
    %dma_start3A_768 = tpu.memref_slice %arg3[%dma_start3A_767] : memref<9600016xf32, #tpu.memory_space<hbm>> -> memref<9600016xf32, #tpu.memory_space<hbm>>
    tpu.enqueue_indirect_dma source(%dma_start3A_768 : memref<9600016xf32, #tpu.memory_space<hbm>>) target(%dma_start3A_763 : memref<128xf32, #tpu.memory_space<vmem>>) offsets(%dma_start3A_766 : memref<128xi32, #tpu.memory_space<vmem>>) semaphore(%arg7 : memref<!tpu.dma_semaphore, #tpu.memory_space<semaphore_mem>>)
    %dma_start3A_769 = arith.constant 43 : i32
    %dma_start3A_770 = arith.constant 43 : i32
    %dma_start3A_771 = arith.constant 0 : i32
    %dma_start3A_772 = tpu.memref_slice %arg6[%dma_start3A_770, %dma_start3A_771] : memref<64x128xf32, #tpu.memory_space<vmem>> -> memref<1x128xf32, #tpu.memory_space<vmem>>
    %dma_start3A_773 = tpu.memref_squeeze %dma_start3A_772 : memref<1x128xf32, #tpu.memory_space<vmem>> -> memref<128xf32, #tpu.memory_space<vmem>>
    %dma_start3A_774 = arith.constant 0 : i32
    %dma_start3A_775 = tpu.memref_slice %arg5[%dma_start3A_769, %dma_start3A_774] : memref<64x128xi32, #tpu.memory_space<vmem>> -> memref<1x128xi32, #tpu.memory_space<vmem>>
    %dma_start3A_776 = tpu.memref_squeeze %dma_start3A_775 : memref<1x128xi32, #tpu.memory_space<vmem>> -> memref<128xi32, #tpu.memory_space<vmem>>
    %dma_start3A_777 = arith.constant 0 : i32
    %dma_start3A_778 = tpu.memref_slice %arg3[%dma_start3A_777] : memref<9600016xf32, #tpu.memory_space<hbm>> -> memref<9600016xf32, #tpu.memory_space<hbm>>
    tpu.enqueue_indirect_dma source(%dma_start3A_778 : memref<9600016xf32, #tpu.memory_space<hbm>>) target(%dma_start3A_773 : memref<128xf32, #tpu.memory_space<vmem>>) offsets(%dma_start3A_776 : memref<128xi32, #tpu.memory_space<vmem>>) semaphore(%arg7 : memref<!tpu.dma_semaphore, #tpu.memory_space<semaphore_mem>>)
    %dma_start3A_779 = arith.constant 44 : i32
    %dma_start3A_780 = arith.constant 44 : i32
    %dma_start3A_781 = arith.constant 0 : i32
    %dma_start3A_782 = tpu.memref_slice %arg6[%dma_start3A_780, %dma_start3A_781] : memref<64x128xf32, #tpu.memory_space<vmem>> -> memref<1x128xf32, #tpu.memory_space<vmem>>
    %dma_start3A_783 = tpu.memref_squeeze %dma_start3A_782 : memref<1x128xf32, #tpu.memory_space<vmem>> -> memref<128xf32, #tpu.memory_space<vmem>>
    %dma_start3A_784 = arith.constant 0 : i32
    %dma_start3A_785 = tpu.memref_slice %arg5[%dma_start3A_779, %dma_start3A_784] : memref<64x128xi32, #tpu.memory_space<vmem>> -> memref<1x128xi32, #tpu.memory_space<vmem>>
    %dma_start3A_786 = tpu.memref_squeeze %dma_start3A_785 : memref<1x128xi32, #tpu.memory_space<vmem>> -> memref<128xi32, #tpu.memory_space<vmem>>
    %dma_start3A_787 = arith.constant 0 : i32
    %dma_start3A_788 = tpu.memref_slice %arg3[%dma_start3A_787] : memref<9600016xf32, #tpu.memory_space<hbm>> -> memref<9600016xf32, #tpu.memory_space<hbm>>
    tpu.enqueue_indirect_dma source(%dma_start3A_788 : memref<9600016xf32, #tpu.memory_space<hbm>>) target(%dma_start3A_783 : memref<128xf32, #tpu.memory_space<vmem>>) offsets(%dma_start3A_786 : memref<128xi32, #tpu.memory_space<vmem>>) semaphore(%arg7 : memref<!tpu.dma_semaphore, #tpu.memory_space<semaphore_mem>>)
    %dma_start3A_789 = arith.constant 45 : i32
    %dma_start3A_790 = arith.constant 45 : i32
    %dma_start3A_791 = arith.constant 0 : i32
    %dma_start3A_792 = tpu.memref_slice %arg6[%dma_start3A_790, %dma_start3A_791] : memref<64x128xf32, #tpu.memory_space<vmem>> -> memref<1x128xf32, #tpu.memory_space<vmem>>
    %dma_start3A_793 = tpu.memref_squeeze %dma_start3A_792 : memref<1x128xf32, #tpu.memory_space<vmem>> -> memref<128xf32, #tpu.memory_space<vmem>>
    %dma_start3A_794 = arith.constant 0 : i32
    %dma_start3A_795 = tpu.memref_slice %arg5[%dma_start3A_789, %dma_start3A_794] : memref<64x128xi32, #tpu.memory_space<vmem>> -> memref<1x128xi32, #tpu.memory_space<vmem>>
    %dma_start3A_796 = tpu.memref_squeeze %dma_start3A_795 : memref<1x128xi32, #tpu.memory_space<vmem>> -> memref<128xi32, #tpu.memory_space<vmem>>
    %dma_start3A_797 = arith.constant 0 : i32
    %dma_start3A_798 = tpu.memref_slice %arg3[%dma_start3A_797] : memref<9600016xf32, #tpu.memory_space<hbm>> -> memref<9600016xf32, #tpu.memory_space<hbm>>
    tpu.enqueue_indirect_dma source(%dma_start3A_798 : memref<9600016xf32, #tpu.memory_space<hbm>>) target(%dma_start3A_793 : memref<128xf32, #tpu.memory_space<vmem>>) offsets(%dma_start3A_796 : memref<128xi32, #tpu.memory_space<vmem>>) semaphore(%arg7 : memref<!tpu.dma_semaphore, #tpu.memory_space<semaphore_mem>>)
    %dma_start3A_799 = arith.constant 46 : i32
    %dma_start3A_800 = arith.constant 46 : i32
    %dma_start3A_801 = arith.constant 0 : i32
    %dma_start3A_802 = tpu.memref_slice %arg6[%dma_start3A_800, %dma_start3A_801] : memref<64x128xf32, #tpu.memory_space<vmem>> -> memref<1x128xf32, #tpu.memory_space<vmem>>
    %dma_start3A_803 = tpu.memref_squeeze %dma_start3A_802 : memref<1x128xf32, #tpu.memory_space<vmem>> -> memref<128xf32, #tpu.memory_space<vmem>>
    %dma_start3A_804 = arith.constant 0 : i32
    %dma_start3A_805 = tpu.memref_slice %arg5[%dma_start3A_799, %dma_start3A_804] : memref<64x128xi32, #tpu.memory_space<vmem>> -> memref<1x128xi32, #tpu.memory_space<vmem>>
    %dma_start3A_806 = tpu.memref_squeeze %dma_start3A_805 : memref<1x128xi32, #tpu.memory_space<vmem>> -> memref<128xi32, #tpu.memory_space<vmem>>
    %dma_start3A_807 = arith.constant 0 : i32
    %dma_start3A_808 = tpu.memref_slice %arg3[%dma_start3A_807] : memref<9600016xf32, #tpu.memory_space<hbm>> -> memref<9600016xf32, #tpu.memory_space<hbm>>
    tpu.enqueue_indirect_dma source(%dma_start3A_808 : memref<9600016xf32, #tpu.memory_space<hbm>>) target(%dma_start3A_803 : memref<128xf32, #tpu.memory_space<vmem>>) offsets(%dma_start3A_806 : memref<128xi32, #tpu.memory_space<vmem>>) semaphore(%arg7 : memref<!tpu.dma_semaphore, #tpu.memory_space<semaphore_mem>>)
    %dma_start3A_809 = arith.constant 47 : i32
    %dma_start3A_810 = arith.constant 47 : i32
    %dma_start3A_811 = arith.constant 0 : i32
    %dma_start3A_812 = tpu.memref_slice %arg6[%dma_start3A_810, %dma_start3A_811] : memref<64x128xf32, #tpu.memory_space<vmem>> -> memref<1x128xf32, #tpu.memory_space<vmem>>
    %dma_start3A_813 = tpu.memref_squeeze %dma_start3A_812 : memref<1x128xf32, #tpu.memory_space<vmem>> -> memref<128xf32, #tpu.memory_space<vmem>>
    %dma_start3A_814 = arith.constant 0 : i32
    %dma_start3A_815 = tpu.memref_slice %arg5[%dma_start3A_809, %dma_start3A_814] : memref<64x128xi32, #tpu.memory_space<vmem>> -> memref<1x128xi32, #tpu.memory_space<vmem>>
    %dma_start3A_816 = tpu.memref_squeeze %dma_start3A_815 : memref<1x128xi32, #tpu.memory_space<vmem>> -> memref<128xi32, #tpu.memory_space<vmem>>
    %dma_start3A_817 = arith.constant 0 : i32
    %dma_start3A_818 = tpu.memref_slice %arg3[%dma_start3A_817] : memref<9600016xf32, #tpu.memory_space<hbm>> -> memref<9600016xf32, #tpu.memory_space<hbm>>
    tpu.enqueue_indirect_dma source(%dma_start3A_818 : memref<9600016xf32, #tpu.memory_space<hbm>>) target(%dma_start3A_813 : memref<128xf32, #tpu.memory_space<vmem>>) offsets(%dma_start3A_816 : memref<128xi32, #tpu.memory_space<vmem>>) semaphore(%arg7 : memref<!tpu.dma_semaphore, #tpu.memory_space<semaphore_mem>>)
    %dma_wait3A_819 = arith.constant 32 : i32
    %dma_wait3A_820 = arith.constant 32 : i32
    %dma_wait3A_821 = arith.constant 0 : i32
    %dma_wait3A_822 = tpu.memref_slice %arg6[%dma_wait3A_820, %dma_wait3A_821] : memref<64x128xf32, #tpu.memory_space<vmem>> -> memref<1x128xf32, #tpu.memory_space<vmem>>
    %dma_wait3A_823 = tpu.memref_squeeze %dma_wait3A_822 : memref<1x128xf32, #tpu.memory_space<vmem>> -> memref<128xf32, #tpu.memory_space<vmem>>
    %dma_wait3A_824 = arith.constant 0 : i32
    %dma_wait3A_825 = tpu.memref_slice %arg5[%dma_wait3A_819, %dma_wait3A_824] : memref<64x128xi32, #tpu.memory_space<vmem>> -> memref<1x128xi32, #tpu.memory_space<vmem>>
    %dma_wait3A_826 = tpu.memref_squeeze %dma_wait3A_825 : memref<1x128xi32, #tpu.memory_space<vmem>> -> memref<128xi32, #tpu.memory_space<vmem>>
    %dma_wait3A_827 = arith.constant 0 : i32
    %dma_wait3A_828 = tpu.memref_slice %arg3[%dma_wait3A_827] : memref<9600016xf32, #tpu.memory_space<hbm>> -> memref<9600016xf32, #tpu.memory_space<hbm>>
    tpu.wait_indirect_dma semaphore(%arg7 : memref<!tpu.dma_semaphore, #tpu.memory_space<semaphore_mem>>) src(%dma_wait3A_828 : memref<9600016xf32, #tpu.memory_space<hbm>>) dst(%dma_wait3A_823 : memref<128xf32, #tpu.memory_space<vmem>>)
    %dma_wait3A_829 = arith.constant 33 : i32
    %dma_wait3A_830 = arith.constant 33 : i32
    %dma_wait3A_831 = arith.constant 0 : i32
    %dma_wait3A_832 = tpu.memref_slice %arg6[%dma_wait3A_830, %dma_wait3A_831] : memref<64x128xf32, #tpu.memory_space<vmem>> -> memref<1x128xf32, #tpu.memory_space<vmem>>
    %dma_wait3A_833 = tpu.memref_squeeze %dma_wait3A_832 : memref<1x128xf32, #tpu.memory_space<vmem>> -> memref<128xf32, #tpu.memory_space<vmem>>
    %dma_wait3A_834 = arith.constant 0 : i32
    %dma_wait3A_835 = tpu.memref_slice %arg5[%dma_wait3A_829, %dma_wait3A_834] : memref<64x128xi32, #tpu.memory_space<vmem>> -> memref<1x128xi32, #tpu.memory_space<vmem>>
    %dma_wait3A_836 = tpu.memref_squeeze %dma_wait3A_835 : memref<1x128xi32, #tpu.memory_space<vmem>> -> memref<128xi32, #tpu.memory_space<vmem>>
    %dma_wait3A_837 = arith.constant 0 : i32
    %dma_wait3A_838 = tpu.memref_slice %arg3[%dma_wait3A_837] : memref<9600016xf32, #tpu.memory_space<hbm>> -> memref<9600016xf32, #tpu.memory_space<hbm>>
    tpu.wait_indirect_dma semaphore(%arg7 : memref<!tpu.dma_semaphore, #tpu.memory_space<semaphore_mem>>) src(%dma_wait3A_838 : memref<9600016xf32, #tpu.memory_space<hbm>>) dst(%dma_wait3A_833 : memref<128xf32, #tpu.memory_space<vmem>>)
    %dma_wait3A_839 = arith.constant 34 : i32
    %dma_wait3A_840 = arith.constant 34 : i32
    %dma_wait3A_841 = arith.constant 0 : i32
    %dma_wait3A_842 = tpu.memref_slice %arg6[%dma_wait3A_840, %dma_wait3A_841] : memref<64x128xf32, #tpu.memory_space<vmem>> -> memref<1x128xf32, #tpu.memory_space<vmem>>
    %dma_wait3A_843 = tpu.memref_squeeze %dma_wait3A_842 : memref<1x128xf32, #tpu.memory_space<vmem>> -> memref<128xf32, #tpu.memory_space<vmem>>
    %dma_wait3A_844 = arith.constant 0 : i32
    %dma_wait3A_845 = tpu.memref_slice %arg5[%dma_wait3A_839, %dma_wait3A_844] : memref<64x128xi32, #tpu.memory_space<vmem>> -> memref<1x128xi32, #tpu.memory_space<vmem>>
    %dma_wait3A_846 = tpu.memref_squeeze %dma_wait3A_845 : memref<1x128xi32, #tpu.memory_space<vmem>> -> memref<128xi32, #tpu.memory_space<vmem>>
    %dma_wait3A_847 = arith.constant 0 : i32
    %dma_wait3A_848 = tpu.memref_slice %arg3[%dma_wait3A_847] : memref<9600016xf32, #tpu.memory_space<hbm>> -> memref<9600016xf32, #tpu.memory_space<hbm>>
    tpu.wait_indirect_dma semaphore(%arg7 : memref<!tpu.dma_semaphore, #tpu.memory_space<semaphore_mem>>) src(%dma_wait3A_848 : memref<9600016xf32, #tpu.memory_space<hbm>>) dst(%dma_wait3A_843 : memref<128xf32, #tpu.memory_space<vmem>>)
    %dma_wait3A_849 = arith.constant 35 : i32
    %dma_wait3A_850 = arith.constant 35 : i32
    %dma_wait3A_851 = arith.constant 0 : i32
    %dma_wait3A_852 = tpu.memref_slice %arg6[%dma_wait3A_850, %dma_wait3A_851] : memref<64x128xf32, #tpu.memory_space<vmem>> -> memref<1x128xf32, #tpu.memory_space<vmem>>
    %dma_wait3A_853 = tpu.memref_squeeze %dma_wait3A_852 : memref<1x128xf32, #tpu.memory_space<vmem>> -> memref<128xf32, #tpu.memory_space<vmem>>
    %dma_wait3A_854 = arith.constant 0 : i32
    %dma_wait3A_855 = tpu.memref_slice %arg5[%dma_wait3A_849, %dma_wait3A_854] : memref<64x128xi32, #tpu.memory_space<vmem>> -> memref<1x128xi32, #tpu.memory_space<vmem>>
    %dma_wait3A_856 = tpu.memref_squeeze %dma_wait3A_855 : memref<1x128xi32, #tpu.memory_space<vmem>> -> memref<128xi32, #tpu.memory_space<vmem>>
    %dma_wait3A_857 = arith.constant 0 : i32
    %dma_wait3A_858 = tpu.memref_slice %arg3[%dma_wait3A_857] : memref<9600016xf32, #tpu.memory_space<hbm>> -> memref<9600016xf32, #tpu.memory_space<hbm>>
    tpu.wait_indirect_dma semaphore(%arg7 : memref<!tpu.dma_semaphore, #tpu.memory_space<semaphore_mem>>) src(%dma_wait3A_858 : memref<9600016xf32, #tpu.memory_space<hbm>>) dst(%dma_wait3A_853 : memref<128xf32, #tpu.memory_space<vmem>>)
    %dma_wait3A_859 = arith.constant 36 : i32
    %dma_wait3A_860 = arith.constant 36 : i32
    %dma_wait3A_861 = arith.constant 0 : i32
    %dma_wait3A_862 = tpu.memref_slice %arg6[%dma_wait3A_860, %dma_wait3A_861] : memref<64x128xf32, #tpu.memory_space<vmem>> -> memref<1x128xf32, #tpu.memory_space<vmem>>
    %dma_wait3A_863 = tpu.memref_squeeze %dma_wait3A_862 : memref<1x128xf32, #tpu.memory_space<vmem>> -> memref<128xf32, #tpu.memory_space<vmem>>
    %dma_wait3A_864 = arith.constant 0 : i32
    %dma_wait3A_865 = tpu.memref_slice %arg5[%dma_wait3A_859, %dma_wait3A_864] : memref<64x128xi32, #tpu.memory_space<vmem>> -> memref<1x128xi32, #tpu.memory_space<vmem>>
    %dma_wait3A_866 = tpu.memref_squeeze %dma_wait3A_865 : memref<1x128xi32, #tpu.memory_space<vmem>> -> memref<128xi32, #tpu.memory_space<vmem>>
    %dma_wait3A_867 = arith.constant 0 : i32
    %dma_wait3A_868 = tpu.memref_slice %arg3[%dma_wait3A_867] : memref<9600016xf32, #tpu.memory_space<hbm>> -> memref<9600016xf32, #tpu.memory_space<hbm>>
    tpu.wait_indirect_dma semaphore(%arg7 : memref<!tpu.dma_semaphore, #tpu.memory_space<semaphore_mem>>) src(%dma_wait3A_868 : memref<9600016xf32, #tpu.memory_space<hbm>>) dst(%dma_wait3A_863 : memref<128xf32, #tpu.memory_space<vmem>>)
    %dma_wait3A_869 = arith.constant 37 : i32
    %dma_wait3A_870 = arith.constant 37 : i32
    %dma_wait3A_871 = arith.constant 0 : i32
    %dma_wait3A_872 = tpu.memref_slice %arg6[%dma_wait3A_870, %dma_wait3A_871] : memref<64x128xf32, #tpu.memory_space<vmem>> -> memref<1x128xf32, #tpu.memory_space<vmem>>
    %dma_wait3A_873 = tpu.memref_squeeze %dma_wait3A_872 : memref<1x128xf32, #tpu.memory_space<vmem>> -> memref<128xf32, #tpu.memory_space<vmem>>
    %dma_wait3A_874 = arith.constant 0 : i32
    %dma_wait3A_875 = tpu.memref_slice %arg5[%dma_wait3A_869, %dma_wait3A_874] : memref<64x128xi32, #tpu.memory_space<vmem>> -> memref<1x128xi32, #tpu.memory_space<vmem>>
    %dma_wait3A_876 = tpu.memref_squeeze %dma_wait3A_875 : memref<1x128xi32, #tpu.memory_space<vmem>> -> memref<128xi32, #tpu.memory_space<vmem>>
    %dma_wait3A_877 = arith.constant 0 : i32
    %dma_wait3A_878 = tpu.memref_slice %arg3[%dma_wait3A_877] : memref<9600016xf32, #tpu.memory_space<hbm>> -> memref<9600016xf32, #tpu.memory_space<hbm>>
    tpu.wait_indirect_dma semaphore(%arg7 : memref<!tpu.dma_semaphore, #tpu.memory_space<semaphore_mem>>) src(%dma_wait3A_878 : memref<9600016xf32, #tpu.memory_space<hbm>>) dst(%dma_wait3A_873 : memref<128xf32, #tpu.memory_space<vmem>>)
    %dma_wait3A_879 = arith.constant 38 : i32
    %dma_wait3A_880 = arith.constant 38 : i32
    %dma_wait3A_881 = arith.constant 0 : i32
    %dma_wait3A_882 = tpu.memref_slice %arg6[%dma_wait3A_880, %dma_wait3A_881] : memref<64x128xf32, #tpu.memory_space<vmem>> -> memref<1x128xf32, #tpu.memory_space<vmem>>
    %dma_wait3A_883 = tpu.memref_squeeze %dma_wait3A_882 : memref<1x128xf32, #tpu.memory_space<vmem>> -> memref<128xf32, #tpu.memory_space<vmem>>
    %dma_wait3A_884 = arith.constant 0 : i32
    %dma_wait3A_885 = tpu.memref_slice %arg5[%dma_wait3A_879, %dma_wait3A_884] : memref<64x128xi32, #tpu.memory_space<vmem>> -> memref<1x128xi32, #tpu.memory_space<vmem>>
    %dma_wait3A_886 = tpu.memref_squeeze %dma_wait3A_885 : memref<1x128xi32, #tpu.memory_space<vmem>> -> memref<128xi32, #tpu.memory_space<vmem>>
    %dma_wait3A_887 = arith.constant 0 : i32
    %dma_wait3A_888 = tpu.memref_slice %arg3[%dma_wait3A_887] : memref<9600016xf32, #tpu.memory_space<hbm>> -> memref<9600016xf32, #tpu.memory_space<hbm>>
    tpu.wait_indirect_dma semaphore(%arg7 : memref<!tpu.dma_semaphore, #tpu.memory_space<semaphore_mem>>) src(%dma_wait3A_888 : memref<9600016xf32, #tpu.memory_space<hbm>>) dst(%dma_wait3A_883 : memref<128xf32, #tpu.memory_space<vmem>>)
    %dma_wait3A_889 = arith.constant 39 : i32
    %dma_wait3A_890 = arith.constant 39 : i32
    %dma_wait3A_891 = arith.constant 0 : i32
    %dma_wait3A_892 = tpu.memref_slice %arg6[%dma_wait3A_890, %dma_wait3A_891] : memref<64x128xf32, #tpu.memory_space<vmem>> -> memref<1x128xf32, #tpu.memory_space<vmem>>
    %dma_wait3A_893 = tpu.memref_squeeze %dma_wait3A_892 : memref<1x128xf32, #tpu.memory_space<vmem>> -> memref<128xf32, #tpu.memory_space<vmem>>
    %dma_wait3A_894 = arith.constant 0 : i32
    %dma_wait3A_895 = tpu.memref_slice %arg5[%dma_wait3A_889, %dma_wait3A_894] : memref<64x128xi32, #tpu.memory_space<vmem>> -> memref<1x128xi32, #tpu.memory_space<vmem>>
    %dma_wait3A_896 = tpu.memref_squeeze %dma_wait3A_895 : memref<1x128xi32, #tpu.memory_space<vmem>> -> memref<128xi32, #tpu.memory_space<vmem>>
    %dma_wait3A_897 = arith.constant 0 : i32
    %dma_wait3A_898 = tpu.memref_slice %arg3[%dma_wait3A_897] : memref<9600016xf32, #tpu.memory_space<hbm>> -> memref<9600016xf32, #tpu.memory_space<hbm>>
    tpu.wait_indirect_dma semaphore(%arg7 : memref<!tpu.dma_semaphore, #tpu.memory_space<semaphore_mem>>) src(%dma_wait3A_898 : memref<9600016xf32, #tpu.memory_space<hbm>>) dst(%dma_wait3A_893 : memref<128xf32, #tpu.memory_space<vmem>>)
    %dma_wait3A_899 = arith.constant 40 : i32
    %dma_wait3A_900 = arith.constant 40 : i32
    %dma_wait3A_901 = arith.constant 0 : i32
    %dma_wait3A_902 = tpu.memref_slice %arg6[%dma_wait3A_900, %dma_wait3A_901] : memref<64x128xf32, #tpu.memory_space<vmem>> -> memref<1x128xf32, #tpu.memory_space<vmem>>
    %dma_wait3A_903 = tpu.memref_squeeze %dma_wait3A_902 : memref<1x128xf32, #tpu.memory_space<vmem>> -> memref<128xf32, #tpu.memory_space<vmem>>
    %dma_wait3A_904 = arith.constant 0 : i32
    %dma_wait3A_905 = tpu.memref_slice %arg5[%dma_wait3A_899, %dma_wait3A_904] : memref<64x128xi32, #tpu.memory_space<vmem>> -> memref<1x128xi32, #tpu.memory_space<vmem>>
    %dma_wait3A_906 = tpu.memref_squeeze %dma_wait3A_905 : memref<1x128xi32, #tpu.memory_space<vmem>> -> memref<128xi32, #tpu.memory_space<vmem>>
    %dma_wait3A_907 = arith.constant 0 : i32
    %dma_wait3A_908 = tpu.memref_slice %arg3[%dma_wait3A_907] : memref<9600016xf32, #tpu.memory_space<hbm>> -> memref<9600016xf32, #tpu.memory_space<hbm>>
    tpu.wait_indirect_dma semaphore(%arg7 : memref<!tpu.dma_semaphore, #tpu.memory_space<semaphore_mem>>) src(%dma_wait3A_908 : memref<9600016xf32, #tpu.memory_space<hbm>>) dst(%dma_wait3A_903 : memref<128xf32, #tpu.memory_space<vmem>>)
    %dma_wait3A_909 = arith.constant 41 : i32
    %dma_wait3A_910 = arith.constant 41 : i32
    %dma_wait3A_911 = arith.constant 0 : i32
    %dma_wait3A_912 = tpu.memref_slice %arg6[%dma_wait3A_910, %dma_wait3A_911] : memref<64x128xf32, #tpu.memory_space<vmem>> -> memref<1x128xf32, #tpu.memory_space<vmem>>
    %dma_wait3A_913 = tpu.memref_squeeze %dma_wait3A_912 : memref<1x128xf32, #tpu.memory_space<vmem>> -> memref<128xf32, #tpu.memory_space<vmem>>
    %dma_wait3A_914 = arith.constant 0 : i32
    %dma_wait3A_915 = tpu.memref_slice %arg5[%dma_wait3A_909, %dma_wait3A_914] : memref<64x128xi32, #tpu.memory_space<vmem>> -> memref<1x128xi32, #tpu.memory_space<vmem>>
    %dma_wait3A_916 = tpu.memref_squeeze %dma_wait3A_915 : memref<1x128xi32, #tpu.memory_space<vmem>> -> memref<128xi32, #tpu.memory_space<vmem>>
    %dma_wait3A_917 = arith.constant 0 : i32
    %dma_wait3A_918 = tpu.memref_slice %arg3[%dma_wait3A_917] : memref<9600016xf32, #tpu.memory_space<hbm>> -> memref<9600016xf32, #tpu.memory_space<hbm>>
    tpu.wait_indirect_dma semaphore(%arg7 : memref<!tpu.dma_semaphore, #tpu.memory_space<semaphore_mem>>) src(%dma_wait3A_918 : memref<9600016xf32, #tpu.memory_space<hbm>>) dst(%dma_wait3A_913 : memref<128xf32, #tpu.memory_space<vmem>>)
    %dma_wait3A_919 = arith.constant 42 : i32
    %dma_wait3A_920 = arith.constant 42 : i32
    %dma_wait3A_921 = arith.constant 0 : i32
    %dma_wait3A_922 = tpu.memref_slice %arg6[%dma_wait3A_920, %dma_wait3A_921] : memref<64x128xf32, #tpu.memory_space<vmem>> -> memref<1x128xf32, #tpu.memory_space<vmem>>
    %dma_wait3A_923 = tpu.memref_squeeze %dma_wait3A_922 : memref<1x128xf32, #tpu.memory_space<vmem>> -> memref<128xf32, #tpu.memory_space<vmem>>
    %dma_wait3A_924 = arith.constant 0 : i32
    %dma_wait3A_925 = tpu.memref_slice %arg5[%dma_wait3A_919, %dma_wait3A_924] : memref<64x128xi32, #tpu.memory_space<vmem>> -> memref<1x128xi32, #tpu.memory_space<vmem>>
    %dma_wait3A_926 = tpu.memref_squeeze %dma_wait3A_925 : memref<1x128xi32, #tpu.memory_space<vmem>> -> memref<128xi32, #tpu.memory_space<vmem>>
    %dma_wait3A_927 = arith.constant 0 : i32
    %dma_wait3A_928 = tpu.memref_slice %arg3[%dma_wait3A_927] : memref<9600016xf32, #tpu.memory_space<hbm>> -> memref<9600016xf32, #tpu.memory_space<hbm>>
    tpu.wait_indirect_dma semaphore(%arg7 : memref<!tpu.dma_semaphore, #tpu.memory_space<semaphore_mem>>) src(%dma_wait3A_928 : memref<9600016xf32, #tpu.memory_space<hbm>>) dst(%dma_wait3A_923 : memref<128xf32, #tpu.memory_space<vmem>>)
    %dma_wait3A_929 = arith.constant 43 : i32
    %dma_wait3A_930 = arith.constant 43 : i32
    %dma_wait3A_931 = arith.constant 0 : i32
    %dma_wait3A_932 = tpu.memref_slice %arg6[%dma_wait3A_930, %dma_wait3A_931] : memref<64x128xf32, #tpu.memory_space<vmem>> -> memref<1x128xf32, #tpu.memory_space<vmem>>
    %dma_wait3A_933 = tpu.memref_squeeze %dma_wait3A_932 : memref<1x128xf32, #tpu.memory_space<vmem>> -> memref<128xf32, #tpu.memory_space<vmem>>
    %dma_wait3A_934 = arith.constant 0 : i32
    %dma_wait3A_935 = tpu.memref_slice %arg5[%dma_wait3A_929, %dma_wait3A_934] : memref<64x128xi32, #tpu.memory_space<vmem>> -> memref<1x128xi32, #tpu.memory_space<vmem>>
    %dma_wait3A_936 = tpu.memref_squeeze %dma_wait3A_935 : memref<1x128xi32, #tpu.memory_space<vmem>> -> memref<128xi32, #tpu.memory_space<vmem>>
    %dma_wait3A_937 = arith.constant 0 : i32
    %dma_wait3A_938 = tpu.memref_slice %arg3[%dma_wait3A_937] : memref<9600016xf32, #tpu.memory_space<hbm>> -> memref<9600016xf32, #tpu.memory_space<hbm>>
    tpu.wait_indirect_dma semaphore(%arg7 : memref<!tpu.dma_semaphore, #tpu.memory_space<semaphore_mem>>) src(%dma_wait3A_938 : memref<9600016xf32, #tpu.memory_space<hbm>>) dst(%dma_wait3A_933 : memref<128xf32, #tpu.memory_space<vmem>>)
    %dma_wait3A_939 = arith.constant 44 : i32
    %dma_wait3A_940 = arith.constant 44 : i32
    %dma_wait3A_941 = arith.constant 0 : i32
    %dma_wait3A_942 = tpu.memref_slice %arg6[%dma_wait3A_940, %dma_wait3A_941] : memref<64x128xf32, #tpu.memory_space<vmem>> -> memref<1x128xf32, #tpu.memory_space<vmem>>
    %dma_wait3A_943 = tpu.memref_squeeze %dma_wait3A_942 : memref<1x128xf32, #tpu.memory_space<vmem>> -> memref<128xf32, #tpu.memory_space<vmem>>
    %dma_wait3A_944 = arith.constant 0 : i32
    %dma_wait3A_945 = tpu.memref_slice %arg5[%dma_wait3A_939, %dma_wait3A_944] : memref<64x128xi32, #tpu.memory_space<vmem>> -> memref<1x128xi32, #tpu.memory_space<vmem>>
    %dma_wait3A_946 = tpu.memref_squeeze %dma_wait3A_945 : memref<1x128xi32, #tpu.memory_space<vmem>> -> memref<128xi32, #tpu.memory_space<vmem>>
    %dma_wait3A_947 = arith.constant 0 : i32
    %dma_wait3A_948 = tpu.memref_slice %arg3[%dma_wait3A_947] : memref<9600016xf32, #tpu.memory_space<hbm>> -> memref<9600016xf32, #tpu.memory_space<hbm>>
    tpu.wait_indirect_dma semaphore(%arg7 : memref<!tpu.dma_semaphore, #tpu.memory_space<semaphore_mem>>) src(%dma_wait3A_948 : memref<9600016xf32, #tpu.memory_space<hbm>>) dst(%dma_wait3A_943 : memref<128xf32, #tpu.memory_space<vmem>>)
    %dma_wait3A_949 = arith.constant 45 : i32
    %dma_wait3A_950 = arith.constant 45 : i32
    %dma_wait3A_951 = arith.constant 0 : i32
    %dma_wait3A_952 = tpu.memref_slice %arg6[%dma_wait3A_950, %dma_wait3A_951] : memref<64x128xf32, #tpu.memory_space<vmem>> -> memref<1x128xf32, #tpu.memory_space<vmem>>
    %dma_wait3A_953 = tpu.memref_squeeze %dma_wait3A_952 : memref<1x128xf32, #tpu.memory_space<vmem>> -> memref<128xf32, #tpu.memory_space<vmem>>
    %dma_wait3A_954 = arith.constant 0 : i32
    %dma_wait3A_955 = tpu.memref_slice %arg5[%dma_wait3A_949, %dma_wait3A_954] : memref<64x128xi32, #tpu.memory_space<vmem>> -> memref<1x128xi32, #tpu.memory_space<vmem>>
    %dma_wait3A_956 = tpu.memref_squeeze %dma_wait3A_955 : memref<1x128xi32, #tpu.memory_space<vmem>> -> memref<128xi32, #tpu.memory_space<vmem>>
    %dma_wait3A_957 = arith.constant 0 : i32
    %dma_wait3A_958 = tpu.memref_slice %arg3[%dma_wait3A_957] : memref<9600016xf32, #tpu.memory_space<hbm>> -> memref<9600016xf32, #tpu.memory_space<hbm>>
    tpu.wait_indirect_dma semaphore(%arg7 : memref<!tpu.dma_semaphore, #tpu.memory_space<semaphore_mem>>) src(%dma_wait3A_958 : memref<9600016xf32, #tpu.memory_space<hbm>>) dst(%dma_wait3A_953 : memref<128xf32, #tpu.memory_space<vmem>>)
    %dma_wait3A_959 = arith.constant 46 : i32
    %dma_wait3A_960 = arith.constant 46 : i32
    %dma_wait3A_961 = arith.constant 0 : i32
    %dma_wait3A_962 = tpu.memref_slice %arg6[%dma_wait3A_960, %dma_wait3A_961] : memref<64x128xf32, #tpu.memory_space<vmem>> -> memref<1x128xf32, #tpu.memory_space<vmem>>
    %dma_wait3A_963 = tpu.memref_squeeze %dma_wait3A_962 : memref<1x128xf32, #tpu.memory_space<vmem>> -> memref<128xf32, #tpu.memory_space<vmem>>
    %dma_wait3A_964 = arith.constant 0 : i32
    %dma_wait3A_965 = tpu.memref_slice %arg5[%dma_wait3A_959, %dma_wait3A_964] : memref<64x128xi32, #tpu.memory_space<vmem>> -> memref<1x128xi32, #tpu.memory_space<vmem>>
    %dma_wait3A_966 = tpu.memref_squeeze %dma_wait3A_965 : memref<1x128xi32, #tpu.memory_space<vmem>> -> memref<128xi32, #tpu.memory_space<vmem>>
    %dma_wait3A_967 = arith.constant 0 : i32
    %dma_wait3A_968 = tpu.memref_slice %arg3[%dma_wait3A_967] : memref<9600016xf32, #tpu.memory_space<hbm>> -> memref<9600016xf32, #tpu.memory_space<hbm>>
    tpu.wait_indirect_dma semaphore(%arg7 : memref<!tpu.dma_semaphore, #tpu.memory_space<semaphore_mem>>) src(%dma_wait3A_968 : memref<9600016xf32, #tpu.memory_space<hbm>>) dst(%dma_wait3A_963 : memref<128xf32, #tpu.memory_space<vmem>>)
    %dma_wait3A_969 = arith.constant 47 : i32
    %dma_wait3A_970 = arith.constant 47 : i32
    %dma_wait3A_971 = arith.constant 0 : i32
    %dma_wait3A_972 = tpu.memref_slice %arg6[%dma_wait3A_970, %dma_wait3A_971] : memref<64x128xf32, #tpu.memory_space<vmem>> -> memref<1x128xf32, #tpu.memory_space<vmem>>
    %dma_wait3A_973 = tpu.memref_squeeze %dma_wait3A_972 : memref<1x128xf32, #tpu.memory_space<vmem>> -> memref<128xf32, #tpu.memory_space<vmem>>
    %dma_wait3A_974 = arith.constant 0 : i32
    %dma_wait3A_975 = tpu.memref_slice %arg5[%dma_wait3A_969, %dma_wait3A_974] : memref<64x128xi32, #tpu.memory_space<vmem>> -> memref<1x128xi32, #tpu.memory_space<vmem>>
    %dma_wait3A_976 = tpu.memref_squeeze %dma_wait3A_975 : memref<1x128xi32, #tpu.memory_space<vmem>> -> memref<128xi32, #tpu.memory_space<vmem>>
    %dma_wait3A_977 = arith.constant 0 : i32
    %dma_wait3A_978 = tpu.memref_slice %arg3[%dma_wait3A_977] : memref<9600016xf32, #tpu.memory_space<hbm>> -> memref<9600016xf32, #tpu.memory_space<hbm>>
    tpu.wait_indirect_dma semaphore(%arg7 : memref<!tpu.dma_semaphore, #tpu.memory_space<semaphore_mem>>) src(%dma_wait3A_978 : memref<9600016xf32, #tpu.memory_space<hbm>>) dst(%dma_wait3A_973 : memref<128xf32, #tpu.memory_space<vmem>>)
    %dma_start3A_979 = arith.constant 48 : i32
    %dma_start3A_980 = arith.constant 48 : i32
    %dma_start3A_981 = arith.constant 0 : i32
    %dma_start3A_982 = tpu.memref_slice %arg6[%dma_start3A_980, %dma_start3A_981] : memref<64x128xf32, #tpu.memory_space<vmem>> -> memref<1x128xf32, #tpu.memory_space<vmem>>
    %dma_start3A_983 = tpu.memref_squeeze %dma_start3A_982 : memref<1x128xf32, #tpu.memory_space<vmem>> -> memref<128xf32, #tpu.memory_space<vmem>>
    %dma_start3A_984 = arith.constant 0 : i32
    %dma_start3A_985 = tpu.memref_slice %arg5[%dma_start3A_979, %dma_start3A_984] : memref<64x128xi32, #tpu.memory_space<vmem>> -> memref<1x128xi32, #tpu.memory_space<vmem>>
    %dma_start3A_986 = tpu.memref_squeeze %dma_start3A_985 : memref<1x128xi32, #tpu.memory_space<vmem>> -> memref<128xi32, #tpu.memory_space<vmem>>
    %dma_start3A_987 = arith.constant 0 : i32
    %dma_start3A_988 = tpu.memref_slice %arg3[%dma_start3A_987] : memref<9600016xf32, #tpu.memory_space<hbm>> -> memref<9600016xf32, #tpu.memory_space<hbm>>
    tpu.enqueue_indirect_dma source(%dma_start3A_988 : memref<9600016xf32, #tpu.memory_space<hbm>>) target(%dma_start3A_983 : memref<128xf32, #tpu.memory_space<vmem>>) offsets(%dma_start3A_986 : memref<128xi32, #tpu.memory_space<vmem>>) semaphore(%arg7 : memref<!tpu.dma_semaphore, #tpu.memory_space<semaphore_mem>>)
    %dma_start3A_989 = arith.constant 49 : i32
    %dma_start3A_990 = arith.constant 49 : i32
    %dma_start3A_991 = arith.constant 0 : i32
    %dma_start3A_992 = tpu.memref_slice %arg6[%dma_start3A_990, %dma_start3A_991] : memref<64x128xf32, #tpu.memory_space<vmem>> -> memref<1x128xf32, #tpu.memory_space<vmem>>
    %dma_start3A_993 = tpu.memref_squeeze %dma_start3A_992 : memref<1x128xf32, #tpu.memory_space<vmem>> -> memref<128xf32, #tpu.memory_space<vmem>>
    %dma_start3A_994 = arith.constant 0 : i32
    %dma_start3A_995 = tpu.memref_slice %arg5[%dma_start3A_989, %dma_start3A_994] : memref<64x128xi32, #tpu.memory_space<vmem>> -> memref<1x128xi32, #tpu.memory_space<vmem>>
    %dma_start3A_996 = tpu.memref_squeeze %dma_start3A_995 : memref<1x128xi32, #tpu.memory_space<vmem>> -> memref<128xi32, #tpu.memory_space<vmem>>
    %dma_start3A_997 = arith.constant 0 : i32
    %dma_start3A_998 = tpu.memref_slice %arg3[%dma_start3A_997] : memref<9600016xf32, #tpu.memory_space<hbm>> -> memref<9600016xf32, #tpu.memory_space<hbm>>
    tpu.enqueue_indirect_dma source(%dma_start3A_998 : memref<9600016xf32, #tpu.memory_space<hbm>>) target(%dma_start3A_993 : memref<128xf32, #tpu.memory_space<vmem>>) offsets(%dma_start3A_996 : memref<128xi32, #tpu.memory_space<vmem>>) semaphore(%arg7 : memref<!tpu.dma_semaphore, #tpu.memory_space<semaphore_mem>>)
    %dma_start3A_999 = arith.constant 50 : i32
    %dma_start3A_1000 = arith.constant 50 : i32
    %dma_start3A_1001 = arith.constant 0 : i32
    %dma_start3A_1002 = tpu.memref_slice %arg6[%dma_start3A_1000, %dma_start3A_1001] : memref<64x128xf32, #tpu.memory_space<vmem>> -> memref<1x128xf32, #tpu.memory_space<vmem>>
    %dma_start3A_1003 = tpu.memref_squeeze %dma_start3A_1002 : memref<1x128xf32, #tpu.memory_space<vmem>> -> memref<128xf32, #tpu.memory_space<vmem>>
    %dma_start3A_1004 = arith.constant 0 : i32
    %dma_start3A_1005 = tpu.memref_slice %arg5[%dma_start3A_999, %dma_start3A_1004] : memref<64x128xi32, #tpu.memory_space<vmem>> -> memref<1x128xi32, #tpu.memory_space<vmem>>
    %dma_start3A_1006 = tpu.memref_squeeze %dma_start3A_1005 : memref<1x128xi32, #tpu.memory_space<vmem>> -> memref<128xi32, #tpu.memory_space<vmem>>
    %dma_start3A_1007 = arith.constant 0 : i32
    %dma_start3A_1008 = tpu.memref_slice %arg3[%dma_start3A_1007] : memref<9600016xf32, #tpu.memory_space<hbm>> -> memref<9600016xf32, #tpu.memory_space<hbm>>
    tpu.enqueue_indirect_dma source(%dma_start3A_1008 : memref<9600016xf32, #tpu.memory_space<hbm>>) target(%dma_start3A_1003 : memref<128xf32, #tpu.memory_space<vmem>>) offsets(%dma_start3A_1006 : memref<128xi32, #tpu.memory_space<vmem>>) semaphore(%arg7 : memref<!tpu.dma_semaphore, #tpu.memory_space<semaphore_mem>>)
    %dma_start3A_1009 = arith.constant 51 : i32
    %dma_start3A_1010 = arith.constant 51 : i32
    %dma_start3A_1011 = arith.constant 0 : i32
    %dma_start3A_1012 = tpu.memref_slice %arg6[%dma_start3A_1010, %dma_start3A_1011] : memref<64x128xf32, #tpu.memory_space<vmem>> -> memref<1x128xf32, #tpu.memory_space<vmem>>
    %dma_start3A_1013 = tpu.memref_squeeze %dma_start3A_1012 : memref<1x128xf32, #tpu.memory_space<vmem>> -> memref<128xf32, #tpu.memory_space<vmem>>
    %dma_start3A_1014 = arith.constant 0 : i32
    %dma_start3A_1015 = tpu.memref_slice %arg5[%dma_start3A_1009, %dma_start3A_1014] : memref<64x128xi32, #tpu.memory_space<vmem>> -> memref<1x128xi32, #tpu.memory_space<vmem>>
    %dma_start3A_1016 = tpu.memref_squeeze %dma_start3A_1015 : memref<1x128xi32, #tpu.memory_space<vmem>> -> memref<128xi32, #tpu.memory_space<vmem>>
    %dma_start3A_1017 = arith.constant 0 : i32
    %dma_start3A_1018 = tpu.memref_slice %arg3[%dma_start3A_1017] : memref<9600016xf32, #tpu.memory_space<hbm>> -> memref<9600016xf32, #tpu.memory_space<hbm>>
    tpu.enqueue_indirect_dma source(%dma_start3A_1018 : memref<9600016xf32, #tpu.memory_space<hbm>>) target(%dma_start3A_1013 : memref<128xf32, #tpu.memory_space<vmem>>) offsets(%dma_start3A_1016 : memref<128xi32, #tpu.memory_space<vmem>>) semaphore(%arg7 : memref<!tpu.dma_semaphore, #tpu.memory_space<semaphore_mem>>)
    %dma_start3A_1019 = arith.constant 52 : i32
    %dma_start3A_1020 = arith.constant 52 : i32
    %dma_start3A_1021 = arith.constant 0 : i32
    %dma_start3A_1022 = tpu.memref_slice %arg6[%dma_start3A_1020, %dma_start3A_1021] : memref<64x128xf32, #tpu.memory_space<vmem>> -> memref<1x128xf32, #tpu.memory_space<vmem>>
    %dma_start3A_1023 = tpu.memref_squeeze %dma_start3A_1022 : memref<1x128xf32, #tpu.memory_space<vmem>> -> memref<128xf32, #tpu.memory_space<vmem>>
    %dma_start3A_1024 = arith.constant 0 : i32
    %dma_start3A_1025 = tpu.memref_slice %arg5[%dma_start3A_1019, %dma_start3A_1024] : memref<64x128xi32, #tpu.memory_space<vmem>> -> memref<1x128xi32, #tpu.memory_space<vmem>>
    %dma_start3A_1026 = tpu.memref_squeeze %dma_start3A_1025 : memref<1x128xi32, #tpu.memory_space<vmem>> -> memref<128xi32, #tpu.memory_space<vmem>>
    %dma_start3A_1027 = arith.constant 0 : i32
    %dma_start3A_1028 = tpu.memref_slice %arg3[%dma_start3A_1027] : memref<9600016xf32, #tpu.memory_space<hbm>> -> memref<9600016xf32, #tpu.memory_space<hbm>>
    tpu.enqueue_indirect_dma source(%dma_start3A_1028 : memref<9600016xf32, #tpu.memory_space<hbm>>) target(%dma_start3A_1023 : memref<128xf32, #tpu.memory_space<vmem>>) offsets(%dma_start3A_1026 : memref<128xi32, #tpu.memory_space<vmem>>) semaphore(%arg7 : memref<!tpu.dma_semaphore, #tpu.memory_space<semaphore_mem>>)
    %dma_start3A_1029 = arith.constant 53 : i32
    %dma_start3A_1030 = arith.constant 53 : i32
    %dma_start3A_1031 = arith.constant 0 : i32
    %dma_start3A_1032 = tpu.memref_slice %arg6[%dma_start3A_1030, %dma_start3A_1031] : memref<64x128xf32, #tpu.memory_space<vmem>> -> memref<1x128xf32, #tpu.memory_space<vmem>>
    %dma_start3A_1033 = tpu.memref_squeeze %dma_start3A_1032 : memref<1x128xf32, #tpu.memory_space<vmem>> -> memref<128xf32, #tpu.memory_space<vmem>>
    %dma_start3A_1034 = arith.constant 0 : i32
    %dma_start3A_1035 = tpu.memref_slice %arg5[%dma_start3A_1029, %dma_start3A_1034] : memref<64x128xi32, #tpu.memory_space<vmem>> -> memref<1x128xi32, #tpu.memory_space<vmem>>
    %dma_start3A_1036 = tpu.memref_squeeze %dma_start3A_1035 : memref<1x128xi32, #tpu.memory_space<vmem>> -> memref<128xi32, #tpu.memory_space<vmem>>
    %dma_start3A_1037 = arith.constant 0 : i32
    %dma_start3A_1038 = tpu.memref_slice %arg3[%dma_start3A_1037] : memref<9600016xf32, #tpu.memory_space<hbm>> -> memref<9600016xf32, #tpu.memory_space<hbm>>
    tpu.enqueue_indirect_dma source(%dma_start3A_1038 : memref<9600016xf32, #tpu.memory_space<hbm>>) target(%dma_start3A_1033 : memref<128xf32, #tpu.memory_space<vmem>>) offsets(%dma_start3A_1036 : memref<128xi32, #tpu.memory_space<vmem>>) semaphore(%arg7 : memref<!tpu.dma_semaphore, #tpu.memory_space<semaphore_mem>>)
    %dma_start3A_1039 = arith.constant 54 : i32
    %dma_start3A_1040 = arith.constant 54 : i32
    %dma_start3A_1041 = arith.constant 0 : i32
    %dma_start3A_1042 = tpu.memref_slice %arg6[%dma_start3A_1040, %dma_start3A_1041] : memref<64x128xf32, #tpu.memory_space<vmem>> -> memref<1x128xf32, #tpu.memory_space<vmem>>
    %dma_start3A_1043 = tpu.memref_squeeze %dma_start3A_1042 : memref<1x128xf32, #tpu.memory_space<vmem>> -> memref<128xf32, #tpu.memory_space<vmem>>
    %dma_start3A_1044 = arith.constant 0 : i32
    %dma_start3A_1045 = tpu.memref_slice %arg5[%dma_start3A_1039, %dma_start3A_1044] : memref<64x128xi32, #tpu.memory_space<vmem>> -> memref<1x128xi32, #tpu.memory_space<vmem>>
    %dma_start3A_1046 = tpu.memref_squeeze %dma_start3A_1045 : memref<1x128xi32, #tpu.memory_space<vmem>> -> memref<128xi32, #tpu.memory_space<vmem>>
    %dma_start3A_1047 = arith.constant 0 : i32
    %dma_start3A_1048 = tpu.memref_slice %arg3[%dma_start3A_1047] : memref<9600016xf32, #tpu.memory_space<hbm>> -> memref<9600016xf32, #tpu.memory_space<hbm>>
    tpu.enqueue_indirect_dma source(%dma_start3A_1048 : memref<9600016xf32, #tpu.memory_space<hbm>>) target(%dma_start3A_1043 : memref<128xf32, #tpu.memory_space<vmem>>) offsets(%dma_start3A_1046 : memref<128xi32, #tpu.memory_space<vmem>>) semaphore(%arg7 : memref<!tpu.dma_semaphore, #tpu.memory_space<semaphore_mem>>)
    %dma_start3A_1049 = arith.constant 55 : i32
    %dma_start3A_1050 = arith.constant 55 : i32
    %dma_start3A_1051 = arith.constant 0 : i32
    %dma_start3A_1052 = tpu.memref_slice %arg6[%dma_start3A_1050, %dma_start3A_1051] : memref<64x128xf32, #tpu.memory_space<vmem>> -> memref<1x128xf32, #tpu.memory_space<vmem>>
    %dma_start3A_1053 = tpu.memref_squeeze %dma_start3A_1052 : memref<1x128xf32, #tpu.memory_space<vmem>> -> memref<128xf32, #tpu.memory_space<vmem>>
    %dma_start3A_1054 = arith.constant 0 : i32
    %dma_start3A_1055 = tpu.memref_slice %arg5[%dma_start3A_1049, %dma_start3A_1054] : memref<64x128xi32, #tpu.memory_space<vmem>> -> memref<1x128xi32, #tpu.memory_space<vmem>>
    %dma_start3A_1056 = tpu.memref_squeeze %dma_start3A_1055 : memref<1x128xi32, #tpu.memory_space<vmem>> -> memref<128xi32, #tpu.memory_space<vmem>>
    %dma_start3A_1057 = arith.constant 0 : i32
    %dma_start3A_1058 = tpu.memref_slice %arg3[%dma_start3A_1057] : memref<9600016xf32, #tpu.memory_space<hbm>> -> memref<9600016xf32, #tpu.memory_space<hbm>>
    tpu.enqueue_indirect_dma source(%dma_start3A_1058 : memref<9600016xf32, #tpu.memory_space<hbm>>) target(%dma_start3A_1053 : memref<128xf32, #tpu.memory_space<vmem>>) offsets(%dma_start3A_1056 : memref<128xi32, #tpu.memory_space<vmem>>) semaphore(%arg7 : memref<!tpu.dma_semaphore, #tpu.memory_space<semaphore_mem>>)
    %dma_start3A_1059 = arith.constant 56 : i32
    %dma_start3A_1060 = arith.constant 56 : i32
    %dma_start3A_1061 = arith.constant 0 : i32
    %dma_start3A_1062 = tpu.memref_slice %arg6[%dma_start3A_1060, %dma_start3A_1061] : memref<64x128xf32, #tpu.memory_space<vmem>> -> memref<1x128xf32, #tpu.memory_space<vmem>>
    %dma_start3A_1063 = tpu.memref_squeeze %dma_start3A_1062 : memref<1x128xf32, #tpu.memory_space<vmem>> -> memref<128xf32, #tpu.memory_space<vmem>>
    %dma_start3A_1064 = arith.constant 0 : i32
    %dma_start3A_1065 = tpu.memref_slice %arg5[%dma_start3A_1059, %dma_start3A_1064] : memref<64x128xi32, #tpu.memory_space<vmem>> -> memref<1x128xi32, #tpu.memory_space<vmem>>
    %dma_start3A_1066 = tpu.memref_squeeze %dma_start3A_1065 : memref<1x128xi32, #tpu.memory_space<vmem>> -> memref<128xi32, #tpu.memory_space<vmem>>
    %dma_start3A_1067 = arith.constant 0 : i32
    %dma_start3A_1068 = tpu.memref_slice %arg3[%dma_start3A_1067] : memref<9600016xf32, #tpu.memory_space<hbm>> -> memref<9600016xf32, #tpu.memory_space<hbm>>
    tpu.enqueue_indirect_dma source(%dma_start3A_1068 : memref<9600016xf32, #tpu.memory_space<hbm>>) target(%dma_start3A_1063 : memref<128xf32, #tpu.memory_space<vmem>>) offsets(%dma_start3A_1066 : memref<128xi32, #tpu.memory_space<vmem>>) semaphore(%arg7 : memref<!tpu.dma_semaphore, #tpu.memory_space<semaphore_mem>>)
    %dma_start3A_1069 = arith.constant 57 : i32
    %dma_start3A_1070 = arith.constant 57 : i32
    %dma_start3A_1071 = arith.constant 0 : i32
    %dma_start3A_1072 = tpu.memref_slice %arg6[%dma_start3A_1070, %dma_start3A_1071] : memref<64x128xf32, #tpu.memory_space<vmem>> -> memref<1x128xf32, #tpu.memory_space<vmem>>
    %dma_start3A_1073 = tpu.memref_squeeze %dma_start3A_1072 : memref<1x128xf32, #tpu.memory_space<vmem>> -> memref<128xf32, #tpu.memory_space<vmem>>
    %dma_start3A_1074 = arith.constant 0 : i32
    %dma_start3A_1075 = tpu.memref_slice %arg5[%dma_start3A_1069, %dma_start3A_1074] : memref<64x128xi32, #tpu.memory_space<vmem>> -> memref<1x128xi32, #tpu.memory_space<vmem>>
    %dma_start3A_1076 = tpu.memref_squeeze %dma_start3A_1075 : memref<1x128xi32, #tpu.memory_space<vmem>> -> memref<128xi32, #tpu.memory_space<vmem>>
    %dma_start3A_1077 = arith.constant 0 : i32
    %dma_start3A_1078 = tpu.memref_slice %arg3[%dma_start3A_1077] : memref<9600016xf32, #tpu.memory_space<hbm>> -> memref<9600016xf32, #tpu.memory_space<hbm>>
    tpu.enqueue_indirect_dma source(%dma_start3A_1078 : memref<9600016xf32, #tpu.memory_space<hbm>>) target(%dma_start3A_1073 : memref<128xf32, #tpu.memory_space<vmem>>) offsets(%dma_start3A_1076 : memref<128xi32, #tpu.memory_space<vmem>>) semaphore(%arg7 : memref<!tpu.dma_semaphore, #tpu.memory_space<semaphore_mem>>)
    %dma_start3A_1079 = arith.constant 58 : i32
    %dma_start3A_1080 = arith.constant 58 : i32
    %dma_start3A_1081 = arith.constant 0 : i32
    %dma_start3A_1082 = tpu.memref_slice %arg6[%dma_start3A_1080, %dma_start3A_1081] : memref<64x128xf32, #tpu.memory_space<vmem>> -> memref<1x128xf32, #tpu.memory_space<vmem>>
    %dma_start3A_1083 = tpu.memref_squeeze %dma_start3A_1082 : memref<1x128xf32, #tpu.memory_space<vmem>> -> memref<128xf32, #tpu.memory_space<vmem>>
    %dma_start3A_1084 = arith.constant 0 : i32
    %dma_start3A_1085 = tpu.memref_slice %arg5[%dma_start3A_1079, %dma_start3A_1084] : memref<64x128xi32, #tpu.memory_space<vmem>> -> memref<1x128xi32, #tpu.memory_space<vmem>>
    %dma_start3A_1086 = tpu.memref_squeeze %dma_start3A_1085 : memref<1x128xi32, #tpu.memory_space<vmem>> -> memref<128xi32, #tpu.memory_space<vmem>>
    %dma_start3A_1087 = arith.constant 0 : i32
    %dma_start3A_1088 = tpu.memref_slice %arg3[%dma_start3A_1087] : memref<9600016xf32, #tpu.memory_space<hbm>> -> memref<9600016xf32, #tpu.memory_space<hbm>>
    tpu.enqueue_indirect_dma source(%dma_start3A_1088 : memref<9600016xf32, #tpu.memory_space<hbm>>) target(%dma_start3A_1083 : memref<128xf32, #tpu.memory_space<vmem>>) offsets(%dma_start3A_1086 : memref<128xi32, #tpu.memory_space<vmem>>) semaphore(%arg7 : memref<!tpu.dma_semaphore, #tpu.memory_space<semaphore_mem>>)
    %dma_start3A_1089 = arith.constant 59 : i32
    %dma_start3A_1090 = arith.constant 59 : i32
    %dma_start3A_1091 = arith.constant 0 : i32
    %dma_start3A_1092 = tpu.memref_slice %arg6[%dma_start3A_1090, %dma_start3A_1091] : memref<64x128xf32, #tpu.memory_space<vmem>> -> memref<1x128xf32, #tpu.memory_space<vmem>>
    %dma_start3A_1093 = tpu.memref_squeeze %dma_start3A_1092 : memref<1x128xf32, #tpu.memory_space<vmem>> -> memref<128xf32, #tpu.memory_space<vmem>>
    %dma_start3A_1094 = arith.constant 0 : i32
    %dma_start3A_1095 = tpu.memref_slice %arg5[%dma_start3A_1089, %dma_start3A_1094] : memref<64x128xi32, #tpu.memory_space<vmem>> -> memref<1x128xi32, #tpu.memory_space<vmem>>
    %dma_start3A_1096 = tpu.memref_squeeze %dma_start3A_1095 : memref<1x128xi32, #tpu.memory_space<vmem>> -> memref<128xi32, #tpu.memory_space<vmem>>
    %dma_start3A_1097 = arith.constant 0 : i32
    %dma_start3A_1098 = tpu.memref_slice %arg3[%dma_start3A_1097] : memref<9600016xf32, #tpu.memory_space<hbm>> -> memref<9600016xf32, #tpu.memory_space<hbm>>
    tpu.enqueue_indirect_dma source(%dma_start3A_1098 : memref<9600016xf32, #tpu.memory_space<hbm>>) target(%dma_start3A_1093 : memref<128xf32, #tpu.memory_space<vmem>>) offsets(%dma_start3A_1096 : memref<128xi32, #tpu.memory_space<vmem>>) semaphore(%arg7 : memref<!tpu.dma_semaphore, #tpu.memory_space<semaphore_mem>>)
    %dma_start3A_1099 = arith.constant 60 : i32
    %dma_start3A_1100 = arith.constant 60 : i32
    %dma_start3A_1101 = arith.constant 0 : i32
    %dma_start3A_1102 = tpu.memref_slice %arg6[%dma_start3A_1100, %dma_start3A_1101] : memref<64x128xf32, #tpu.memory_space<vmem>> -> memref<1x128xf32, #tpu.memory_space<vmem>>
    %dma_start3A_1103 = tpu.memref_squeeze %dma_start3A_1102 : memref<1x128xf32, #tpu.memory_space<vmem>> -> memref<128xf32, #tpu.memory_space<vmem>>
    %dma_start3A_1104 = arith.constant 0 : i32
    %dma_start3A_1105 = tpu.memref_slice %arg5[%dma_start3A_1099, %dma_start3A_1104] : memref<64x128xi32, #tpu.memory_space<vmem>> -> memref<1x128xi32, #tpu.memory_space<vmem>>
    %dma_start3A_1106 = tpu.memref_squeeze %dma_start3A_1105 : memref<1x128xi32, #tpu.memory_space<vmem>> -> memref<128xi32, #tpu.memory_space<vmem>>
    %dma_start3A_1107 = arith.constant 0 : i32
    %dma_start3A_1108 = tpu.memref_slice %arg3[%dma_start3A_1107] : memref<9600016xf32, #tpu.memory_space<hbm>> -> memref<9600016xf32, #tpu.memory_space<hbm>>
    tpu.enqueue_indirect_dma source(%dma_start3A_1108 : memref<9600016xf32, #tpu.memory_space<hbm>>) target(%dma_start3A_1103 : memref<128xf32, #tpu.memory_space<vmem>>) offsets(%dma_start3A_1106 : memref<128xi32, #tpu.memory_space<vmem>>) semaphore(%arg7 : memref<!tpu.dma_semaphore, #tpu.memory_space<semaphore_mem>>)
    %dma_start3A_1109 = arith.constant 61 : i32
    %dma_start3A_1110 = arith.constant 61 : i32
    %dma_start3A_1111 = arith.constant 0 : i32
    %dma_start3A_1112 = tpu.memref_slice %arg6[%dma_start3A_1110, %dma_start3A_1111] : memref<64x128xf32, #tpu.memory_space<vmem>> -> memref<1x128xf32, #tpu.memory_space<vmem>>
    %dma_start3A_1113 = tpu.memref_squeeze %dma_start3A_1112 : memref<1x128xf32, #tpu.memory_space<vmem>> -> memref<128xf32, #tpu.memory_space<vmem>>
    %dma_start3A_1114 = arith.constant 0 : i32
    %dma_start3A_1115 = tpu.memref_slice %arg5[%dma_start3A_1109, %dma_start3A_1114] : memref<64x128xi32, #tpu.memory_space<vmem>> -> memref<1x128xi32, #tpu.memory_space<vmem>>
    %dma_start3A_1116 = tpu.memref_squeeze %dma_start3A_1115 : memref<1x128xi32, #tpu.memory_space<vmem>> -> memref<128xi32, #tpu.memory_space<vmem>>
    %dma_start3A_1117 = arith.constant 0 : i32
    %dma_start3A_1118 = tpu.memref_slice %arg3[%dma_start3A_1117] : memref<9600016xf32, #tpu.memory_space<hbm>> -> memref<9600016xf32, #tpu.memory_space<hbm>>
    tpu.enqueue_indirect_dma source(%dma_start3A_1118 : memref<9600016xf32, #tpu.memory_space<hbm>>) target(%dma_start3A_1113 : memref<128xf32, #tpu.memory_space<vmem>>) offsets(%dma_start3A_1116 : memref<128xi32, #tpu.memory_space<vmem>>) semaphore(%arg7 : memref<!tpu.dma_semaphore, #tpu.memory_space<semaphore_mem>>)
    %dma_start3A_1119 = arith.constant 62 : i32
    %dma_start3A_1120 = arith.constant 62 : i32
    %dma_start3A_1121 = arith.constant 0 : i32
    %dma_start3A_1122 = tpu.memref_slice %arg6[%dma_start3A_1120, %dma_start3A_1121] : memref<64x128xf32, #tpu.memory_space<vmem>> -> memref<1x128xf32, #tpu.memory_space<vmem>>
    %dma_start3A_1123 = tpu.memref_squeeze %dma_start3A_1122 : memref<1x128xf32, #tpu.memory_space<vmem>> -> memref<128xf32, #tpu.memory_space<vmem>>
    %dma_start3A_1124 = arith.constant 0 : i32
    %dma_start3A_1125 = tpu.memref_slice %arg5[%dma_start3A_1119, %dma_start3A_1124] : memref<64x128xi32, #tpu.memory_space<vmem>> -> memref<1x128xi32, #tpu.memory_space<vmem>>
    %dma_start3A_1126 = tpu.memref_squeeze %dma_start3A_1125 : memref<1x128xi32, #tpu.memory_space<vmem>> -> memref<128xi32, #tpu.memory_space<vmem>>
    %dma_start3A_1127 = arith.constant 0 : i32
    %dma_start3A_1128 = tpu.memref_slice %arg3[%dma_start3A_1127] : memref<9600016xf32, #tpu.memory_space<hbm>> -> memref<9600016xf32, #tpu.memory_space<hbm>>
    tpu.enqueue_indirect_dma source(%dma_start3A_1128 : memref<9600016xf32, #tpu.memory_space<hbm>>) target(%dma_start3A_1123 : memref<128xf32, #tpu.memory_space<vmem>>) offsets(%dma_start3A_1126 : memref<128xi32, #tpu.memory_space<vmem>>) semaphore(%arg7 : memref<!tpu.dma_semaphore, #tpu.memory_space<semaphore_mem>>)
    %dma_start3A_1129 = arith.constant 63 : i32
    %dma_start3A_1130 = arith.constant 63 : i32
    %dma_start3A_1131 = arith.constant 0 : i32
    %dma_start3A_1132 = tpu.memref_slice %arg6[%dma_start3A_1130, %dma_start3A_1131] : memref<64x128xf32, #tpu.memory_space<vmem>> -> memref<1x128xf32, #tpu.memory_space<vmem>>
    %dma_start3A_1133 = tpu.memref_squeeze %dma_start3A_1132 : memref<1x128xf32, #tpu.memory_space<vmem>> -> memref<128xf32, #tpu.memory_space<vmem>>
    %dma_start3A_1134 = arith.constant 0 : i32
    %dma_start3A_1135 = tpu.memref_slice %arg5[%dma_start3A_1129, %dma_start3A_1134] : memref<64x128xi32, #tpu.memory_space<vmem>> -> memref<1x128xi32, #tpu.memory_space<vmem>>
    %dma_start3A_1136 = tpu.memref_squeeze %dma_start3A_1135 : memref<1x128xi32, #tpu.memory_space<vmem>> -> memref<128xi32, #tpu.memory_space<vmem>>
    %dma_start3A_1137 = arith.constant 0 : i32
    %dma_start3A_1138 = tpu.memref_slice %arg3[%dma_start3A_1137] : memref<9600016xf32, #tpu.memory_space<hbm>> -> memref<9600016xf32, #tpu.memory_space<hbm>>
    tpu.enqueue_indirect_dma source(%dma_start3A_1138 : memref<9600016xf32, #tpu.memory_space<hbm>>) target(%dma_start3A_1133 : memref<128xf32, #tpu.memory_space<vmem>>) offsets(%dma_start3A_1136 : memref<128xi32, #tpu.memory_space<vmem>>) semaphore(%arg7 : memref<!tpu.dma_semaphore, #tpu.memory_space<semaphore_mem>>)
    %dma_wait3A_1139 = arith.constant 48 : i32
    %dma_wait3A_1140 = arith.constant 48 : i32
    %dma_wait3A_1141 = arith.constant 0 : i32
    %dma_wait3A_1142 = tpu.memref_slice %arg6[%dma_wait3A_1140, %dma_wait3A_1141] : memref<64x128xf32, #tpu.memory_space<vmem>> -> memref<1x128xf32, #tpu.memory_space<vmem>>
    %dma_wait3A_1143 = tpu.memref_squeeze %dma_wait3A_1142 : memref<1x128xf32, #tpu.memory_space<vmem>> -> memref<128xf32, #tpu.memory_space<vmem>>
    %dma_wait3A_1144 = arith.constant 0 : i32
    %dma_wait3A_1145 = tpu.memref_slice %arg5[%dma_wait3A_1139, %dma_wait3A_1144] : memref<64x128xi32, #tpu.memory_space<vmem>> -> memref<1x128xi32, #tpu.memory_space<vmem>>
    %dma_wait3A_1146 = tpu.memref_squeeze %dma_wait3A_1145 : memref<1x128xi32, #tpu.memory_space<vmem>> -> memref<128xi32, #tpu.memory_space<vmem>>
    %dma_wait3A_1147 = arith.constant 0 : i32
    %dma_wait3A_1148 = tpu.memref_slice %arg3[%dma_wait3A_1147] : memref<9600016xf32, #tpu.memory_space<hbm>> -> memref<9600016xf32, #tpu.memory_space<hbm>>
    tpu.wait_indirect_dma semaphore(%arg7 : memref<!tpu.dma_semaphore, #tpu.memory_space<semaphore_mem>>) src(%dma_wait3A_1148 : memref<9600016xf32, #tpu.memory_space<hbm>>) dst(%dma_wait3A_1143 : memref<128xf32, #tpu.memory_space<vmem>>)
    %dma_wait3A_1149 = arith.constant 49 : i32
    %dma_wait3A_1150 = arith.constant 49 : i32
    %dma_wait3A_1151 = arith.constant 0 : i32
    %dma_wait3A_1152 = tpu.memref_slice %arg6[%dma_wait3A_1150, %dma_wait3A_1151] : memref<64x128xf32, #tpu.memory_space<vmem>> -> memref<1x128xf32, #tpu.memory_space<vmem>>
    %dma_wait3A_1153 = tpu.memref_squeeze %dma_wait3A_1152 : memref<1x128xf32, #tpu.memory_space<vmem>> -> memref<128xf32, #tpu.memory_space<vmem>>
    %dma_wait3A_1154 = arith.constant 0 : i32
    %dma_wait3A_1155 = tpu.memref_slice %arg5[%dma_wait3A_1149, %dma_wait3A_1154] : memref<64x128xi32, #tpu.memory_space<vmem>> -> memref<1x128xi32, #tpu.memory_space<vmem>>
    %dma_wait3A_1156 = tpu.memref_squeeze %dma_wait3A_1155 : memref<1x128xi32, #tpu.memory_space<vmem>> -> memref<128xi32, #tpu.memory_space<vmem>>
    %dma_wait3A_1157 = arith.constant 0 : i32
    %dma_wait3A_1158 = tpu.memref_slice %arg3[%dma_wait3A_1157] : memref<9600016xf32, #tpu.memory_space<hbm>> -> memref<9600016xf32, #tpu.memory_space<hbm>>
    tpu.wait_indirect_dma semaphore(%arg7 : memref<!tpu.dma_semaphore, #tpu.memory_space<semaphore_mem>>) src(%dma_wait3A_1158 : memref<9600016xf32, #tpu.memory_space<hbm>>) dst(%dma_wait3A_1153 : memref<128xf32, #tpu.memory_space<vmem>>)
    %dma_wait3A_1159 = arith.constant 50 : i32
    %dma_wait3A_1160 = arith.constant 50 : i32
    %dma_wait3A_1161 = arith.constant 0 : i32
    %dma_wait3A_1162 = tpu.memref_slice %arg6[%dma_wait3A_1160, %dma_wait3A_1161] : memref<64x128xf32, #tpu.memory_space<vmem>> -> memref<1x128xf32, #tpu.memory_space<vmem>>
    %dma_wait3A_1163 = tpu.memref_squeeze %dma_wait3A_1162 : memref<1x128xf32, #tpu.memory_space<vmem>> -> memref<128xf32, #tpu.memory_space<vmem>>
    %dma_wait3A_1164 = arith.constant 0 : i32
    %dma_wait3A_1165 = tpu.memref_slice %arg5[%dma_wait3A_1159, %dma_wait3A_1164] : memref<64x128xi32, #tpu.memory_space<vmem>> -> memref<1x128xi32, #tpu.memory_space<vmem>>
    %dma_wait3A_1166 = tpu.memref_squeeze %dma_wait3A_1165 : memref<1x128xi32, #tpu.memory_space<vmem>> -> memref<128xi32, #tpu.memory_space<vmem>>
    %dma_wait3A_1167 = arith.constant 0 : i32
    %dma_wait3A_1168 = tpu.memref_slice %arg3[%dma_wait3A_1167] : memref<9600016xf32, #tpu.memory_space<hbm>> -> memref<9600016xf32, #tpu.memory_space<hbm>>
    tpu.wait_indirect_dma semaphore(%arg7 : memref<!tpu.dma_semaphore, #tpu.memory_space<semaphore_mem>>) src(%dma_wait3A_1168 : memref<9600016xf32, #tpu.memory_space<hbm>>) dst(%dma_wait3A_1163 : memref<128xf32, #tpu.memory_space<vmem>>)
    %dma_wait3A_1169 = arith.constant 51 : i32
    %dma_wait3A_1170 = arith.constant 51 : i32
    %dma_wait3A_1171 = arith.constant 0 : i32
    %dma_wait3A_1172 = tpu.memref_slice %arg6[%dma_wait3A_1170, %dma_wait3A_1171] : memref<64x128xf32, #tpu.memory_space<vmem>> -> memref<1x128xf32, #tpu.memory_space<vmem>>
    %dma_wait3A_1173 = tpu.memref_squeeze %dma_wait3A_1172 : memref<1x128xf32, #tpu.memory_space<vmem>> -> memref<128xf32, #tpu.memory_space<vmem>>
    %dma_wait3A_1174 = arith.constant 0 : i32
    %dma_wait3A_1175 = tpu.memref_slice %arg5[%dma_wait3A_1169, %dma_wait3A_1174] : memref<64x128xi32, #tpu.memory_space<vmem>> -> memref<1x128xi32, #tpu.memory_space<vmem>>
    %dma_wait3A_1176 = tpu.memref_squeeze %dma_wait3A_1175 : memref<1x128xi32, #tpu.memory_space<vmem>> -> memref<128xi32, #tpu.memory_space<vmem>>
    %dma_wait3A_1177 = arith.constant 0 : i32
    %dma_wait3A_1178 = tpu.memref_slice %arg3[%dma_wait3A_1177] : memref<9600016xf32, #tpu.memory_space<hbm>> -> memref<9600016xf32, #tpu.memory_space<hbm>>
    tpu.wait_indirect_dma semaphore(%arg7 : memref<!tpu.dma_semaphore, #tpu.memory_space<semaphore_mem>>) src(%dma_wait3A_1178 : memref<9600016xf32, #tpu.memory_space<hbm>>) dst(%dma_wait3A_1173 : memref<128xf32, #tpu.memory_space<vmem>>)
    %dma_wait3A_1179 = arith.constant 52 : i32
    %dma_wait3A_1180 = arith.constant 52 : i32
    %dma_wait3A_1181 = arith.constant 0 : i32
    %dma_wait3A_1182 = tpu.memref_slice %arg6[%dma_wait3A_1180, %dma_wait3A_1181] : memref<64x128xf32, #tpu.memory_space<vmem>> -> memref<1x128xf32, #tpu.memory_space<vmem>>
    %dma_wait3A_1183 = tpu.memref_squeeze %dma_wait3A_1182 : memref<1x128xf32, #tpu.memory_space<vmem>> -> memref<128xf32, #tpu.memory_space<vmem>>
    %dma_wait3A_1184 = arith.constant 0 : i32
    %dma_wait3A_1185 = tpu.memref_slice %arg5[%dma_wait3A_1179, %dma_wait3A_1184] : memref<64x128xi32, #tpu.memory_space<vmem>> -> memref<1x128xi32, #tpu.memory_space<vmem>>
    %dma_wait3A_1186 = tpu.memref_squeeze %dma_wait3A_1185 : memref<1x128xi32, #tpu.memory_space<vmem>> -> memref<128xi32, #tpu.memory_space<vmem>>
    %dma_wait3A_1187 = arith.constant 0 : i32
    %dma_wait3A_1188 = tpu.memref_slice %arg3[%dma_wait3A_1187] : memref<9600016xf32, #tpu.memory_space<hbm>> -> memref<9600016xf32, #tpu.memory_space<hbm>>
    tpu.wait_indirect_dma semaphore(%arg7 : memref<!tpu.dma_semaphore, #tpu.memory_space<semaphore_mem>>) src(%dma_wait3A_1188 : memref<9600016xf32, #tpu.memory_space<hbm>>) dst(%dma_wait3A_1183 : memref<128xf32, #tpu.memory_space<vmem>>)
    %dma_wait3A_1189 = arith.constant 53 : i32
    %dma_wait3A_1190 = arith.constant 53 : i32
    %dma_wait3A_1191 = arith.constant 0 : i32
    %dma_wait3A_1192 = tpu.memref_slice %arg6[%dma_wait3A_1190, %dma_wait3A_1191] : memref<64x128xf32, #tpu.memory_space<vmem>> -> memref<1x128xf32, #tpu.memory_space<vmem>>
    %dma_wait3A_1193 = tpu.memref_squeeze %dma_wait3A_1192 : memref<1x128xf32, #tpu.memory_space<vmem>> -> memref<128xf32, #tpu.memory_space<vmem>>
    %dma_wait3A_1194 = arith.constant 0 : i32
    %dma_wait3A_1195 = tpu.memref_slice %arg5[%dma_wait3A_1189, %dma_wait3A_1194] : memref<64x128xi32, #tpu.memory_space<vmem>> -> memref<1x128xi32, #tpu.memory_space<vmem>>
    %dma_wait3A_1196 = tpu.memref_squeeze %dma_wait3A_1195 : memref<1x128xi32, #tpu.memory_space<vmem>> -> memref<128xi32, #tpu.memory_space<vmem>>
    %dma_wait3A_1197 = arith.constant 0 : i32
    %dma_wait3A_1198 = tpu.memref_slice %arg3[%dma_wait3A_1197] : memref<9600016xf32, #tpu.memory_space<hbm>> -> memref<9600016xf32, #tpu.memory_space<hbm>>
    tpu.wait_indirect_dma semaphore(%arg7 : memref<!tpu.dma_semaphore, #tpu.memory_space<semaphore_mem>>) src(%dma_wait3A_1198 : memref<9600016xf32, #tpu.memory_space<hbm>>) dst(%dma_wait3A_1193 : memref<128xf32, #tpu.memory_space<vmem>>)
    %dma_wait3A_1199 = arith.constant 54 : i32
    %dma_wait3A_1200 = arith.constant 54 : i32
    %dma_wait3A_1201 = arith.constant 0 : i32
    %dma_wait3A_1202 = tpu.memref_slice %arg6[%dma_wait3A_1200, %dma_wait3A_1201] : memref<64x128xf32, #tpu.memory_space<vmem>> -> memref<1x128xf32, #tpu.memory_space<vmem>>
    %dma_wait3A_1203 = tpu.memref_squeeze %dma_wait3A_1202 : memref<1x128xf32, #tpu.memory_space<vmem>> -> memref<128xf32, #tpu.memory_space<vmem>>
    %dma_wait3A_1204 = arith.constant 0 : i32
    %dma_wait3A_1205 = tpu.memref_slice %arg5[%dma_wait3A_1199, %dma_wait3A_1204] : memref<64x128xi32, #tpu.memory_space<vmem>> -> memref<1x128xi32, #tpu.memory_space<vmem>>
    %dma_wait3A_1206 = tpu.memref_squeeze %dma_wait3A_1205 : memref<1x128xi32, #tpu.memory_space<vmem>> -> memref<128xi32, #tpu.memory_space<vmem>>
    %dma_wait3A_1207 = arith.constant 0 : i32
    %dma_wait3A_1208 = tpu.memref_slice %arg3[%dma_wait3A_1207] : memref<9600016xf32, #tpu.memory_space<hbm>> -> memref<9600016xf32, #tpu.memory_space<hbm>>
    tpu.wait_indirect_dma semaphore(%arg7 : memref<!tpu.dma_semaphore, #tpu.memory_space<semaphore_mem>>) src(%dma_wait3A_1208 : memref<9600016xf32, #tpu.memory_space<hbm>>) dst(%dma_wait3A_1203 : memref<128xf32, #tpu.memory_space<vmem>>)
    %dma_wait3A_1209 = arith.constant 55 : i32
    %dma_wait3A_1210 = arith.constant 55 : i32
    %dma_wait3A_1211 = arith.constant 0 : i32
    %dma_wait3A_1212 = tpu.memref_slice %arg6[%dma_wait3A_1210, %dma_wait3A_1211] : memref<64x128xf32, #tpu.memory_space<vmem>> -> memref<1x128xf32, #tpu.memory_space<vmem>>
    %dma_wait3A_1213 = tpu.memref_squeeze %dma_wait3A_1212 : memref<1x128xf32, #tpu.memory_space<vmem>> -> memref<128xf32, #tpu.memory_space<vmem>>
    %dma_wait3A_1214 = arith.constant 0 : i32
    %dma_wait3A_1215 = tpu.memref_slice %arg5[%dma_wait3A_1209, %dma_wait3A_1214] : memref<64x128xi32, #tpu.memory_space<vmem>> -> memref<1x128xi32, #tpu.memory_space<vmem>>
    %dma_wait3A_1216 = tpu.memref_squeeze %dma_wait3A_1215 : memref<1x128xi32, #tpu.memory_space<vmem>> -> memref<128xi32, #tpu.memory_space<vmem>>
    %dma_wait3A_1217 = arith.constant 0 : i32
    %dma_wait3A_1218 = tpu.memref_slice %arg3[%dma_wait3A_1217] : memref<9600016xf32, #tpu.memory_space<hbm>> -> memref<9600016xf32, #tpu.memory_space<hbm>>
    tpu.wait_indirect_dma semaphore(%arg7 : memref<!tpu.dma_semaphore, #tpu.memory_space<semaphore_mem>>) src(%dma_wait3A_1218 : memref<9600016xf32, #tpu.memory_space<hbm>>) dst(%dma_wait3A_1213 : memref<128xf32, #tpu.memory_space<vmem>>)
    %dma_wait3A_1219 = arith.constant 56 : i32
    %dma_wait3A_1220 = arith.constant 56 : i32
    %dma_wait3A_1221 = arith.constant 0 : i32
    %dma_wait3A_1222 = tpu.memref_slice %arg6[%dma_wait3A_1220, %dma_wait3A_1221] : memref<64x128xf32, #tpu.memory_space<vmem>> -> memref<1x128xf32, #tpu.memory_space<vmem>>
    %dma_wait3A_1223 = tpu.memref_squeeze %dma_wait3A_1222 : memref<1x128xf32, #tpu.memory_space<vmem>> -> memref<128xf32, #tpu.memory_space<vmem>>
    %dma_wait3A_1224 = arith.constant 0 : i32
    %dma_wait3A_1225 = tpu.memref_slice %arg5[%dma_wait3A_1219, %dma_wait3A_1224] : memref<64x128xi32, #tpu.memory_space<vmem>> -> memref<1x128xi32, #tpu.memory_space<vmem>>
    %dma_wait3A_1226 = tpu.memref_squeeze %dma_wait3A_1225 : memref<1x128xi32, #tpu.memory_space<vmem>> -> memref<128xi32, #tpu.memory_space<vmem>>
    %dma_wait3A_1227 = arith.constant 0 : i32
    %dma_wait3A_1228 = tpu.memref_slice %arg3[%dma_wait3A_1227] : memref<9600016xf32, #tpu.memory_space<hbm>> -> memref<9600016xf32, #tpu.memory_space<hbm>>
    tpu.wait_indirect_dma semaphore(%arg7 : memref<!tpu.dma_semaphore, #tpu.memory_space<semaphore_mem>>) src(%dma_wait3A_1228 : memref<9600016xf32, #tpu.memory_space<hbm>>) dst(%dma_wait3A_1223 : memref<128xf32, #tpu.memory_space<vmem>>)
    %dma_wait3A_1229 = arith.constant 57 : i32
    %dma_wait3A_1230 = arith.constant 57 : i32
    %dma_wait3A_1231 = arith.constant 0 : i32
    %dma_wait3A_1232 = tpu.memref_slice %arg6[%dma_wait3A_1230, %dma_wait3A_1231] : memref<64x128xf32, #tpu.memory_space<vmem>> -> memref<1x128xf32, #tpu.memory_space<vmem>>
    %dma_wait3A_1233 = tpu.memref_squeeze %dma_wait3A_1232 : memref<1x128xf32, #tpu.memory_space<vmem>> -> memref<128xf32, #tpu.memory_space<vmem>>
    %dma_wait3A_1234 = arith.constant 0 : i32
    %dma_wait3A_1235 = tpu.memref_slice %arg5[%dma_wait3A_1229, %dma_wait3A_1234] : memref<64x128xi32, #tpu.memory_space<vmem>> -> memref<1x128xi32, #tpu.memory_space<vmem>>
    %dma_wait3A_1236 = tpu.memref_squeeze %dma_wait3A_1235 : memref<1x128xi32, #tpu.memory_space<vmem>> -> memref<128xi32, #tpu.memory_space<vmem>>
    %dma_wait3A_1237 = arith.constant 0 : i32
    %dma_wait3A_1238 = tpu.memref_slice %arg3[%dma_wait3A_1237] : memref<9600016xf32, #tpu.memory_space<hbm>> -> memref<9600016xf32, #tpu.memory_space<hbm>>
    tpu.wait_indirect_dma semaphore(%arg7 : memref<!tpu.dma_semaphore, #tpu.memory_space<semaphore_mem>>) src(%dma_wait3A_1238 : memref<9600016xf32, #tpu.memory_space<hbm>>) dst(%dma_wait3A_1233 : memref<128xf32, #tpu.memory_space<vmem>>)
    %dma_wait3A_1239 = arith.constant 58 : i32
    %dma_wait3A_1240 = arith.constant 58 : i32
    %dma_wait3A_1241 = arith.constant 0 : i32
    %dma_wait3A_1242 = tpu.memref_slice %arg6[%dma_wait3A_1240, %dma_wait3A_1241] : memref<64x128xf32, #tpu.memory_space<vmem>> -> memref<1x128xf32, #tpu.memory_space<vmem>>
    %dma_wait3A_1243 = tpu.memref_squeeze %dma_wait3A_1242 : memref<1x128xf32, #tpu.memory_space<vmem>> -> memref<128xf32, #tpu.memory_space<vmem>>
    %dma_wait3A_1244 = arith.constant 0 : i32
    %dma_wait3A_1245 = tpu.memref_slice %arg5[%dma_wait3A_1239, %dma_wait3A_1244] : memref<64x128xi32, #tpu.memory_space<vmem>> -> memref<1x128xi32, #tpu.memory_space<vmem>>
    %dma_wait3A_1246 = tpu.memref_squeeze %dma_wait3A_1245 : memref<1x128xi32, #tpu.memory_space<vmem>> -> memref<128xi32, #tpu.memory_space<vmem>>
    %dma_wait3A_1247 = arith.constant 0 : i32
    %dma_wait3A_1248 = tpu.memref_slice %arg3[%dma_wait3A_1247] : memref<9600016xf32, #tpu.memory_space<hbm>> -> memref<9600016xf32, #tpu.memory_space<hbm>>
    tpu.wait_indirect_dma semaphore(%arg7 : memref<!tpu.dma_semaphore, #tpu.memory_space<semaphore_mem>>) src(%dma_wait3A_1248 : memref<9600016xf32, #tpu.memory_space<hbm>>) dst(%dma_wait3A_1243 : memref<128xf32, #tpu.memory_space<vmem>>)
    %dma_wait3A_1249 = arith.constant 59 : i32
    %dma_wait3A_1250 = arith.constant 59 : i32
    %dma_wait3A_1251 = arith.constant 0 : i32
    %dma_wait3A_1252 = tpu.memref_slice %arg6[%dma_wait3A_1250, %dma_wait3A_1251] : memref<64x128xf32, #tpu.memory_space<vmem>> -> memref<1x128xf32, #tpu.memory_space<vmem>>
    %dma_wait3A_1253 = tpu.memref_squeeze %dma_wait3A_1252 : memref<1x128xf32, #tpu.memory_space<vmem>> -> memref<128xf32, #tpu.memory_space<vmem>>
    %dma_wait3A_1254 = arith.constant 0 : i32
    %dma_wait3A_1255 = tpu.memref_slice %arg5[%dma_wait3A_1249, %dma_wait3A_1254] : memref<64x128xi32, #tpu.memory_space<vmem>> -> memref<1x128xi32, #tpu.memory_space<vmem>>
    %dma_wait3A_1256 = tpu.memref_squeeze %dma_wait3A_1255 : memref<1x128xi32, #tpu.memory_space<vmem>> -> memref<128xi32, #tpu.memory_space<vmem>>
    %dma_wait3A_1257 = arith.constant 0 : i32
    %dma_wait3A_1258 = tpu.memref_slice %arg3[%dma_wait3A_1257] : memref<9600016xf32, #tpu.memory_space<hbm>> -> memref<9600016xf32, #tpu.memory_space<hbm>>
    tpu.wait_indirect_dma semaphore(%arg7 : memref<!tpu.dma_semaphore, #tpu.memory_space<semaphore_mem>>) src(%dma_wait3A_1258 : memref<9600016xf32, #tpu.memory_space<hbm>>) dst(%dma_wait3A_1253 : memref<128xf32, #tpu.memory_space<vmem>>)
    %dma_wait3A_1259 = arith.constant 60 : i32
    %dma_wait3A_1260 = arith.constant 60 : i32
    %dma_wait3A_1261 = arith.constant 0 : i32
    %dma_wait3A_1262 = tpu.memref_slice %arg6[%dma_wait3A_1260, %dma_wait3A_1261] : memref<64x128xf32, #tpu.memory_space<vmem>> -> memref<1x128xf32, #tpu.memory_space<vmem>>
    %dma_wait3A_1263 = tpu.memref_squeeze %dma_wait3A_1262 : memref<1x128xf32, #tpu.memory_space<vmem>> -> memref<128xf32, #tpu.memory_space<vmem>>
    %dma_wait3A_1264 = arith.constant 0 : i32
    %dma_wait3A_1265 = tpu.memref_slice %arg5[%dma_wait3A_1259, %dma_wait3A_1264] : memref<64x128xi32, #tpu.memory_space<vmem>> -> memref<1x128xi32, #tpu.memory_space<vmem>>
    %dma_wait3A_1266 = tpu.memref_squeeze %dma_wait3A_1265 : memref<1x128xi32, #tpu.memory_space<vmem>> -> memref<128xi32, #tpu.memory_space<vmem>>
    %dma_wait3A_1267 = arith.constant 0 : i32
    %dma_wait3A_1268 = tpu.memref_slice %arg3[%dma_wait3A_1267] : memref<9600016xf32, #tpu.memory_space<hbm>> -> memref<9600016xf32, #tpu.memory_space<hbm>>
    tpu.wait_indirect_dma semaphore(%arg7 : memref<!tpu.dma_semaphore, #tpu.memory_space<semaphore_mem>>) src(%dma_wait3A_1268 : memref<9600016xf32, #tpu.memory_space<hbm>>) dst(%dma_wait3A_1263 : memref<128xf32, #tpu.memory_space<vmem>>)
    %dma_wait3A_1269 = arith.constant 61 : i32
    %dma_wait3A_1270 = arith.constant 61 : i32
    %dma_wait3A_1271 = arith.constant 0 : i32
    %dma_wait3A_1272 = tpu.memref_slice %arg6[%dma_wait3A_1270, %dma_wait3A_1271] : memref<64x128xf32, #tpu.memory_space<vmem>> -> memref<1x128xf32, #tpu.memory_space<vmem>>
    %dma_wait3A_1273 = tpu.memref_squeeze %dma_wait3A_1272 : memref<1x128xf32, #tpu.memory_space<vmem>> -> memref<128xf32, #tpu.memory_space<vmem>>
    %dma_wait3A_1274 = arith.constant 0 : i32
    %dma_wait3A_1275 = tpu.memref_slice %arg5[%dma_wait3A_1269, %dma_wait3A_1274] : memref<64x128xi32, #tpu.memory_space<vmem>> -> memref<1x128xi32, #tpu.memory_space<vmem>>
    %dma_wait3A_1276 = tpu.memref_squeeze %dma_wait3A_1275 : memref<1x128xi32, #tpu.memory_space<vmem>> -> memref<128xi32, #tpu.memory_space<vmem>>
    %dma_wait3A_1277 = arith.constant 0 : i32
    %dma_wait3A_1278 = tpu.memref_slice %arg3[%dma_wait3A_1277] : memref<9600016xf32, #tpu.memory_space<hbm>> -> memref<9600016xf32, #tpu.memory_space<hbm>>
    tpu.wait_indirect_dma semaphore(%arg7 : memref<!tpu.dma_semaphore, #tpu.memory_space<semaphore_mem>>) src(%dma_wait3A_1278 : memref<9600016xf32, #tpu.memory_space<hbm>>) dst(%dma_wait3A_1273 : memref<128xf32, #tpu.memory_space<vmem>>)
    %dma_wait3A_1279 = arith.constant 62 : i32
    %dma_wait3A_1280 = arith.constant 62 : i32
    %dma_wait3A_1281 = arith.constant 0 : i32
    %dma_wait3A_1282 = tpu.memref_slice %arg6[%dma_wait3A_1280, %dma_wait3A_1281] : memref<64x128xf32, #tpu.memory_space<vmem>> -> memref<1x128xf32, #tpu.memory_space<vmem>>
    %dma_wait3A_1283 = tpu.memref_squeeze %dma_wait3A_1282 : memref<1x128xf32, #tpu.memory_space<vmem>> -> memref<128xf32, #tpu.memory_space<vmem>>
    %dma_wait3A_1284 = arith.constant 0 : i32
    %dma_wait3A_1285 = tpu.memref_slice %arg5[%dma_wait3A_1279, %dma_wait3A_1284] : memref<64x128xi32, #tpu.memory_space<vmem>> -> memref<1x128xi32, #tpu.memory_space<vmem>>
    %dma_wait3A_1286 = tpu.memref_squeeze %dma_wait3A_1285 : memref<1x128xi32, #tpu.memory_space<vmem>> -> memref<128xi32, #tpu.memory_space<vmem>>
    %dma_wait3A_1287 = arith.constant 0 : i32
    %dma_wait3A_1288 = tpu.memref_slice %arg3[%dma_wait3A_1287] : memref<9600016xf32, #tpu.memory_space<hbm>> -> memref<9600016xf32, #tpu.memory_space<hbm>>
    tpu.wait_indirect_dma semaphore(%arg7 : memref<!tpu.dma_semaphore, #tpu.memory_space<semaphore_mem>>) src(%dma_wait3A_1288 : memref<9600016xf32, #tpu.memory_space<hbm>>) dst(%dma_wait3A_1283 : memref<128xf32, #tpu.memory_space<vmem>>)
    %dma_wait3A_1289 = arith.constant 63 : i32
    %dma_wait3A_1290 = arith.constant 63 : i32
    %dma_wait3A_1291 = arith.constant 0 : i32
    %dma_wait3A_1292 = tpu.memref_slice %arg6[%dma_wait3A_1290, %dma_wait3A_1291] : memref<64x128xf32, #tpu.memory_space<vmem>> -> memref<1x128xf32, #tpu.memory_space<vmem>>
    %dma_wait3A_1293 = tpu.memref_squeeze %dma_wait3A_1292 : memref<1x128xf32, #tpu.memory_space<vmem>> -> memref<128xf32, #tpu.memory_space<vmem>>
    %dma_wait3A_1294 = arith.constant 0 : i32
    %dma_wait3A_1295 = tpu.memref_slice %arg5[%dma_wait3A_1289, %dma_wait3A_1294] : memref<64x128xi32, #tpu.memory_space<vmem>> -> memref<1x128xi32, #tpu.memory_space<vmem>>
    %dma_wait3A_1296 = tpu.memref_squeeze %dma_wait3A_1295 : memref<1x128xi32, #tpu.memory_space<vmem>> -> memref<128xi32, #tpu.memory_space<vmem>>
    %dma_wait3A_1297 = arith.constant 0 : i32
    %dma_wait3A_1298 = tpu.memref_slice %arg3[%dma_wait3A_1297] : memref<9600016xf32, #tpu.memory_space<hbm>> -> memref<9600016xf32, #tpu.memory_space<hbm>>
    tpu.wait_indirect_dma semaphore(%arg7 : memref<!tpu.dma_semaphore, #tpu.memory_space<semaphore_mem>>) src(%dma_wait3A_1298 : memref<9600016xf32, #tpu.memory_space<hbm>>) dst(%dma_wait3A_1293 : memref<128xf32, #tpu.memory_space<vmem>>)
    %mul3A_1299 = arith.constant 64 : i32
    %mul3A_1300 = arith.muli %add3A, %mul3A_1299 : i32
    "tpu.region"() ({
      %run_scoped3A = tpu.sem_alloc : memref<!tpu.dma_semaphore, #tpu.memory_space<semaphore_mem>>
      %dma_start3A_1301 = arith.constant 0 : i32
      %dma_start3A_1302 = tpu.memref_slice %arg4[%mul3A_1300, %dma_start3A_1301] : memref<2048x128xf32, #tpu.memory_space<hbm>> -> memref<64x128xf32, #tpu.memory_space<hbm>>
      %dma_start3A_1303 = arith.constant 0 : i32
      %dma_start3A_1304 = tpu.memref_slice %arg4[%mul3A_1300, %dma_start3A_1303] : memref<2048x128xf32, #tpu.memory_space<hbm>> -> memref<64x128xf32, #tpu.memory_space<hbm>>
      tpu.enqueue_dma source(%arg6 : memref<64x128xf32, #tpu.memory_space<vmem>>) target(%dma_start3A_1304 : memref<64x128xf32, #tpu.memory_space<hbm>>) target_semaphore(%run_scoped3A : memref<!tpu.dma_semaphore, #tpu.memory_space<semaphore_mem>>)
      %dma_wait3A_1305 = arith.constant 0 : i32
      %dma_wait3A_1306 = tpu.memref_slice %arg4[%mul3A_1300, %dma_wait3A_1305] : memref<2048x128xf32, #tpu.memory_space<hbm>> -> memref<64x128xf32, #tpu.memory_space<hbm>>
      %dma_wait3A_1307 = arith.constant 0 : i32
      %dma_wait3A_1308 = tpu.memref_slice %arg4[%mul3A_1300, %dma_wait3A_1307] : memref<2048x128xf32, #tpu.memory_space<hbm>> -> memref<64x128xf32, #tpu.memory_space<hbm>>
      tpu.wait_dma2 semaphore(%run_scoped3A : memref<!tpu.dma_semaphore, #tpu.memory_space<semaphore_mem>>) src(%arg6 : memref<64x128xf32, #tpu.memory_space<vmem>>) dst(%dma_wait3A_1308 : memref<64x128xf32, #tpu.memory_space<hbm>>)
      tpu.yield
    }) : () -> ()
    return
  }
}

module attributes {stable_mosaic.version = 14 : i64} {
  func.func @_head_body(%arg0: memref<2048x128xf32, #tpu.memory_space<vmem>>, %arg1: memref<2048x128xf32, #tpu.memory_space<vmem>>, %arg2: memref<1x128xf32, #tpu.memory_space<vmem>>, %arg3: memref<1x128xf32, #tpu.memory_space<vmem>>, %arg4: memref<128x8xf32, #tpu.memory_space<vmem>>, %arg5: memref<1x8xf32, #tpu.memory_space<vmem>>, %arg6: memref<2048x8xf32, #tpu.memory_space<vmem>>) attributes {dimension_semantics = [], scalar_prefetch = 0 : i64, scratch_operands = 0 : i64, tpu.core_type = #tpu.core_type<tc>} {
    %get3A = arith.constant 0 : index
    %get3A_0 = arith.constant 0 : index
    %get3A_1 = vector.load %arg1[%get3A, %get3A_0] : memref<2048x128xf32, #tpu.memory_space<vmem>>, vector<2048x128xf32>
    %div3A = arith.constant 5.000000e+01 : f32
    %div3A_2 = vector.broadcast %div3A : f32 to vector<2048x128xf32>
    %div3A_3 = arith.divf %get3A_1, %div3A_2 : vector<2048x128xf32>
    %get3A_4 = arith.constant 0 : index
    %get3A_5 = arith.constant 0 : index
    %get3A_6 = vector.load %arg0[%get3A_4, %get3A_5] : memref<2048x128xf32, #tpu.memory_space<vmem>>, vector<2048x128xf32>
    %convert_element_type3A = arith.truncf %get3A_6 : vector<2048x128xf32> to vector<2048x128xbf16>
    %convert_element_type3A_7 = arith.extf %convert_element_type3A : vector<2048x128xbf16> to vector<2048x128xf32>
    %get3A_8 = arith.constant 0 : index
    %get3A_9 = arith.constant 0 : index
    %get3A_10 = vector.load %arg2[%get3A_8, %get3A_9] : memref<1x128xf32, #tpu.memory_space<vmem>>, vector<1x128xf32>
    %mul3A = vector.broadcast %get3A_10 : vector<1x128xf32> to vector<2048x128xf32>
    %mul3A_11 = arith.mulf %convert_element_type3A_7, %mul3A : vector<2048x128xf32>
    %convert_element_type3A_12 = arith.truncf %div3A_3 : vector<2048x128xf32> to vector<2048x128xbf16>
    %convert_element_type3A_13 = arith.extf %convert_element_type3A_12 : vector<2048x128xbf16> to vector<2048x128xf32>
    %get3A_14 = arith.constant 0 : index
    %get3A_15 = arith.constant 0 : index
    %get3A_16 = vector.load %arg3[%get3A_14, %get3A_15] : memref<1x128xf32, #tpu.memory_space<vmem>>, vector<1x128xf32>
    %mul3A_17 = vector.broadcast %get3A_16 : vector<1x128xf32> to vector<2048x128xf32>
    %mul3A_18 = arith.mulf %convert_element_type3A_13, %mul3A_17 : vector<2048x128xf32>
    %add3A = arith.addf %mul3A_11, %mul3A_18 : vector<2048x128xf32>
    %get3A_19 = arith.constant 0 : index
    %get3A_20 = arith.constant 0 : index
    %get3A_21 = vector.load %arg4[%get3A_19, %get3A_20] : memref<128x8xf32, #tpu.memory_space<vmem>>, vector<128x8xf32>
    %dot_general3A = arith.constant dense<0.000000e+00> : vector<2048x8xf32>
    %dot_general3A_22 = tpu.matmul %add3A, %get3A_21, %dot_general3A {dimension_numbers = #tpu.dot_dimension_numbers<[1], [0], [0], [1], [0, 0, 1, 1], [], []>, precision = #tpu.contract_precision<fp32>, transpose_lhs_hint = false} : vector<2048x128xf32>, vector<128x8xf32>, vector<2048x8xf32> -> vector<2048x8xf32>
    %get3A_23 = arith.constant 0 : index
    %get3A_24 = arith.constant 0 : index
    %get3A_25 = vector.load %arg5[%get3A_23, %get3A_24] : memref<1x8xf32, #tpu.memory_space<vmem>>, vector<1x8xf32>
    %add3A_26 = vector.broadcast %get3A_25 : vector<1x8xf32> to vector<2048x8xf32>
    %add3A_27 = arith.addf %dot_general3A_22, %add3A_26 : vector<2048x8xf32>
    %swap3A = arith.constant 0 : index
    %swap3A_28 = arith.constant 0 : index
    %swap3A_29 = vector.load %arg6[%swap3A, %swap3A_28] : memref<2048x8xf32, #tpu.memory_space<vmem>>, vector<2048x8xf32>
    tpu.vector_store %arg6[%swap3A, %swap3A_28], %add3A_27 {strides = array<i32>} : memref<2048x8xf32, #tpu.memory_space<vmem>>, vector<2048x8xf32>,
    return
  }
}

module attributes {stable_mosaic.version = 14 : i64} {
  func.func @_gru_body(%arg0: i32, %arg1: memref<1x2048x128xi8, #tpu.memory_space<vmem>>, %arg2: memref<128x384xbf16, #tpu.memory_space<vmem>>, %arg3: memref<1x384xf32, #tpu.memory_space<vmem>>, %arg4: memref<3x384xf32, #tpu.memory_space<vmem>>, %arg5: memref<2048x128xf32, #tpu.memory_space<vmem>>, %arg6: memref<2048x128xf32, #tpu.memory_space<vmem>>, %arg7: memref<2048x128xf32, #tpu.memory_space<vmem>>) attributes {dimension_semantics = [#tpu.dimension_semantics<arbitrary>], iteration_bounds = array<i64: 50>, scalar_prefetch = 0 : i64, scratch_operands = 2 : i64, tpu.core_type = #tpu.core_type<tc>, window_params = [{transform_indices = @transform_0, window_bounds = array<i64: 1, 2048, 128>}, {pipeline_mode = #tpu.pipeline_mode<synchronous>, transform_indices = @transform_1, window_bounds = array<i64: 128, 384>}, {pipeline_mode = #tpu.pipeline_mode<synchronous>, transform_indices = @transform_2, window_bounds = array<i64: 1, 384>}, {pipeline_mode = #tpu.pipeline_mode<synchronous>, transform_indices = @transform_3, window_bounds = array<i64: 3, 384>}, {pipeline_mode = #tpu.pipeline_mode<synchronous>, transform_indices = @transform_4, window_bounds = array<i64: 2048, 128>}]} {
    %eq3A = arith.constant 0 : i32
    %eq3A_0 = arith.cmpi eq, %arg0, %eq3A : i32
    %convert_element_type3A = arith.extui %eq3A_0 : i1 to i32
    %cond3A = arith.constant 0 : i32
    %cond3A_1 = arith.cmpi ne, %convert_element_type3A, %cond3A : i32
    scf.if %cond3A_1 {
      %broadcast_in_dim3A_259 = arith.constant 0.000000e+00 : f32
      %broadcast_in_dim3A_260 = vector.broadcast %broadcast_in_dim3A_259 : f32 to vector<2048x128xf32>
      %swap3A_261 = arith.constant 0 : index
      %swap3A_262 = arith.constant 0 : index
      %swap3A_263 = vector.load %arg6[%swap3A_261, %swap3A_262] : memref<2048x128xf32, #tpu.memory_space<vmem>>, vector<2048x128xf32>
      tpu.vector_store %arg6[%swap3A_261, %swap3A_262], %broadcast_in_dim3A_260 {strides = array<i32>} : memref<2048x128xf32, #tpu.memory_space<vmem>>, vector<2048x128xf32>,
      %broadcast_in_dim3A_264 = arith.constant 0.000000e+00 : f32
      %broadcast_in_dim3A_265 = vector.broadcast %broadcast_in_dim3A_264 : f32 to vector<2048x128xf32>
      %swap3A_266 = arith.constant 0 : index
      %swap3A_267 = arith.constant 0 : index
      %swap3A_268 = vector.load %arg7[%swap3A_266, %swap3A_267] : memref<2048x128xf32, #tpu.memory_space<vmem>>, vector<2048x128xf32>
      tpu.vector_store %arg7[%swap3A_266, %swap3A_267], %broadcast_in_dim3A_265 {strides = array<i32>} : memref<2048x128xf32, #tpu.memory_space<vmem>>, vector<2048x128xf32>,
    } else {
    }
    %get3A = arith.constant 0 : index
    %get3A_2 = arith.constant 0 : index
    %get3A_3 = vector.load %arg6[%get3A, %get3A_2] : memref<2048x128xf32, #tpu.memory_space<vmem>>, vector<2048x128xf32>
    %get3A_4 = arith.constant 0 : index
    %get3A_5 = arith.constant 0 : index
    %get3A_6 = arith.constant 0 : index
    %get3A_7 = vector.load %arg1[%get3A_4, %get3A_5, %get3A_6] : memref<1x2048x128xi8, #tpu.memory_space<vmem>>, vector<1x2048x128xi8>
    %get3A_8 = vector.shape_cast %get3A_7 : vector<1x2048x128xi8> to vector<2048x128xi8>
    %convert_element_type3A_9 = arith.sitofp %get3A_8 : vector<2048x128xi8> to vector<2048x128xf32>
    %eq3A_10 = arith.constant 1.000000e+00 : f32
    %eq3A_11 = vector.broadcast %eq3A_10 : f32 to vector<2048x128xf32>
    %eq3A_12 = arith.cmpf oeq, %convert_element_type3A_9, %eq3A_11 : vector<2048x128xf32>
    %eq3A_13 = arith.constant 2.000000e+00 : f32
    %eq3A_14 = vector.broadcast %eq3A_13 : f32 to vector<2048x128xf32>
    %eq3A_15 = arith.cmpf oeq, %convert_element_type3A_9, %eq3A_14 : vector<2048x128xf32>
    %convert_element_type3A_16 = arith.truncf %get3A_3 : vector<2048x128xf32> to vector<2048x128xbf16>
    %get3A_17 = arith.constant 0 : index
    %get3A_18 = arith.constant 0 : index
    %get3A_19 = vector.load %arg2[%get3A_17, %get3A_18] : memref<128x384xbf16, #tpu.memory_space<vmem>>, vector<128x384xbf16>
    %dot_general3A = arith.constant dense<0.000000e+00> : vector<2048x384xf32>
    %dot_general3A_20 = tpu.matmul %convert_element_type3A_16, %get3A_19, %dot_general3A {dimension_numbers = #tpu.dot_dimension_numbers<[1], [0], [0], [1], [0, 0, 1, 1], [], []>, transpose_lhs_hint = false} : vector<2048x128xbf16>, vector<128x384xbf16>, vector<2048x384xf32> -> vector<2048x384xf32>
    %get3A_21 = arith.constant 0 : index
    %get3A_22 = arith.constant 0 : index
    %get3A_23 = vector.load %arg3[%get3A_21, %get3A_22] : memref<1x384xf32, #tpu.memory_space<vmem>>, vector<1x384xf32>
    %add3A = vector.broadcast %get3A_23 : vector<1x384xf32> to vector<2048x384xf32>
    %add3A_24 = arith.addf %dot_general3A_20, %add3A : vector<2048x384xf32>
    %get3A_25 = arith.constant 1 : index
    %get3A_26 = arith.constant 0 : index
    %get3A_27 = vector.load %arg4[%get3A_25, %get3A_26] : memref<3x384xf32, #tpu.memory_space<vmem>>, vector<1x128xf32>
    %get3A_28 = arith.constant 2 : index
    %get3A_29 = arith.constant 0 : index
    %get3A_30 = vector.load %arg4[%get3A_28, %get3A_29] : memref<3x384xf32, #tpu.memory_space<vmem>>, vector<1x128xf32>
    %get3A_31 = arith.constant 0 : index
    %get3A_32 = arith.constant 0 : index
    %get3A_33 = vector.load %arg4[%get3A_31, %get3A_32] : memref<3x384xf32, #tpu.memory_space<vmem>>, vector<1x128xf32>
    %broadcast_in_dim3A = vector.shape_cast %get3A_30 : vector<1x128xf32> to vector<1x128xf32>
    %broadcast_in_dim3A_34 = vector.broadcast %broadcast_in_dim3A : vector<1x128xf32> to vector<2048x128xf32>
    %broadcast_in_dim3A_35 = vector.shape_cast %get3A_33 : vector<1x128xf32> to vector<1x128xf32>
    %broadcast_in_dim3A_36 = vector.broadcast %broadcast_in_dim3A_35 : vector<1x128xf32> to vector<2048x128xf32>
    %select_n3A = arith.select %eq3A_15, %broadcast_in_dim3A_34, %broadcast_in_dim3A_36 : vector<2048x128xi1>, vector<2048x128xf32>
    %broadcast_in_dim3A_37 = vector.shape_cast %get3A_27 : vector<1x128xf32> to vector<1x128xf32>
    %broadcast_in_dim3A_38 = vector.broadcast %broadcast_in_dim3A_37 : vector<1x128xf32> to vector<2048x128xf32>
    %select_n3A_39 = arith.select %eq3A_12, %broadcast_in_dim3A_38, %select_n3A : vector<2048x128xi1>, vector<2048x128xf32>
    %slice3A = vector.extract_strided_slice %add3A_24 {offsets = [0, 0], sizes = [2048, 128], strides = [1, 1]} : vector<2048x384xf32> to vector<2048x128xf32>
    %add3A_40 = arith.addf %select_n3A_39, %slice3A : vector<2048x128xf32>
    %mul3A = arith.constant 5.000000e-01 : f32
    %mul3A_41 = vector.broadcast %mul3A : f32 to vector<2048x128xf32>
    %mul3A_42 = arith.mulf %mul3A_41, %add3A_40 : vector<2048x128xf32>
    %jit3A = arith.constant -7.99881172 : f32
    %jit3A_43 = arith.constant 7.99881172 : f32
    %max3A = vector.broadcast %jit3A : f32 to vector<2048x128xf32>
    %max3A_44 = arith.maximumf %max3A, %mul3A_42 : vector<2048x128xf32>
    %min3A = vector.broadcast %jit3A_43 : f32 to vector<2048x128xf32>
    %min3A_45 = arith.minimumf %min3A, %max3A_44 : vector<2048x128xf32>
    %mul3A_46 = arith.mulf %min3A_45, %min3A_45 : vector<2048x128xf32>
    %mul3A_47 = arith.constant -2.76076837E-16 : f32
    %mul3A_48 = vector.broadcast %mul3A_47 : f32 to vector<2048x128xf32>
    %mul3A_49 = arith.mulf %mul3A_46, %mul3A_48 : vector<2048x128xf32>
    %add3A_50 = arith.constant 2.00018794E-13 : f32
    %add3A_51 = vector.broadcast %add3A_50 : f32 to vector<2048x128xf32>
    %add3A_52 = arith.addf %add3A_51, %mul3A_49 : vector<2048x128xf32>
    %mul3A_53 = arith.mulf %mul3A_46, %add3A_52 : vector<2048x128xf32>
    %add3A_54 = arith.constant -8.60467184E-11 : f32
    %add3A_55 = vector.broadcast %add3A_54 : f32 to vector<2048x128xf32>
    %add3A_56 = arith.addf %add3A_55, %mul3A_53 : vector<2048x128xf32>
    %mul3A_57 = arith.mulf %mul3A_46, %add3A_56 : vector<2048x128xf32>
    %add3A_58 = arith.constant 5.12229725E-8 : f32
    %add3A_59 = vector.broadcast %add3A_58 : f32 to vector<2048x128xf32>
    %add3A_60 = arith.addf %add3A_59, %mul3A_57 : vector<2048x128xf32>
    %mul3A_61 = arith.mulf %mul3A_46, %add3A_60 : vector<2048x128xf32>
    %add3A_62 = arith.constant 1.48572235E-5 : f32
    %add3A_63 = vector.broadcast %add3A_62 : f32 to vector<2048x128xf32>
    %add3A_64 = arith.addf %add3A_63, %mul3A_61 : vector<2048x128xf32>
    %mul3A_65 = arith.mulf %mul3A_46, %add3A_64 : vector<2048x128xf32>
    %add3A_66 = arith.constant 6.37261954E-4 : f32
    %add3A_67 = vector.broadcast %add3A_66 : f32 to vector<2048x128xf32>
    %add3A_68 = arith.addf %add3A_67, %mul3A_65 : vector<2048x128xf32>
    %mul3A_69 = arith.mulf %mul3A_46, %add3A_68 : vector<2048x128xf32>
    %add3A_70 = arith.constant 0.00489352457 : f32
    %add3A_71 = vector.broadcast %add3A_70 : f32 to vector<2048x128xf32>
    %add3A_72 = arith.addf %add3A_71, %mul3A_69 : vector<2048x128xf32>
    %mul3A_73 = arith.mulf %min3A_45, %add3A_72 : vector<2048x128xf32>
    %mul3A_74 = arith.constant 1.19825836E-6 : f32
    %mul3A_75 = vector.broadcast %mul3A_74 : f32 to vector<2048x128xf32>
    %mul3A_76 = arith.mulf %mul3A_46, %mul3A_75 : vector<2048x128xf32>
    %add3A_77 = arith.constant 1.18534706E-4 : f32
    %add3A_78 = vector.broadcast %add3A_77 : f32 to vector<2048x128xf32>
    %add3A_79 = arith.addf %add3A_78, %mul3A_76 : vector<2048x128xf32>
    %mul3A_80 = arith.mulf %mul3A_46, %add3A_79 : vector<2048x128xf32>
    %add3A_81 = arith.constant 0.00226843474 : f32
    %add3A_82 = vector.broadcast %add3A_81 : f32 to vector<2048x128xf32>
    %add3A_83 = arith.addf %add3A_82, %mul3A_80 : vector<2048x128xf32>
    %mul3A_84 = arith.mulf %mul3A_46, %add3A_83 : vector<2048x128xf32>
    %add3A_85 = arith.constant 0.00489352504 : f32
    %add3A_86 = vector.broadcast %add3A_85 : f32 to vector<2048x128xf32>
    %add3A_87 = arith.addf %add3A_86, %mul3A_84 : vector<2048x128xf32>
    %div3A = arith.divf %mul3A_73, %add3A_87 : vector<2048x128xf32>
    %mul3A_88 = arith.constant 5.000000e-01 : f32
    %mul3A_89 = vector.broadcast %mul3A_88 : f32 to vector<2048x128xf32>
    %mul3A_90 = arith.mulf %mul3A_89, %div3A : vector<2048x128xf32>
    %add3A_91 = arith.constant 5.000000e-01 : f32
    %add3A_92 = vector.broadcast %add3A_91 : f32 to vector<2048x128xf32>
    %add3A_93 = arith.addf %mul3A_90, %add3A_92 : vector<2048x128xf32>
    %get3A_94 = arith.constant 1 : index
    %get3A_95 = arith.constant 128 : index
    %get3A_96 = vector.load %arg4[%get3A_94, %get3A_95] : memref<3x384xf32, #tpu.memory_space<vmem>>, vector<1x128xf32>
    %get3A_97 = arith.constant 2 : index
    %get3A_98 = arith.constant 128 : index
    %get3A_99 = vector.load %arg4[%get3A_97, %get3A_98] : memref<3x384xf32, #tpu.memory_space<vmem>>, vector<1x128xf32>
    %get3A_100 = arith.constant 0 : index
    %get3A_101 = arith.constant 128 : index
    %get3A_102 = vector.load %arg4[%get3A_100, %get3A_101] : memref<3x384xf32, #tpu.memory_space<vmem>>, vector<1x128xf32>
    %broadcast_in_dim3A_103 = vector.shape_cast %get3A_99 : vector<1x128xf32> to vector<1x128xf32>
    %broadcast_in_dim3A_104 = vector.broadcast %broadcast_in_dim3A_103 : vector<1x128xf32> to vector<2048x128xf32>
    %broadcast_in_dim3A_105 = vector.shape_cast %get3A_102 : vector<1x128xf32> to vector<1x128xf32>
    %broadcast_in_dim3A_106 = vector.broadcast %broadcast_in_dim3A_105 : vector<1x128xf32> to vector<2048x128xf32>
    %select_n3A_107 = arith.select %eq3A_15, %broadcast_in_dim3A_104, %broadcast_in_dim3A_106 : vector<2048x128xi1>, vector<2048x128xf32>
    %broadcast_in_dim3A_108 = vector.shape_cast %get3A_96 : vector<1x128xf32> to vector<1x128xf32>
    %broadcast_in_dim3A_109 = vector.broadcast %broadcast_in_dim3A_108 : vector<1x128xf32> to vector<2048x128xf32>
    %select_n3A_110 = arith.select %eq3A_12, %broadcast_in_dim3A_109, %select_n3A_107 : vector<2048x128xi1>, vector<2048x128xf32>
    %slice3A_111 = vector.extract_strided_slice %add3A_24 {offsets = [0, 128], sizes = [2048, 128], strides = [1, 1]} : vector<2048x384xf32> to vector<2048x128xf32>
    %add3A_112 = arith.addf %select_n3A_110, %slice3A_111 : vector<2048x128xf32>
    %mul3A_113 = arith.constant 5.000000e-01 : f32
    %mul3A_114 = vector.broadcast %mul3A_113 : f32 to vector<2048x128xf32>
    %mul3A_115 = arith.mulf %mul3A_114, %add3A_112 : vector<2048x128xf32>
    %jit3A_116 = arith.constant -7.99881172 : f32
    %jit3A_117 = arith.constant 7.99881172 : f32
    %max3A_118 = vector.broadcast %jit3A_116 : f32 to vector<2048x128xf32>
    %max3A_119 = arith.maximumf %max3A_118, %mul3A_115 : vector<2048x128xf32>
    %min3A_120 = vector.broadcast %jit3A_117 : f32 to vector<2048x128xf32>
    %min3A_121 = arith.minimumf %min3A_120, %max3A_119 : vector<2048x128xf32>
    %mul3A_122 = arith.mulf %min3A_121, %min3A_121 : vector<2048x128xf32>
    %mul3A_123 = arith.constant -2.76076837E-16 : f32
    %mul3A_124 = vector.broadcast %mul3A_123 : f32 to vector<2048x128xf32>
    %mul3A_125 = arith.mulf %mul3A_122, %mul3A_124 : vector<2048x128xf32>
    %add3A_126 = arith.constant 2.00018794E-13 : f32
    %add3A_127 = vector.broadcast %add3A_126 : f32 to vector<2048x128xf32>
    %add3A_128 = arith.addf %add3A_127, %mul3A_125 : vector<2048x128xf32>
    %mul3A_129 = arith.mulf %mul3A_122, %add3A_128 : vector<2048x128xf32>
    %add3A_130 = arith.constant -8.60467184E-11 : f32
    %add3A_131 = vector.broadcast %add3A_130 : f32 to vector<2048x128xf32>
    %add3A_132 = arith.addf %add3A_131, %mul3A_129 : vector<2048x128xf32>
    %mul3A_133 = arith.mulf %mul3A_122, %add3A_132 : vector<2048x128xf32>
    %add3A_134 = arith.constant 5.12229725E-8 : f32
    %add3A_135 = vector.broadcast %add3A_134 : f32 to vector<2048x128xf32>
    %add3A_136 = arith.addf %add3A_135, %mul3A_133 : vector<2048x128xf32>
    %mul3A_137 = arith.mulf %mul3A_122, %add3A_136 : vector<2048x128xf32>
    %add3A_138 = arith.constant 1.48572235E-5 : f32
    %add3A_139 = vector.broadcast %add3A_138 : f32 to vector<2048x128xf32>
    %add3A_140 = arith.addf %add3A_139, %mul3A_137 : vector<2048x128xf32>
    %mul3A_141 = arith.mulf %mul3A_122, %add3A_140 : vector<2048x128xf32>
    %add3A_142 = arith.constant 6.37261954E-4 : f32
    %add3A_143 = vector.broadcast %add3A_142 : f32 to vector<2048x128xf32>
    %add3A_144 = arith.addf %add3A_143, %mul3A_141 : vector<2048x128xf32>
    %mul3A_145 = arith.mulf %mul3A_122, %add3A_144 : vector<2048x128xf32>
    %add3A_146 = arith.constant 0.00489352457 : f32
    %add3A_147 = vector.broadcast %add3A_146 : f32 to vector<2048x128xf32>
    %add3A_148 = arith.addf %add3A_147, %mul3A_145 : vector<2048x128xf32>
    %mul3A_149 = arith.mulf %min3A_121, %add3A_148 : vector<2048x128xf32>
    %mul3A_150 = arith.constant 1.19825836E-6 : f32
    %mul3A_151 = vector.broadcast %mul3A_150 : f32 to vector<2048x128xf32>
    %mul3A_152 = arith.mulf %mul3A_122, %mul3A_151 : vector<2048x128xf32>
    %add3A_153 = arith.constant 1.18534706E-4 : f32
    %add3A_154 = vector.broadcast %add3A_153 : f32 to vector<2048x128xf32>
    %add3A_155 = arith.addf %add3A_154, %mul3A_152 : vector<2048x128xf32>
    %mul3A_156 = arith.mulf %mul3A_122, %add3A_155 : vector<2048x128xf32>
    %add3A_157 = arith.constant 0.00226843474 : f32
    %add3A_158 = vector.broadcast %add3A_157 : f32 to vector<2048x128xf32>
    %add3A_159 = arith.addf %add3A_158, %mul3A_156 : vector<2048x128xf32>
    %mul3A_160 = arith.mulf %mul3A_122, %add3A_159 : vector<2048x128xf32>
    %add3A_161 = arith.constant 0.00489352504 : f32
    %add3A_162 = vector.broadcast %add3A_161 : f32 to vector<2048x128xf32>
    %add3A_163 = arith.addf %add3A_162, %mul3A_160 : vector<2048x128xf32>
    %div3A_164 = arith.divf %mul3A_149, %add3A_163 : vector<2048x128xf32>
    %mul3A_165 = arith.constant 5.000000e-01 : f32
    %mul3A_166 = vector.broadcast %mul3A_165 : f32 to vector<2048x128xf32>
    %mul3A_167 = arith.mulf %mul3A_166, %div3A_164 : vector<2048x128xf32>
    %add3A_168 = arith.constant 5.000000e-01 : f32
    %add3A_169 = vector.broadcast %add3A_168 : f32 to vector<2048x128xf32>
    %add3A_170 = arith.addf %mul3A_167, %add3A_169 : vector<2048x128xf32>
    %get3A_171 = arith.constant 1 : index
    %get3A_172 = arith.constant 256 : index
    %get3A_173 = vector.load %arg4[%get3A_171, %get3A_172] : memref<3x384xf32, #tpu.memory_space<vmem>>, vector<1x128xf32>
    %get3A_174 = arith.constant 2 : index
    %get3A_175 = arith.constant 256 : index
    %get3A_176 = vector.load %arg4[%get3A_174, %get3A_175] : memref<3x384xf32, #tpu.memory_space<vmem>>, vector<1x128xf32>
    %get3A_177 = arith.constant 0 : index
    %get3A_178 = arith.constant 256 : index
    %get3A_179 = vector.load %arg4[%get3A_177, %get3A_178] : memref<3x384xf32, #tpu.memory_space<vmem>>, vector<1x128xf32>
    %broadcast_in_dim3A_180 = vector.shape_cast %get3A_176 : vector<1x128xf32> to vector<1x128xf32>
    %broadcast_in_dim3A_181 = vector.broadcast %broadcast_in_dim3A_180 : vector<1x128xf32> to vector<2048x128xf32>
    %broadcast_in_dim3A_182 = vector.shape_cast %get3A_179 : vector<1x128xf32> to vector<1x128xf32>
    %broadcast_in_dim3A_183 = vector.broadcast %broadcast_in_dim3A_182 : vector<1x128xf32> to vector<2048x128xf32>
    %select_n3A_184 = arith.select %eq3A_15, %broadcast_in_dim3A_181, %broadcast_in_dim3A_183 : vector<2048x128xi1>, vector<2048x128xf32>
    %broadcast_in_dim3A_185 = vector.shape_cast %get3A_173 : vector<1x128xf32> to vector<1x128xf32>
    %broadcast_in_dim3A_186 = vector.broadcast %broadcast_in_dim3A_185 : vector<1x128xf32> to vector<2048x128xf32>
    %select_n3A_187 = arith.select %eq3A_12, %broadcast_in_dim3A_186, %select_n3A_184 : vector<2048x128xi1>, vector<2048x128xf32>
    %slice3A_188 = vector.extract_strided_slice %add3A_24 {offsets = [0, 256], sizes = [2048, 128], strides = [1, 1]} : vector<2048x384xf32> to vector<2048x128xf32>
    %mul3A_189 = arith.mulf %add3A_93, %slice3A_188 : vector<2048x128xf32>
    %add3A_190 = arith.addf %select_n3A_187, %mul3A_189 : vector<2048x128xf32>
    %jit3A_191 = arith.constant -7.99881172 : f32
    %jit3A_192 = arith.constant 7.99881172 : f32
    %max3A_193 = vector.broadcast %jit3A_191 : f32 to vector<2048x128xf32>
    %max3A_194 = arith.maximumf %max3A_193, %add3A_190 : vector<2048x128xf32>
    %min3A_195 = vector.broadcast %jit3A_192 : f32 to vector<2048x128xf32>
    %min3A_196 = arith.minimumf %min3A_195, %max3A_194 : vector<2048x128xf32>
    %mul3A_197 = arith.mulf %min3A_196, %min3A_196 : vector<2048x128xf32>
    %mul3A_198 = arith.constant -2.76076837E-16 : f32
    %mul3A_199 = vector.broadcast %mul3A_198 : f32 to vector<2048x128xf32>
    %mul3A_200 = arith.mulf %mul3A_197, %mul3A_199 : vector<2048x128xf32>
    %add3A_201 = arith.constant 2.00018794E-13 : f32
    %add3A_202 = vector.broadcast %add3A_201 : f32 to vector<2048x128xf32>
    %add3A_203 = arith.addf %add3A_202, %mul3A_200 : vector<2048x128xf32>
    %mul3A_204 = arith.mulf %mul3A_197, %add3A_203 : vector<2048x128xf32>
    %add3A_205 = arith.constant -8.60467184E-11 : f32
    %add3A_206 = vector.broadcast %add3A_205 : f32 to vector<2048x128xf32>
    %add3A_207 = arith.addf %add3A_206, %mul3A_204 : vector<2048x128xf32>
    %mul3A_208 = arith.mulf %mul3A_197, %add3A_207 : vector<2048x128xf32>
    %add3A_209 = arith.constant 5.12229725E-8 : f32
    %add3A_210 = vector.broadcast %add3A_209 : f32 to vector<2048x128xf32>
    %add3A_211 = arith.addf %add3A_210, %mul3A_208 : vector<2048x128xf32>
    %mul3A_212 = arith.mulf %mul3A_197, %add3A_211 : vector<2048x128xf32>
    %add3A_213 = arith.constant 1.48572235E-5 : f32
    %add3A_214 = vector.broadcast %add3A_213 : f32 to vector<2048x128xf32>
    %add3A_215 = arith.addf %add3A_214, %mul3A_212 : vector<2048x128xf32>
    %mul3A_216 = arith.mulf %mul3A_197, %add3A_215 : vector<2048x128xf32>
    %add3A_217 = arith.constant 6.37261954E-4 : f32
    %add3A_218 = vector.broadcast %add3A_217 : f32 to vector<2048x128xf32>
    %add3A_219 = arith.addf %add3A_218, %mul3A_216 : vector<2048x128xf32>
    %mul3A_220 = arith.mulf %mul3A_197, %add3A_219 : vector<2048x128xf32>
    %add3A_221 = arith.constant 0.00489352457 : f32
    %add3A_222 = vector.broadcast %add3A_221 : f32 to vector<2048x128xf32>
    %add3A_223 = arith.addf %add3A_222, %mul3A_220 : vector<2048x128xf32>
    %mul3A_224 = arith.mulf %min3A_196, %add3A_223 : vector<2048x128xf32>
    %mul3A_225 = arith.constant 1.19825836E-6 : f32
    %mul3A_226 = vector.broadcast %mul3A_225 : f32 to vector<2048x128xf32>
    %mul3A_227 = arith.mulf %mul3A_197, %mul3A_226 : vector<2048x128xf32>
    %add3A_228 = arith.constant 1.18534706E-4 : f32
    %add3A_229 = vector.broadcast %add3A_228 : f32 to vector<2048x128xf32>
    %add3A_230 = arith.addf %add3A_229, %mul3A_227 : vector<2048x128xf32>
    %mul3A_231 = arith.mulf %mul3A_197, %add3A_230 : vector<2048x128xf32>
    %add3A_232 = arith.constant 0.00226843474 : f32
    %add3A_233 = vector.broadcast %add3A_232 : f32 to vector<2048x128xf32>
    %add3A_234 = arith.addf %add3A_233, %mul3A_231 : vector<2048x128xf32>
    %mul3A_235 = arith.mulf %mul3A_197, %add3A_234 : vector<2048x128xf32>
    %add3A_236 = arith.constant 0.00489352504 : f32
    %add3A_237 = vector.broadcast %add3A_236 : f32 to vector<2048x128xf32>
    %add3A_238 = arith.addf %add3A_237, %mul3A_235 : vector<2048x128xf32>
    %div3A_239 = arith.divf %mul3A_224, %add3A_238 : vector<2048x128xf32>
    %sub3A = arith.constant 1.000000e+00 : f32
    %sub3A_240 = vector.broadcast %sub3A : f32 to vector<2048x128xf32>
    %sub3A_241 = arith.subf %sub3A_240, %add3A_170 : vector<2048x128xf32>
    %mul3A_242 = arith.mulf %sub3A_241, %div3A_239 : vector<2048x128xf32>
    %mul3A_243 = arith.mulf %add3A_170, %get3A_3 : vector<2048x128xf32>
    %add3A_244 = arith.addf %mul3A_242, %mul3A_243 : vector<2048x128xf32>
    %swap3A = arith.constant 0 : index
    %swap3A_245 = arith.constant 0 : index
    %swap3A_246 = vector.load %arg6[%swap3A, %swap3A_245] : memref<2048x128xf32, #tpu.memory_space<vmem>>, vector<2048x128xf32>
    tpu.vector_store %arg6[%swap3A, %swap3A_245], %add3A_244 {strides = array<i32>} : memref<2048x128xf32, #tpu.memory_space<vmem>>, vector<2048x128xf32>,
    %get3A_247 = arith.constant 0 : index
    %get3A_248 = arith.constant 0 : index
    %get3A_249 = vector.load %arg7[%get3A_247, %get3A_248] : memref<2048x128xf32, #tpu.memory_space<vmem>>, vector<2048x128xf32>
    %add3A_250 = arith.addf %get3A_249, %add3A_244 : vector<2048x128xf32>
    %swap3A_251 = arith.constant 0 : index
    %swap3A_252 = arith.constant 0 : index
    %swap3A_253 = vector.load %arg7[%swap3A_251, %swap3A_252] : memref<2048x128xf32, #tpu.memory_space<vmem>>, vector<2048x128xf32>
    tpu.vector_store %arg7[%swap3A_251, %swap3A_252], %add3A_250 {strides = array<i32>} : memref<2048x128xf32, #tpu.memory_space<vmem>>, vector<2048x128xf32>,
    %eq3A_254 = arith.constant 49 : i32
    %eq3A_255 = arith.cmpi eq, %arg0, %eq3A_254 : i32
    %convert_element_type3A_256 = arith.extui %eq3A_255 : i1 to i32
    %cond3A_257 = arith.constant 0 : i32
    %cond3A_258 = arith.cmpi ne, %convert_element_type3A_256, %cond3A_257 : i32
    scf.if %cond3A_258 {
      %get3A_259 = arith.constant 0 : index
      %get3A_260 = arith.constant 0 : index
      %get3A_261 = vector.load %arg7[%get3A_259, %get3A_260] : memref<2048x128xf32, #tpu.memory_space<vmem>>, vector<2048x128xf32>
      %swap3A_262 = arith.constant 0 : index
      %swap3A_263 = arith.constant 0 : index
      %swap3A_264 = vector.load %arg5[%swap3A_262, %swap3A_263] : memref<2048x128xf32, #tpu.memory_space<vmem>>, vector<2048x128xf32>
      tpu.vector_store %arg5[%swap3A_262, %swap3A_263], %get3A_261 {strides = array<i32>} : memref<2048x128xf32, #tpu.memory_space<vmem>>, vector<2048x128xf32>,
    } else {
    }
    return
  }
  func.func @transform_0(%arg0: i32) -> (i32, i32, i32) {
    %c0_i32 = arith.constant 0 : i32
    %c0_i32_0 = arith.constant 0 : i32
    %c0_i32_1 = arith.constant 0 : i32
    return %arg0, %c0_i32, %c0_i32_0 : i32, i32, i32
  }
  func.func @transform_1(%arg0: i32) -> (i32, i32) {
    %c0_i32 = arith.constant 0 : i32
    %c0_i32_0 = arith.constant 0 : i32
    %c0_i32_1 = arith.constant 0 : i32
    return %c0_i32, %c0_i32_0 : i32, i32
  }
  func.func @transform_2(%arg0: i32) -> (i32, i32) {
    %c0_i32 = arith.constant 0 : i32
    %c0_i32_0 = arith.constant 0 : i32
    %c0_i32_1 = arith.constant 0 : i32
    return %c0_i32, %c0_i32_0 : i32, i32
  }
  func.func @transform_3(%arg0: i32) -> (i32, i32) {
    %c0_i32 = arith.constant 0 : i32
    %c0_i32_0 = arith.constant 0 : i32
    %c0_i32_1 = arith.constant 0 : i32
    return %c0_i32, %c0_i32_0 : i32, i32
  }
  func.func @transform_4(%arg0: i32) -> (i32, i32) {
    %c0_i32 = arith.constant 0 : i32
    %c0_i32_0 = arith.constant 0 : i32
    %c0_i32_1 = arith.constant 0 : i32
    return %c0_i32, %c0_i32_0 : i32, i32
  }
}

</mosaic_0001>

<sc_bundles>
// kernel: kernel.5.cloned.1.call-start
scs
__scs_entry_jumppad:
0x0: {  	(pc) =	sbr.rel $0x88, $3  }
0x1: {  	(tag) =	ssettag $0x0;
	lr =	simm.s32 $0x1  }
0x2: {  	[smem:$0x3F97] =	sst lr;
	_ =	strace $0xD0000000  }
0x3: {  	_ = 	snop  }
0x4: {  	_ = 	snop  }
0x5: {  	_ = 	snop  }
0x6: {  	_ = 	snop  }
0x7: {  	_ = 	snop  }
__scs_overlays_trampoline_lowered:
0x8: {  	[smem:$0x3FA6] =	sst s0  }
0x9: {  	[smem:$0x3FA7] =	sst s1  }
0xa: {  	[smem:$0x3FA8] =	sst s2  }
0xb: {  	[smem:$0x3FA9] =	sst s3  }
0xc: {  	[smem:$0x3FAA] =	sst s4  }
0xd: {  	[smem:$0x3FAB] =	sst s5  }
0xe: {  	[smem:$0x3FAC] =	sst s6  }
0xf: {  	[smem:$0x3FAD] =	sst s7  }
0x10: {  	[smem:$0x3FAE] =	sst s8  }
0x11: {  	[smem:$0x3FAF] =	sst s9;
	s0 =	simm.s32 @!p0 $0x0  }
0x12: {  	s1 =	sld [smem:$0x3F95];
	s0 =	simm.s32 @p0 $0x1  }
0x13: {  	[smem:$0x3FB0] =	sst s0;
	s0 =	simm.s32 @!p1 $0x0  }
0x14: {  	s2 =	sld [smem:$0x3F94];
	s0 =	simm.s32 @p1 $0x1  }
0x15: {  	[smem:$0x3FB1] =	sst s0;
	s0 =	simm.s32 @!p2 $0x0  }
0x16: {  	s3 =	sld [smem:$0x3FDB];
	s0 =	simm.s32 @p2 $0x1  }
0x17: {  	s4 =	simm.s32 $0x1BF5;
	[smem:$0x3FB3] =	sst s0  }
0x18: {  	s0 =	sld [smem:$0x3F96];
	_ =	swait.ge [sflag:s4], $0x0  }
0x19: {  	s7 =	sld [smem:$0x3F97]  }
0x1a: {  	s8 =	sadd.s32 $0xFFFFE003, lr  }
0x1b: {  	s9 =	sadd.s32 $0xFFFFFEF7, lr;
	s5 =	simm.s32 $0xFFFFFFFF;
	p2 =	slt.u32 s8, $0xFFFFF086  }
0x1c: {  	p1 =	slt.u32 s9, $0xF7A;
	s5 =	simm.s32 @!p2 $0x0  }
0x1d: {  	s5 =	simm.s32 @p1 $0x1;
	p0 =	seq.s32 s7, s2  }
0x1e: {  	s7 =	smul.u32 @!p0 $0xF7A, s2;
	p2 =	seq.s32 @!p0 s5, $0x0  }
0x1f: {  	s9 =	smul.u32 $0xF7A, s1;
	s8 =	simm.s32 @!p0 $0x1BF5;
	p2 =	por !p2, p0  }
0x20: {  	[sflag:s8] =	ssyncset.s32 @!p0 $0xFFFFF086;
	s6 =	sadd.s32 @!p0 s3, s7;
	s7 =	simm.s32 @!p0 $0x108  }
0x21: {  	s3 =	sadd.s32 s3, s9;
	s6 =	sadd.s32 @!p0 $0x88, s6;
	s7 =	simm.s32 @p2 $0x1082  }
0x22: {  	[simem:s7], [sflag:s8] =	dma.local @!p0 [hbm:s6], $0xF7A  }
0x23: {  	s9 =	sor.u32 $0xD0000000, s2;
	s6 =	simm.s32 $0x108;
	_ =	swait.ge @!p0 [sflag:s8], $0x0  }
0x24: {  	s3 =	sadd.s32 $0x88, s3;
	s6 =	simm.s32 @!p1 $0x1082;
	[sflag:s4] =	ssyncset.s32 $0xFFFFF086  }
0x25: {  	[simem:s6], [sflag:s4] =	dma.local [hbm:s3], $0xF7A  }
0x26: {  	[smem:$0x3F97] =	sst s1;
	(tag) =	ssettag s2;
	_ =	strace s9  }
0x27: {  	s1 =	sld [smem:$0x3FA7]  }
0x28: {  	s2 =	sld [smem:$0x3FA8]  }
0x29: {  	s4 =	sld [smem:$0x3FAA]  }
0x2a: {  	p0 =	seq.s32 s5, $0x0;
	s5 =	sld [smem:$0x3FAB]  }
0x2b: {  	s6 =	sld [smem:$0x3FAC]  }
0x2c: {  	s7 =	sld [smem:$0x3FAD]  }
0x2d: {  	s3 =	simm.s32 $0x108;
	s8 =	sld [smem:$0x3FAE]  }
0x2e: {  	s3 =	simm.s32 @!p0 $0x1082;
	s9 =	sld [smem:$0x3FAF]  }
0x2f: {  	lr =	sadd.s32 s0, s3;
	s0 =	sld [smem:$0x3FA6]  }
0x30: {  	s3 =	sld [smem:$0x3FA9]  }
0x31: {  	[smem:$0x3FB2] =	sst s10  }
0x32: {  	s10 =	sld [smem:$0x3FB0];
	_ =	sdelay $0x3  }
0x33: {  	p0 =	seq.s32 s10, $0x1;
	s10 =	sld [smem:$0x3FB2];
	_ =	sdelay $0x3  }
0x34: {  	[smem:$0x3FB2] =	sst s10  }
0x35: {  	s10 =	sld [smem:$0x3FB1];
	_ =	sdelay $0x3  }
0x36: {  	p1 =	seq.s32 s10, $0x1;
	s10 =	sld [smem:$0x3FB2];
	_ =	sdelay $0x3  }
0x37: {  	[smem:$0x3FB2] =	sst s10  }
0x38: {  	s10 =	sld [smem:$0x3FB3]  }
0x39: {  	_ = 	snop;
	(pc) =	sbr.ind lr, $3  }
0x3a: {  	_ = 	snop  }
0x3b: {  	_ = 	snop  }
0x3c: {  	p2 =	seq.s32 s10, $0x1;
	s10 =	sld [smem:$0x3FB2]  }
0x3d: {  	_ =	shalt  }
0x3e: {  	_ =	shalt  }
0x3f: {  	_ =	shalt  }
0x40: {  	_ =	shalt  }
0x41: {  	_ =	shalt  }
0x42: {  	_ =	shalt  }
0x43: {  	_ =	shalt  }
0x44: {  	_ =	shalt  }
0x45: {  	_ =	shalt  }
0x46: {  	_ =	shalt  }
0x47: {  	_ =	shalt  }
0x48: {  	_ =	shalt  }
0x49: {  	_ =	shalt  }
0x4a: {  	_ =	shalt  }
0x4b: {  	_ =	shalt  }
0x4c: {  	_ =	shalt  }
0x4d: {  	_ =	shalt  }
0x4e: {  	_ =	shalt  }
0x4f: {  	_ =	shalt  }
0x50: {  	_ =	shalt  }
0x51: {  	_ =	shalt  }
0x52: {  	_ =	shalt  }
0x53: {  	_ =	shalt  }
0x54: {  	_ =	shalt  }
0x55: {  	_ =	shalt  }
0x56: {  	_ =	shalt  }
0x57: {  	_ =	shalt  }
0x58: {  	_ =	shalt  }
0x59: {  	_ =	shalt  }
0x5a: {  	_ =	shalt  }
0x5b: {  	_ =	shalt  }
0x5c: {  	_ =	shalt  }
0x5d: {  	_ =	shalt  }
0x5e: {  	_ =	shalt  }
0x5f: {  	_ =	shalt  }
0x60: {  	_ =	shalt  }
0x61: {  	_ =	shalt  }
0x62: {  	_ =	shalt  }
0x63: {  	_ =	shalt  }
0x64: {  	_ =	shalt  }
0x65: {  	_ =	shalt  }
0x66: {  	_ =	shalt  }
0x67: {  	_ =	shalt  }
0x68: {  	_ =	shalt  }
0x69: {  	_ =	shalt  }
0x6a: {  	_ =	shalt  }
0x6b: {  	_ =	shalt  }
0x6c: {  	_ =	shalt  }
0x6d: {  	_ =	shalt  }
0x6e: {  	_ =	shalt  }
0x6f: {  	_ =	shalt  }
0x70: {  	_ =	shalt  }
0x71: {  	_ =	shalt  }
0x72: {  	_ =	shalt  }
0x73: {  	_ =	shalt  }
0x74: {  	_ =	shalt  }
0x75: {  	_ =	shalt  }
0x76: {  	_ =	shalt  }
0x77: {  	_ =	shalt  }
0x78: {  	_ =	shalt  }
0x79: {  	_ =	shalt  }
0x7a: {  	_ =	shalt  }
0x7b: {  	_ =	shalt  }
0x7c: {  	_ =	shalt  }
0x7d: {  	_ =	shalt  }
0x7e: {  	_ =	shalt  }
0x7f: {  	_ =	shalt  }
0x80: {  	_ =	shalt  }
0x81: {  	_ =	shalt  }
0x82: {  	_ =	shalt  }
0x83: {  	_ =	shalt  }
0x84: {  	_ =	shalt  }
0x85: {  	_ =	shalt  }
0x86: {  	_ =	shalt  }
0x87: {  	_ =	shalt  }
.Lfunc_end0:
.L_simem_size_0:
called_computation_lowered:
.L_overlay_start_0:
0x88: {  	s2 =	sld [smem:$0x3FD9]  }
0x89: {  	s3 =	sld [smem:$0x3FFE];
	_ =	sdelay $0x1  }
0x8a: {  	s1 =	srdreg.scid  }
0x8b: {  	s0 =	sand.u32 $0x1, s1  }
0x8c: {  	s16 =	sshll.u32 s0, $0xA;
	s2 =	sadd.s32 s3, s2  }
0x8d: {  	s2 =	sadd.s32 s2, s16  }
0x8e: {  	[smem:$0x3FBE] =	sst s2  }
0x8f: {  	_ = 	snop  }
0x90: {  	(tm) =	ssettm $0x1  }
0x91: {  	s17 =	sld [smem:$0x3FFB];
	_ =	sdelay $0x3  }
0x92: {  	_ =	strace s17  }
0x93: {  	s2 =	sld [smem:$0x3FFC];
	_ =	sdelay $0x3  }
0x94: {  	_ =	strace s2  }
0x95: {  	s2 =	sld [smem:$0x3FFD];
	_ =	sdelay $0x3  }
0x96: {  	_ =	strace s2  }
0x97: {  	_ =	strace $0x8FFFFFFF  }
0x98: {  	s18 =	sld [smem:$0x3FDB];
	_ =	sdelay $0x1  }
0x99: {  	s19 =	simm.s32 $_scs_section_size  }
0x9a: {  	s4 =	simm.s32 $_size__tile_overlayer_lowered;
	s5 =	simm.s32 $_tile_overlayer_lowered  }
0x9b: {  	s22 =	simm.s32 $0x1BFF;
	s21 =	sshll.u32 s5, $0x1;
	s2 =	sadd.s32 s19, s18  }
0x9c: {  	s6 =	simm.s32 $0x0;
	s20 =	sshll.u32 s4, $0x1;
	s4 =	sadd.s32 s21, s2  }
0x9d: {  	[timem:s6], [sflag:s22] =	dma.local [hbm:s4], s20  }
0x9e: {  	_ =	swait.ge [sflag:s22], s20  }
0x9f: {  	s3 =	ssub.s32 $0x0, s20;
	[sflag:s22] =	ssyncset.done $0x0  }
0xa0: {  	[sflag:s22] =	ssyncadd.s32 s3;
	_ =	sdelay $0x1  }
0xa1: {  	s23 =	simm.s32 $0x1B8B  }
0xa2: {  	_ =	swait.ge [sflag:s23], $0x1  }
0xa3: {  	[sflag:s23] =	ssyncset.done $0x0  }
0xa4: {  	s25 =	simm.s32 $0x1B8E;
	s24 =	sld [smem:$0x3FFE];
	[sflag:s23] =	ssyncadd.s32 $0xFFFFFFFF  }
0xa5: {  	s26 =	simm.s32 $execute0_lowered;
	[smem:$0x3FD2] =	sst s25  }
0xa6: {  	s4 =	sshll.u32 s26, $0x1;
	_ =	strace $0x80000046;
	[dreg:$0x1] =	wrdreg $0xFFFFFFFF  }
0xa7: {  	s28 =	simm.s32 $_size_execute0_lowered;
	s2 =	sadd.s32 s2, s4;
	[dreg:$0x0] =	wrdreg $0x0  }
0xa8: {  	s4 =	sshll.u32 s28, $0x1;
	[dreg:$0x2] =	wrdreg s2  }
0xa9: {  	[dreg:$0x3] =	wrdreg s4  }
0xaa: {  	[dreg:$0x4] =	wrdreg $0xC0  }
0xab: {  	_ =	task [dreg:s6], $0x5FFFF  }
0xac: {  	[dreg:$0x1] =	wrdreg $0xFFFFFFFF  }
0xad: {  	[dreg:$0x0] =	wrdreg $0x60  }
0xae: {  	[dreg:$0x2] =	wrdreg s24  }
0xaf: {  	[dreg:$0x3] =	wrdreg $0x9  }
0xb0: {  	_ =	task.clear_ibuf [dreg:s6], $0x4FFFF;
	_ =	strace $0x90000046  }
0xb1: {  	s29 =	simm.s32 $0x9;
	_ =	strace $0x80000048  }
0xb2: {  	_ =	swait.ge [sflag:s29], $0x1  }
0xb3: {  	[sflag:s29] =	ssyncadd.s32 $0xFFFFFFFF  }
0xb4: {  	_ =	strace $0x90000048  }
0xb5: {  	_ =	sfence  }
0xb6: {  	s30 =	sld [smem:$0x0];
	_ =	sdelay $0x2  }
0xb7: {  	s31 =	sshll.u32 s1, $0xD;
	s1 =	sshrl.u32 s1, $0x2  }
0xb8: {  	s3 =	sand.u32 $0x4000, s31;
	s1 =	sadd.s32 s1, s30  }
0xb9: {  	s0 =	sor.u32 s3, s0;
	s1 =	sshll.u32 s1, $0x11  }
0xba: {  	s0 =	sor.u32 s1, s0  }
0xbb: {  	s0 =	sadd.s32 $0x8F2B, s0  }
0xbc: {  	[sflag:s0] =	ssyncadd.remote.s32 $0x1  }
0xbd: {  	_ =	sfence.sel $0xFFFF  }
0xbe: {  	[dreg:$0x0] =	wrdreg $0xFFFFFFFF;
	(pc) =	sbr.abs _section_cstart, $3  }
0xbf: {  	[dreg:$0x1] =	wrdreg $0xFFFFFFFF  }
0xc0: {  	_ =	task.clear_ibuf [dreg:s6], $0x2FFFF;
	_ =	strace $0x9FFFFFFF  }
0xc1: {  	(tm) =	ssettm $0x7FFFFFFF  }
tec
execute0_lowered:
.L_overlay_start_1:
0x0: {  	(tag) =	ssettag $0x1  }
0x1: {  	s3 =	rddreg [dreg:$0x0];
	s2 =	simm.s32 $0x0  }
0x2: {  	s16 =	simm.s32 $0x2080;
	[smem:$0x7FF] =	sst s2  }
0x3: {  	s17 =	simm.s32 $0x100;
	_ =	strace $0x80000047;
	[dreg:$0x4] =	wrdreg s16  }
0x4: {  	s18 =	simm.s32 $0x2100;
	[dreg:$0x5] =	wrdreg s17  }
0x5: {  	s19 =	simm.s32 $0x180;
	[dreg:$0x6] =	wrdreg s18  }
0x6: {  	s20 =	simm.s32 $0x2180;
	[dreg:$0x7] =	wrdreg s19  }
0x7: {  	s21 =	simm.s32 $0x200;
	[dreg:$0x8] =	wrdreg s20  }
0x8: {  	s22 =	simm.s32 $0x2200;
	[dreg:$0x9] =	wrdreg s21  }
0x9: {  	s23 =	simm.s32 $0x280;
	[dreg:$0xa] =	wrdreg s22  }
0xa: {  	s24 =	simm.s32 $0x2280;
	[dreg:$0xb] =	wrdreg s23  }
0xb: {  	s25 =	simm.s32 $0x300;
	[dreg:$0xc] =	wrdreg s24  }
0xc: {  	s0 =	stileid.u32;
	s26 =	simm.s32 $0x2300;
	[dreg:$0xd] =	wrdreg s25  }
0xd: {  	s4 =	sshll.u32 s0, $0xB;
	s0 =	simm.s32 $0x380;
	[dreg:$0xe] =	wrdreg s26  }
0xe: {  	s6 =	simm.s32 $0x400;
	[dreg:$0xf] =	wrdreg s0  }
0xf: {  	s7 =	simm.s32 $0x2400;
	[dreg:$0x11] =	wrdreg s6  }
0x10: {  	s8 =	simm.s32 $0x480;
	[dreg:$0x12] =	wrdreg s7  }
0x11: {  	s9 =	simm.s32 $0x2480;
	[dreg:$0x13] =	wrdreg s8  }
0x12: {  	s10 =	simm.s32 $0x500;
	[dreg:$0x14] =	wrdreg s9  }
0x13: {  	s11 =	simm.s32 $0x2500;
	[dreg:$0x15] =	wrdreg s10  }
0x14: {  	s12 =	simm.s32 $0x580;
	[dreg:$0x16] =	wrdreg s11  }
0x15: {  	s13 =	simm.s32 $0x2580;
	[dreg:$0x17] =	wrdreg s12  }
0x16: {  	s14 =	simm.s32 $0x600;
	[dreg:$0x18] =	wrdreg s13  }
0x17: {  	[dreg:$0x19] =	wrdreg s14;
	s16 =	simm.s32 $0x680  }
0x18: {  	s17 =	simm.s32 $0x2680;
	[dreg:$0x1b] =	wrdreg s16  }
0x19: {  	s18 =	simm.s32 $0x700;
	[dreg:$0x1c] =	wrdreg s17  }
0x1a: {  	s19 =	simm.s32 $0x2700;
	[dreg:$0x1d] =	wrdreg s18  }
0x1b: {  	s20 =	simm.s32 $0x780;
	[dreg:$0x1e] =	wrdreg s19  }
0x1c: {  	s21 =	simm.s32 $0x2780;
	[dreg:$0x1f] =	wrdreg s20  }
0x1d: {  	s22 =	simm.s32 $0x800;
	[smem:$0x7B4] =	sst s21  }
0x1e: {  	s23 =	simm.s32 $0x2800;
	[smem:$0x7B5] =	sst s22  }
0x1f: {  	s24 =	simm.s32 $0x880;
	[smem:$0x7B6] =	sst s23  }
0x20: {  	s25 =	simm.s32 $0x2880;
	[smem:$0x7B7] =	sst s24  }
0x21: {  	s26 =	simm.s32 $0x900;
	[smem:$0x7B8] =	sst s25  }
0x22: {  	s0 =	simm.s32 $0x2900;
	[smem:$0x7B9] =	sst s26  }
0x23: {  	s6 =	simm.s32 $0x2980;
	[smem:$0x7BA] =	sst s0  }
0x24: {  	s7 =	simm.s32 $0xA00;
	[smem:$0x7BC] =	sst s6  }
0x25: {  	s8 =	simm.s32 $0x2A00;
	[smem:$0x7BD] =	sst s7  }
0x26: {  	s9 =	simm.s32 $0xA80;
	[smem:$0x7BE] =	sst s8  }
0x27: {  	s10 =	simm.s32 $0x2A80;
	[smem:$0x7BF] =	sst s9  }
0x28: {  	s11 =	simm.s32 $0xB00;
	[smem:$0x7C0] =	sst s10  }
0x29: {  	s1 =	srdreg.scid;
	s12 =	simm.s32 $0x2B00;
	[smem:$0x7C1] =	sst s11  }
0x2a: {  	s1 =	sand.u32 $0x1, s1;
	s13 =	simm.s32 $0xB80;
	[smem:$0x7C2] =	sst s12  }
0x2b: {  	s5 =	sshll.u32 s1, $0xA;
	s14 =	simm.s32 $0x2B80;
	[smem:$0x7C3] =	sst s13  }
0x2c: {  	s4 =	sor.u32 s5, s4;
	s5 =	simm.s32 $0x2380;
	[smem:$0x7C4] =	sst s14  }
0x2d: {  	s16 =	simm.s32 $0x2C00;
	[dreg:$0x10] =	wrdreg s5  }
0x2e: {  	s17 =	simm.s32 $0xC80;
	[smem:$0x7C6] =	sst s16  }
0x2f: {  	s18 =	simm.s32 $0x2C80;
	[smem:$0x7C7] =	sst s17  }
0x30: {  	s19 =	simm.s32 $0xD00;
	[smem:$0x7C8] =	sst s18  }
0x31: {  	s20 =	simm.s32 $0x2D00;
	[smem:$0x7C9] =	sst s19  }
0x32: {  	s21 =	simm.s32 $0xD80;
	[smem:$0x7CA] =	sst s20  }
0x33: {  	s22 =	simm.s32 $0x2D80;
	[smem:$0x7CB] =	sst s21  }
0x34: {  	s23 =	simm.s32 $0xE00;
	[smem:$0x7CC] =	sst s22  }
0x35: {  	s24 =	simm.s32 $0x2E00;
	[smem:$0x7CD] =	sst s23  }
0x36: {  	s25 =	simm.s32 $0xE80;
	[smem:$0x7CE] =	sst s24  }
0x37: {  	s26 =	simm.s32 $0x2E80;
	[smem:$0x7CF] =	sst s25  }
0x38: {  	s0 =	simm.s32 $0xF00;
	[smem:$0x7D0] =	sst s26  }
0x39: {  	s6 =	simm.s32 $0xF80;
	[smem:$0x7D1] =	sst s0  }
0x3a: {  	s7 =	simm.s32 $0x2F80;
	[smem:$0x7D3] =	sst s6  }
0x3b: {  	s8 =	simm.s32 $0x1000;
	[smem:$0x7D4] =	sst s7  }
0x3c: {  	s9 =	simm.s32 $0x3000;
	[smem:$0x7D5] =	sst s8  }
0x3d: {  	s10 =	simm.s32 $0x1080;
	[smem:$0x7D6] =	sst s9  }
0x3e: {  	s11 =	simm.s32 $0x3080;
	[smem:$0x7D7] =	sst s10  }
0x3f: {  	s12 =	simm.s32 $0x1100;
	[smem:$0x7D8] =	sst s11  }
0x40: {  	s13 =	simm.s32 $0x3100;
	[smem:$0x7D9] =	sst s12  }
0x41: {  	s14 =	simm.s32 $0x1180;
	[smem:$0x7DA] =	sst s13  }
0x42: {  	s5 =	simm.s32 $0x980;
	[smem:$0x7DB] =	sst s14  }
0x43: {  	s16 =	simm.s32 $0x1200;
	[smem:$0x7BB] =	sst s5  }
0x44: {  	s17 =	simm.s32 $0x3200;
	[smem:$0x7DD] =	sst s16  }
0x45: {  	s18 =	simm.s32 $0x1280;
	[smem:$0x7DE] =	sst s17  }
0x46: {  	s19 =	simm.s32 $0x3280;
	[smem:$0x7DF] =	sst s18  }
0x47: {  	s20 =	simm.s32 $0x1300;
	[smem:$0x7E0] =	sst s19  }
0x48: {  	s21 =	simm.s32 $0x3300;
	[smem:$0x7E1] =	sst s20  }
0x49: {  	s22 =	simm.s32 $0x1380;
	[smem:$0x7E2] =	sst s21  }
0x4a: {  	s23 =	simm.s32 $0x3380;
	[smem:$0x7E3] =	sst s22  }
0x4b: {  	s24 =	simm.s32 $0x1400;
	[smem:$0x7E4] =	sst s23  }
0x4c: {  	s25 =	simm.s32 $0x3400;
	[smem:$0x7E5] =	sst s24  }
0x4d: {  	s26 =	simm.s32 $0x1480;
	[smem:$0x7E6] =	sst s25  }
0x4e: {  	s0 =	simm.s32 $0x3480;
	[smem:$0x7E7] =	sst s26  }
0x4f: {  	s6 =	simm.s32 $0x3500;
	[smem:$0x7E8] =	sst s0  }
0x50: {  	s7 =	simm.s32 $0x1580;
	[smem:$0x7EA] =	sst s6  }
0x51: {  	s8 =	simm.s32 $0x3580;
	[smem:$0x7EB] =	sst s7  }
0x52: {  	s9 =	simm.s32 $0x1600;
	[smem:$0x7EC] =	sst s8  }
0x53: {  	s10 =	simm.s32 $0x3600;
	[smem:$0x7ED] =	sst s9  }
0x54: {  	s28 =	simm.s32 $0x3E80;
	s11 =	simm.s32 $0x1680;
	[smem:$0x7EE] =	sst s10  }
0x55: {  	s29 =	simm.s32 $0x1F00;
	s12 =	simm.s32 $0x3680;
	[smem:$0x7EF] =	sst s11  }
0x56: {  	s30 =	simm.s32 $0x3F00;
	s13 =	simm.s32 $0x1700;
	[smem:$0x7F0] =	sst s12  }
0x57: {  	s4 =	sadd.s32 s4, s3;
	s14 =	simm.s32 $0x3700;
	[smem:$0x7F1] =	sst s13  }
0x58: {  	s31 =	simm.s32 $0x1F80;
	s15 =	sadd.s32 $0x1000, s4;
	[smem:$0x7F2] =	sst s14  }
0x59: {  	s1 =	ssub.s32 $0x2, s1;
	s4 =	sadd.s32 $0x9000, s4;
	[dreg:$0x2] =	wrdreg s15  }
0x5a: {  	s3 =	sadd.s32 $0x930E00, s3;
	s5 =	simm.s32 $0x2F00;
	[dreg:$0x3] =	wrdreg s4  }
0x5b: {  	s16 =	simm.s32 $0x3780;
	s17 =	simm.s32 $0x1800;
	[smem:$0x7D2] =	sst s5  }
0x5c: {  	s18 =	simm.s32 $0x3800;
	s19 =	sshrl.u32 s1, $0x1;
	[smem:$0x7F4] =	sst s16  }
0x5d: {  	s20 =	simm.s32 $0x1880;
	s21 =	simm.s32 $0x3880;
	[smem:$0x7F5] =	sst s17  }
0x5e: {  	s22 =	simm.s32 $0x1900;
	s23 =	simm.s32 $0x3900;
	[smem:$0x7F6] =	sst s18  }
0x5f: {  	s6 =	simm.s32 $0x80;
	s24 =	simm.s32 $0x1980;
	[smem:$0x7F7] =	sst s20  }
0x60: {  	s7 =	simm.s32 $0x2000;
	s25 =	simm.s32 $0x3980;
	[smem:$0x7F8] =	sst s21  }
0x61: {  	s8 =	simm.s32 $0x1;
	s26 =	simm.s32 $0x1A00;
	[smem:$0x7F9] =	sst s22  }
0x62: {  	s12 =	simm.s32 $0x1B00;
	s13 =	simm.s32 $0x3B00;
	[smem:$0x7FA] =	sst s23  }
0x63: {  	s14 =	simm.s32 $0x1B80;
	s15 =	simm.s32 $0x2600;
	[smem:$0x7FB] =	sst s24  }
0x64: {  	s5 =	simm.s32 $0x1500;
	s1 =	ssub.s32 s1, s19;
	[smem:$0x7FC] =	sst s25  }
0x65: {  	[smem:$0x7FD] =	sst s26;
	s16 =	simm.s32 $0x1C00;
	s17 =	simm.s32 $0x3C00  }
0x66: {  	s18 =	simm.s32 $0x1C80;
	s19 =	simm.s32 $0x3C80;
	s20 =	simm.s32 $0x1D00  }
0x67: {  	s21 =	simm.s32 $0x3D00;
	s22 =	simm.s32 $0x1D80;
	s23 =	simm.s32 $0x3D80  }
0x68: {  	s24 =	simm.s32 $0x1E00;
	s25 =	simm.s32 $0x3E00;
	[dreg:$0x1a] =	wrdreg s15  }
0x69: {  	s26 =	simm.s32 $0x1E80;
	s15 =	simm.s32 $0xC00;
	[smem:$0x7E9] =	sst s5  }
0x6a: {  	s4 =	smax.u32 s1, $0x1;
	[smem:$0x7C5] =	sst s15;
	s15 =	simm.s32 $0x3180  }
0x6b: {  	s5 =	simm.s32 $0x2;
	[smem:$0x7DC] =	sst s15;
	s15 =	simm.s32 $0x1780  }
0x6c: {  	s1 =	simm.s32 $0x3F80;
	[smem:$0x7F3] =	sst s15;
	s15 =	simm.s32 $0x3B80  }
.LBB2_1:
0x6d: {  	s0 =	rddreg [dreg:$0x2]  }
0x6e: {  	[tilespmem:s2], [sflag:$0x2] =	stream.linear.gather [hbm4b:s0+s2], $0x2000, $0x38;
	[tilespmem:$0x4000] =	vst v63  }
0x6f: {  	_ =	swait.ge [sflag:s5], $0x2000  }
0x70: {  	s11 =	rddreg [dreg:$0x4]  }
0x71: {  	[sflag:s5] =	ssyncset.done $0x0;
	s0 =	rddreg [dreg:$0x5]  }
0x72: {  	s9 =	rddreg [dreg:$0x6];
	[sflag:s5] =	ssyncadd.s32 $0xFFFFE000  }
0x73: {  	[tilespmem:s7], [sflag:$0x1] =	stream.indirect.gather [hbm4b:s3+s6], $0x1, s2, s6, $0xb8;
	[tilespmem:$0x4000] =	vst v63  }
0x74: {  	s10 =	rddreg [dreg:$0x7]  }
0x75: {  	[tilespmem:s11], [sflag:$0x1] =	stream.indirect.gather [hbm4b:s3+s6], $0x1, s6, s6, $0xb8;
	[tilespmem:$0x4000] =	vst v63  }
0x76: {  	s11 =	rddreg [dreg:$0x8]  }
0x77: {  	[tilespmem:s9], [sflag:$0x1] =	stream.indirect.gather [hbm4b:s3+s6], $0x1, s0, s6, $0xb8;
	[tilespmem:$0x4000] =	vst v63  }
0x78: {  	s0 =	rddreg [dreg:$0x9]  }
0x79: {  	s9 =	rddreg [dreg:$0xa]  }
0x7a: {  	[tilespmem:s11], [sflag:$0x1] =	stream.indirect.gather [hbm4b:s3+s6], $0x1, s10, s6, $0xb8;
	[tilespmem:$0x4000] =	vst v63  }
0x7b: {  	s10 =	rddreg [dreg:$0xb]  }
0x7c: {  	s11 =	rddreg [dreg:$0xc]  }
0x7d: {  	[tilespmem:s9], [sflag:$0x1] =	stream.indirect.gather [hbm4b:s3+s6], $0x1, s0, s6, $0xb8;
	[tilespmem:$0x4000] =	vst v63  }
0x7e: {  	s0 =	rddreg [dreg:$0xd]  }
0x7f: {  	s9 =	rddreg [dreg:$0xe]  }
0x80: {  	[tilespmem:s11], [sflag:$0x1] =	stream.indirect.gather [hbm4b:s3+s6], $0x1, s10, s6, $0xb8;
	[tilespmem:$0x4000] =	vst v63  }
0x81: {  	s10 =	rddreg [dreg:$0xf]  }
0x82: {  	s11 =	rddreg [dreg:$0x10]  }
0x83: {  	[tilespmem:s9], [sflag:$0x1] =	stream.indirect.gather [hbm4b:s3+s6], $0x1, s0, s6, $0xb8;
	[tilespmem:$0x4000] =	vst v63  }
0x84: {  	s0 =	rddreg [dreg:$0x11]  }
0x85: {  	s9 =	rddreg [dreg:$0x12]  }
0x86: {  	[tilespmem:s11], [sflag:$0x1] =	stream.indirect.gather [hbm4b:s3+s6], $0x1, s10, s6, $0xb8;
	[tilespmem:$0x4000] =	vst v63  }
0x87: {  	s10 =	rddreg [dreg:$0x13]  }
0x88: {  	s11 =	rddreg [dreg:$0x14]  }
0x89: {  	[tilespmem:s9], [sflag:$0x1] =	stream.indirect.gather [hbm4b:s3+s6], $0x1, s0, s6, $0xb8;
	[tilespmem:$0x4000] =	vst v63  }
0x8a: {  	s0 =	rddreg [dreg:$0x15]  }
0x8b: {  	s9 =	rddreg [dreg:$0x16]  }
0x8c: {  	[tilespmem:s11], [sflag:$0x1] =	stream.indirect.gather [hbm4b:s3+s6], $0x1, s10, s6, $0xb8;
	[tilespmem:$0x4000] =	vst v63  }
0x8d: {  	s10 =	rddreg [dreg:$0x17]  }
0x8e: {  	s11 =	rddreg [dreg:$0x18]  }
0x8f: {  	[tilespmem:s9], [sflag:$0x1] =	stream.indirect.gather [hbm4b:s3+s6], $0x1, s0, s6, $0xb8;
	[tilespmem:$0x4000] =	vst v63  }
0x90: {  	s0 =	rddreg [dreg:$0x19]  }
0x91: {  	s9 =	rddreg [dreg:$0x1a]  }
0x92: {  	[tilespmem:s11], [sflag:$0x1] =	stream.indirect.gather [hbm4b:s3+s6], $0x1, s10, s6, $0xb8;
	[tilespmem:$0x4000] =	vst v63  }
0x93: {  	s10 =	rddreg [dreg:$0x1b]  }
0x94: {  	s11 =	rddreg [dreg:$0x1c]  }
0x95: {  	[tilespmem:s9], [sflag:$0x1] =	stream.indirect.gather [hbm4b:s3+s6], $0x1, s0, s6, $0xb8;
	[tilespmem:$0x4000] =	vst v63  }
0x96: {  	s0 =	rddreg [dreg:$0x1d]  }
0x97: {  	s9 =	rddreg [dreg:$0x1e]  }
0x98: {  	[tilespmem:s11], [sflag:$0x1] =	stream.indirect.gather [hbm4b:s3+s6], $0x1, s10, s6, $0xb8;
	[tilespmem:$0x4000] =	vst v63  }
0x99: {  	s11 =	sld [smem:$0x7B4]  }
0x9a: {  	[tilespmem:s9], [sflag:$0x1] =	stream.indirect.gather [hbm4b:s3+s6], $0x1, s0, s6, $0xb8;
	[tilespmem:$0x4000] =	vst v63  }
0x9b: {  	s10 =	rddreg [dreg:$0x1f]  }
0x9c: {  	[tilespmem:s11], [sflag:$0x1] =	stream.indirect.gather [hbm4b:s3+s6], $0x1, s10, s6, $0xb8;
	[tilespmem:$0x4000] =	vst v63  }
0x9d: {  	_ =	swait.ge [sflag:s8], $0x80  }
0x9e: {  	[sflag:s8] =	ssyncset.done $0x0  }
0x9f: {  	[sflag:s8] =	ssyncadd.s32 $0xFFFFFF80  }
0xa0: {  	_ =	swait.ge [sflag:s8], $0x80  }
0xa1: {  	[sflag:s8] =	ssyncset.done $0x0  }
0xa2: {  	[sflag:s8] =	ssyncadd.s32 $0xFFFFFF80  }
0xa3: {  	_ =	swait.ge [sflag:s8], $0x80  }
0xa4: {  	[sflag:s8] =	ssyncset.done $0x0  }
0xa5: {  	[sflag:s8] =	ssyncadd.s32 $0xFFFFFF80  }
0xa6: {  	_ =	swait.ge [sflag:s8], $0x80  }
0xa7: {  	[sflag:s8] =	ssyncset.done $0x0  }
0xa8: {  	[sflag:s8] =	ssyncadd.s32 $0xFFFFFF80  }
0xa9: {  	_ =	swait.ge [sflag:s8], $0x80  }
0xaa: {  	[sflag:s8] =	ssyncset.done $0x0  }
0xab: {  	[sflag:s8] =	ssyncadd.s32 $0xFFFFFF80  }
0xac: {  	_ =	swait.ge [sflag:s8], $0x80  }
0xad: {  	[sflag:s8] =	ssyncset.done $0x0  }
0xae: {  	[sflag:s8] =	ssyncadd.s32 $0xFFFFFF80  }
0xaf: {  	_ =	swait.ge [sflag:s8], $0x80  }
0xb0: {  	[sflag:s8] =	ssyncset.done $0x0  }
0xb1: {  	[sflag:s8] =	ssyncadd.s32 $0xFFFFFF80  }
0xb2: {  	_ =	swait.ge [sflag:s8], $0x80  }
0xb3: {  	[sflag:s8] =	ssyncset.done $0x0  }
0xb4: {  	[sflag:s8] =	ssyncadd.s32 $0xFFFFFF80  }
0xb5: {  	_ =	swait.ge [sflag:s8], $0x80  }
0xb6: {  	[sflag:s8] =	ssyncset.done $0x0  }
0xb7: {  	[sflag:s8] =	ssyncadd.s32 $0xFFFFFF80  }
0xb8: {  	_ =	swait.ge [sflag:s8], $0x80  }
0xb9: {  	[sflag:s8] =	ssyncset.done $0x0  }
0xba: {  	[sflag:s8] =	ssyncadd.s32 $0xFFFFFF80  }
0xbb: {  	_ =	swait.ge [sflag:s8], $0x80  }
0xbc: {  	[sflag:s8] =	ssyncset.done $0x0  }
0xbd: {  	[sflag:s8] =	ssyncadd.s32 $0xFFFFFF80  }
0xbe: {  	_ =	swait.ge [sflag:s8], $0x80  }
0xbf: {  	[sflag:s8] =	ssyncset.done $0x0  }
0xc0: {  	[sflag:s8] =	ssyncadd.s32 $0xFFFFFF80  }
0xc1: {  	_ =	swait.ge [sflag:s8], $0x80  }
0xc2: {  	[sflag:s8] =	ssyncset.done $0x0  }
0xc3: {  	[sflag:s8] =	ssyncadd.s32 $0xFFFFFF80  }
0xc4: {  	_ =	swait.ge [sflag:s8], $0x80  }
0xc5: {  	[sflag:s8] =	ssyncset.done $0x0  }
0xc6: {  	[sflag:s8] =	ssyncadd.s32 $0xFFFFFF80  }
0xc7: {  	_ =	swait.ge [sflag:s8], $0x80  }
0xc8: {  	[sflag:s8] =	ssyncset.done $0x0  }
0xc9: {  	[sflag:s8] =	ssyncadd.s32 $0xFFFFFF80  }
0xca: {  	_ =	swait.ge [sflag:s8], $0x80  }
0xcb: {  	s0 =	sld [smem:$0x7B5]  }
0xcc: {  	s9 =	sld [smem:$0x7B6]  }
0xcd: {  	[sflag:s8] =	ssyncset.done $0x0;
	s10 =	sld [smem:$0x7B7]  }
0xce: {  	s11 =	sld [smem:$0x7B8];
	[sflag:s8] =	ssyncadd.s32 $0xFFFFFF80  }
0xcf: {  	[tilespmem:s9], [sflag:$0x1] =	stream.indirect.gather [hbm4b:s3+s6], $0x1, s0, s6, $0xb8;
	[tilespmem:$0x4000] =	vst v63  }
0xd0: {  	s0 =	sld [smem:$0x7B9]  }
0xd1: {  	s9 =	sld [smem:$0x7BA]  }
0xd2: {  	[tilespmem:s11], [sflag:$0x1] =	stream.indirect.gather [hbm4b:s3+s6], $0x1, s10, s6, $0xb8;
	[tilespmem:$0x4000] =	vst v63  }
0xd3: {  	s10 =	sld [smem:$0x7BB]  }
0xd4: {  	s11 =	sld [smem:$0x7BC]  }
0xd5: {  	[tilespmem:s9], [sflag:$0x1] =	stream.indirect.gather [hbm4b:s3+s6], $0x1, s0, s6, $0xb8;
	[tilespmem:$0x4000] =	vst v63  }
0xd6: {  	s0 =	sld [smem:$0x7BD]  }
0xd7: {  	s9 =	sld [smem:$0x7BE]  }
0xd8: {  	[tilespmem:s11], [sflag:$0x1] =	stream.indirect.gather [hbm4b:s3+s6], $0x1, s10, s6, $0xb8;
	[tilespmem:$0x4000] =	vst v63  }
0xd9: {  	s10 =	sld [smem:$0x7BF]  }
0xda: {  	s11 =	sld [smem:$0x7C0]  }
0xdb: {  	[tilespmem:s9], [sflag:$0x1] =	stream.indirect.gather [hbm4b:s3+s6], $0x1, s0, s6, $0xb8;
	[tilespmem:$0x4000] =	vst v63  }
0xdc: {  	s0 =	sld [smem:$0x7C1]  }
0xdd: {  	s9 =	sld [smem:$0x7C2]  }
0xde: {  	[tilespmem:s11], [sflag:$0x1] =	stream.indirect.gather [hbm4b:s3+s6], $0x1, s10, s6, $0xb8;
	[tilespmem:$0x4000] =	vst v63  }
0xdf: {  	s10 =	sld [smem:$0x7C3]  }
0xe0: {  	s11 =	sld [smem:$0x7C4]  }
0xe1: {  	[tilespmem:s9], [sflag:$0x1] =	stream.indirect.gather [hbm4b:s3+s6], $0x1, s0, s6, $0xb8;
	[tilespmem:$0x4000] =	vst v63  }
0xe2: {  	s0 =	sld [smem:$0x7C5]  }
0xe3: {  	s9 =	sld [smem:$0x7C6]  }
0xe4: {  	[tilespmem:s11], [sflag:$0x1] =	stream.indirect.gather [hbm4b:s3+s6], $0x1, s10, s6, $0xb8;
	[tilespmem:$0x4000] =	vst v63  }
0xe5: {  	s10 =	sld [smem:$0x7C7]  }
0xe6: {  	s11 =	sld [smem:$0x7C8]  }
0xe7: {  	[tilespmem:s9], [sflag:$0x1] =	stream.indirect.gather [hbm4b:s3+s6], $0x1, s0, s6, $0xb8;
	[tilespmem:$0x4000] =	vst v63  }
0xe8: {  	s0 =	sld [smem:$0x7C9]  }
0xe9: {  	s9 =	sld [smem:$0x7CA]  }
0xea: {  	[tilespmem:s11], [sflag:$0x1] =	stream.indirect.gather [hbm4b:s3+s6], $0x1, s10, s6, $0xb8;
	[tilespmem:$0x4000] =	vst v63  }
0xeb: {  	s10 =	sld [smem:$0x7CB]  }
0xec: {  	s11 =	sld [smem:$0x7CC]  }
0xed: {  	[tilespmem:s9], [sflag:$0x1] =	stream.indirect.gather [hbm4b:s3+s6], $0x1, s0, s6, $0xb8;
	[tilespmem:$0x4000] =	vst v63  }
0xee: {  	s0 =	sld [smem:$0x7CD]  }
0xef: {  	s9 =	sld [smem:$0x7CE]  }
0xf0: {  	[tilespmem:s11], [sflag:$0x1] =	stream.indirect.gather [hbm4b:s3+s6], $0x1, s10, s6, $0xb8;
	[tilespmem:$0x4000] =	vst v63  }
0xf1: {  	s10 =	sld [smem:$0x7CF]  }
0xf2: {  	s11 =	sld [smem:$0x7D0]  }
0xf3: {  	[tilespmem:s9], [sflag:$0x1] =	stream.indirect.gather [hbm4b:s3+s6], $0x1, s0, s6, $0xb8;
	[tilespmem:$0x4000] =	vst v63  }
0xf4: {  	s0 =	sld [smem:$0x7D1]  }
0xf5: {  	s9 =	sld [smem:$0x7D2]  }
0xf6: {  	[tilespmem:s11], [sflag:$0x1] =	stream.indirect.gather [hbm4b:s3+s6], $0x1, s10, s6, $0xb8;
	[tilespmem:$0x4000] =	vst v63  }
0xf7: {  	s10 =	sld [smem:$0x7D3]  }
0xf8: {  	s11 =	sld [smem:$0x7D4]  }
0xf9: {  	[tilespmem:s9], [sflag:$0x1] =	stream.indirect.gather [hbm4b:s3+s6], $0x1, s0, s6, $0xb8;
	[tilespmem:$0x4000] =	vst v63  }
0xfa: {  	_ = 	snop  }
0xfb: {  	[tilespmem:s11], [sflag:$0x1] =	stream.indirect.gather [hbm4b:s3+s6], $0x1, s10, s6, $0xb8;
	[tilespmem:$0x4000] =	vst v63  }
0xfc: {  	_ =	swait.ge [sflag:s8], $0x80  }
0xfd: {  	[sflag:s8] =	ssyncset.done $0x0  }
0xfe: {  	[sflag:s8] =	ssyncadd.s32 $0xFFFFFF80  }
0xff: {  	_ =	swait.ge [sflag:s8], $0x80  }
0x100: {  	[sflag:s8] =	ssyncset.done $0x0  }
0x101: {  	[sflag:s8] =	ssyncadd.s32 $0xFFFFFF80  }
0x102: {  	_ =	swait.ge [sflag:s8], $0x80  }
0x103: {  	[sflag:s8] =	ssyncset.done $0x0  }
0x104: {  	[sflag:s8] =	ssyncadd.s32 $0xFFFFFF80  }
0x105: {  	_ =	swait.ge [sflag:s8], $0x80  }
0x106: {  	[sflag:s8] =	ssyncset.done $0x0  }
0x107: {  	[sflag:s8] =	ssyncadd.s32 $0xFFFFFF80  }
0x108: {  	_ =	swait.ge [sflag:s8], $0x80  }
0x109: {  	[sflag:s8] =	ssyncset.done $0x0  }
0x10a: {  	[sflag:s8] =	ssyncadd.s32 $0xFFFFFF80  }
0x10b: {  	_ =	swait.ge [sflag:s8], $0x80  }
0x10c: {  	[sflag:s8] =	ssyncset.done $0x0  }
0x10d: {  	[sflag:s8] =	ssyncadd.s32 $0xFFFFFF80  }
0x10e: {  	_ =	swait.ge [sflag:s8], $0x80  }
0x10f: {  	[sflag:s8] =	ssyncset.done $0x0  }
0x110: {  	[sflag:s8] =	ssyncadd.s32 $0xFFFFFF80  }
0x111: {  	_ =	swait.ge [sflag:s8], $0x80  }
0x112: {  	[sflag:s8] =	ssyncset.done $0x0  }
0x113: {  	[sflag:s8] =	ssyncadd.s32 $0xFFFFFF80  }
0x114: {  	_ =	swait.ge [sflag:s8], $0x80  }
0x115: {  	[sflag:s8] =	ssyncset.done $0x0  }
0x116: {  	[sflag:s8] =	ssyncadd.s32 $0xFFFFFF80  }
0x117: {  	_ =	swait.ge [sflag:s8], $0x80  }
0x118: {  	[sflag:s8] =	ssyncset.done $0x0  }
0x119: {  	[sflag:s8] =	ssyncadd.s32 $0xFFFFFF80  }
0x11a: {  	_ =	swait.ge [sflag:s8], $0x80  }
0x11b: {  	[sflag:s8] =	ssyncset.done $0x0  }
0x11c: {  	[sflag:s8] =	ssyncadd.s32 $0xFFFFFF80  }
0x11d: {  	_ =	swait.ge [sflag:s8], $0x80  }
0x11e: {  	[sflag:s8] =	ssyncset.done $0x0  }
0x11f: {  	[sflag:s8] =	ssyncadd.s32 $0xFFFFFF80  }
0x120: {  	_ =	swait.ge [sflag:s8], $0x80  }
0x121: {  	[sflag:s8] =	ssyncset.done $0x0  }
0x122: {  	[sflag:s8] =	ssyncadd.s32 $0xFFFFFF80  }
0x123: {  	_ =	swait.ge [sflag:s8], $0x80  }
0x124: {  	[sflag:s8] =	ssyncset.done $0x0  }
0x125: {  	[sflag:s8] =	ssyncadd.s32 $0xFFFFFF80  }
0x126: {  	_ =	swait.ge [sflag:s8], $0x80  }
0x127: {  	[sflag:s8] =	ssyncset.done $0x0  }
0x128: {  	[sflag:s8] =	ssyncadd.s32 $0xFFFFFF80  }
0x129: {  	_ =	swait.ge [sflag:s8], $0x80  }
0x12a: {  	s0 =	sld [smem:$0x7D5]  }
0x12b: {  	s9 =	sld [smem:$0x7D6]  }
0x12c: {  	[sflag:s8] =	ssyncset.done $0x0;
	s10 =	sld [smem:$0x7D7]  }
0x12d: {  	s11 =	sld [smem:$0x7D8];
	[sflag:s8] =	ssyncadd.s32 $0xFFFFFF80  }
0x12e: {  	[tilespmem:s9], [sflag:$0x1] =	stream.indirect.gather [hbm4b:s3+s6], $0x1, s0, s6, $0xb8;
	[tilespmem:$0x4000] =	vst v63  }
0x12f: {  	s0 =	sld [smem:$0x7D9]  }
0x130: {  	s9 =	sld [smem:$0x7DA]  }
0x131: {  	[tilespmem:s11], [sflag:$0x1] =	stream.indirect.gather [hbm4b:s3+s6], $0x1, s10, s6, $0xb8;
	[tilespmem:$0x4000] =	vst v63  }
0x132: {  	s10 =	sld [smem:$0x7DB]  }
0x133: {  	s11 =	sld [smem:$0x7DC]  }
0x134: {  	[tilespmem:s9], [sflag:$0x1] =	stream.indirect.gather [hbm4b:s3+s6], $0x1, s0, s6, $0xb8;
	[tilespmem:$0x4000] =	vst v63  }
0x135: {  	s0 =	sld [smem:$0x7DD]  }
0x136: {  	s9 =	sld [smem:$0x7DE]  }
0x137: {  	[tilespmem:s11], [sflag:$0x1] =	stream.indirect.gather [hbm4b:s3+s6], $0x1, s10, s6, $0xb8;
	[tilespmem:$0x4000] =	vst v63  }
0x138: {  	s10 =	sld [smem:$0x7DF]  }
0x139: {  	s11 =	sld [smem:$0x7E0]  }
0x13a: {  	[tilespmem:s9], [sflag:$0x1] =	stream.indirect.gather [hbm4b:s3+s6], $0x1, s0, s6, $0xb8;
	[tilespmem:$0x4000] =	vst v63  }
0x13b: {  	s0 =	sld [smem:$0x7E1]  }
0x13c: {  	s9 =	sld [smem:$0x7E2]  }
0x13d: {  	[tilespmem:s11], [sflag:$0x1] =	stream.indirect.gather [hbm4b:s3+s6], $0x1, s10, s6, $0xb8;
	[tilespmem:$0x4000] =	vst v63  }
0x13e: {  	s10 =	sld [smem:$0x7E3]  }
0x13f: {  	s11 =	sld [smem:$0x7E4]  }
0x140: {  	[tilespmem:s9], [sflag:$0x1] =	stream.indirect.gather [hbm4b:s3+s6], $0x1, s0, s6, $0xb8;
	[tilespmem:$0x4000] =	vst v63  }
0x141: {  	s0 =	sld [smem:$0x7E5]  }
0x142: {  	s9 =	sld [smem:$0x7E6]  }
0x143: {  	[tilespmem:s11], [sflag:$0x1] =	stream.indirect.gather [hbm4b:s3+s6], $0x1, s10, s6, $0xb8;
	[tilespmem:$0x4000] =	vst v63  }
0x144: {  	s10 =	sld [smem:$0x7E7]  }
0x145: {  	s11 =	sld [smem:$0x7E8]  }
0x146: {  	[tilespmem:s9], [sflag:$0x1] =	stream.indirect.gather [hbm4b:s3+s6], $0x1, s0, s6, $0xb8;
	[tilespmem:$0x4000] =	vst v63  }
0x147: {  	s0 =	sld [smem:$0x7E9]  }
0x148: {  	s9 =	sld [smem:$0x7EA]  }
0x149: {  	[tilespmem:s11], [sflag:$0x1] =	stream.indirect.gather [hbm4b:s3+s6], $0x1, s10, s6, $0xb8;
	[tilespmem:$0x4000] =	vst v63  }
0x14a: {  	s10 =	sld [smem:$0x7EB]  }
0x14b: {  	s11 =	sld [smem:$0x7EC]  }
0x14c: {  	[tilespmem:s9], [sflag:$0x1] =	stream.indirect.gather [hbm4b:s3+s6], $0x1, s0, s6, $0xb8;
	[tilespmem:$0x4000] =	vst v63  }
0x14d: {  	s0 =	sld [smem:$0x7ED]  }
0x14e: {  	s9 =	sld [smem:$0x7EE]  }
0x14f: {  	[tilespmem:s11], [sflag:$0x1] =	stream.indirect.gather [hbm4b:s3+s6], $0x1, s10, s6, $0xb8;
	[tilespmem:$0x4000] =	vst v63  }
0x150: {  	s10 =	sld [smem:$0x7EF]  }
0x151: {  	s11 =	sld [smem:$0x7F0]  }
0x152: {  	[tilespmem:s9], [sflag:$0x1] =	stream.indirect.gather [hbm4b:s3+s6], $0x1, s0, s6, $0xb8;
	[tilespmem:$0x4000] =	vst v63  }
0x153: {  	s0 =	sld [smem:$0x7F1]  }
0x154: {  	s9 =	sld [smem:$0x7F2]  }
0x155: {  	[tilespmem:s11], [sflag:$0x1] =	stream.indirect.gather [hbm4b:s3+s6], $0x1, s10, s6, $0xb8;
	[tilespmem:$0x4000] =	vst v63  }
0x156: {  	s10 =	sld [smem:$0x7F3]  }
0x157: {  	s11 =	sld [smem:$0x7F4]  }
0x158: {  	[tilespmem:s9], [sflag:$0x1] =	stream.indirect.gather [hbm4b:s3+s6], $0x1, s0, s6, $0xb8;
	[tilespmem:$0x4000] =	vst v63  }
0x159: {  	_ = 	snop  }
0x15a: {  	[tilespmem:s11], [sflag:$0x1] =	stream.indirect.gather [hbm4b:s3+s6], $0x1, s10, s6, $0xb8;
	[tilespmem:$0x4000] =	vst v63  }
0x15b: {  	_ =	swait.ge [sflag:s8], $0x80  }
0x15c: {  	[sflag:s8] =	ssyncset.done $0x0  }
0x15d: {  	[sflag:s8] =	ssyncadd.s32 $0xFFFFFF80  }
0x15e: {  	_ =	swait.ge [sflag:s8], $0x80  }
0x15f: {  	[sflag:s8] =	ssyncset.done $0x0  }
0x160: {  	[sflag:s8] =	ssyncadd.s32 $0xFFFFFF80  }
0x161: {  	_ =	swait.ge [sflag:s8], $0x80  }
0x162: {  	[sflag:s8] =	ssyncset.done $0x0  }
0x163: {  	[sflag:s8] =	ssyncadd.s32 $0xFFFFFF80  }
0x164: {  	_ =	swait.ge [sflag:s8], $0x80  }
0x165: {  	[sflag:s8] =	ssyncset.done $0x0  }
0x166: {  	[sflag:s8] =	ssyncadd.s32 $0xFFFFFF80  }
0x167: {  	_ =	swait.ge [sflag:s8], $0x80  }
0x168: {  	[sflag:s8] =	ssyncset.done $0x0  }
0x169: {  	[sflag:s8] =	ssyncadd.s32 $0xFFFFFF80  }
0x16a: {  	_ =	swait.ge [sflag:s8], $0x80  }
0x16b: {  	[sflag:s8] =	ssyncset.done $0x0  }
0x16c: {  	[sflag:s8] =	ssyncadd.s32 $0xFFFFFF80  }
0x16d: {  	_ =	swait.ge [sflag:s8], $0x80  }
0x16e: {  	[sflag:s8] =	ssyncset.done $0x0  }
0x16f: {  	[sflag:s8] =	ssyncadd.s32 $0xFFFFFF80  }
0x170: {  	_ =	swait.ge [sflag:s8], $0x80  }
0x171: {  	[sflag:s8] =	ssyncset.done $0x0  }
0x172: {  	[sflag:s8] =	ssyncadd.s32 $0xFFFFFF80  }
0x173: {  	_ =	swait.ge [sflag:s8], $0x80  }
0x174: {  	[sflag:s8] =	ssyncset.done $0x0  }
0x175: {  	[sflag:s8] =	ssyncadd.s32 $0xFFFFFF80  }
0x176: {  	_ =	swait.ge [sflag:s8], $0x80  }
0x177: {  	[sflag:s8] =	ssyncset.done $0x0  }
0x178: {  	[sflag:s8] =	ssyncadd.s32 $0xFFFFFF80  }
0x179: {  	_ =	swait.ge [sflag:s8], $0x80  }
0x17a: {  	[sflag:s8] =	ssyncset.done $0x0  }
0x17b: {  	[sflag:s8] =	ssyncadd.s32 $0xFFFFFF80  }
0x17c: {  	_ =	swait.ge [sflag:s8], $0x80  }
0x17d: {  	[sflag:s8] =	ssyncset.done $0x0  }
0x17e: {  	[sflag:s8] =	ssyncadd.s32 $0xFFFFFF80  }
0x17f: {  	_ =	swait.ge [sflag:s8], $0x80  }
0x180: {  	[sflag:s8] =	ssyncset.done $0x0  }
0x181: {  	[sflag:s8] =	ssyncadd.s32 $0xFFFFFF80  }
0x182: {  	_ =	swait.ge [sflag:s8], $0x80  }
0x183: {  	[sflag:s8] =	ssyncset.done $0x0  }
0x184: {  	[sflag:s8] =	ssyncadd.s32 $0xFFFFFF80  }
0x185: {  	_ =	swait.ge [sflag:s8], $0x80  }
0x186: {  	[sflag:s8] =	ssyncset.done $0x0  }
0x187: {  	[sflag:s8] =	ssyncadd.s32 $0xFFFFFF80  }
0x188: {  	_ =	swait.ge [sflag:s8], $0x80  }
0x189: {  	s0 =	sld [smem:$0x7F5]  }
0x18a: {  	s9 =	sld [smem:$0x7F6]  }
0x18b: {  	[sflag:s8] =	ssyncset.done $0x0;
	s10 =	sld [smem:$0x7F7]  }
0x18c: {  	s11 =	sld [smem:$0x7F8];
	[sflag:s8] =	ssyncadd.s32 $0xFFFFFF80  }
0x18d: {  	[tilespmem:s9], [sflag:$0x1] =	stream.indirect.gather [hbm4b:s3+s6], $0x1, s0, s6, $0xb8;
	[tilespmem:$0x4000] =	vst v63  }
0x18e: {  	s0 =	sld [smem:$0x7F9]  }
0x18f: {  	s9 =	sld [smem:$0x7FA]  }
0x190: {  	[tilespmem:s11], [sflag:$0x1] =	stream.indirect.gather [hbm4b:s3+s6], $0x1, s10, s6, $0xb8;
	[tilespmem:$0x4000] =	vst v63  }
0x191: {  	s10 =	sld [smem:$0x7FB]  }
0x192: {  	s11 =	sld [smem:$0x7FC]  }
0x193: {  	[tilespmem:s9], [sflag:$0x1] =	stream.indirect.gather [hbm4b:s3+s6], $0x1, s0, s6, $0xb8;
	[tilespmem:$0x4000] =	vst v63  }
0x194: {  	s9 =	sld [smem:$0x7FD]  }
0x195: {  	[tilespmem:s11], [sflag:$0x1] =	stream.indirect.gather [hbm4b:s3+s6], $0x1, s10, s6, $0xb8;
	[tilespmem:$0x4000] =	vst v63  }
0x196: {  	s11 =	simm.s32 $0x3A00  }
0x197: {  	[tilespmem:s11], [sflag:$0x1] =	stream.indirect.gather [hbm4b:s3+s6], $0x1, s9, s6, $0xb8;
	[tilespmem:$0x4000] =	vst v63  }
0x198: {  	s10 =	simm.s32 $0x3A80;
	s9 =	simm.s32 $0x1A80  }
0x199: {  	[tilespmem:s10], [sflag:$0x1] =	stream.indirect.gather [hbm4b:s3+s6], $0x1, s9, s6, $0xb8;
	[tilespmem:$0x4000] =	vst v63  }
0x19a: {  	_ = 	snop  }
0x19b: {  	[tilespmem:s13], [sflag:$0x1] =	stream.indirect.gather [hbm4b:s3+s6], $0x1, s12, s6, $0xb8;
	[tilespmem:$0x4000] =	vst v63  }
0x19c: {  	_ = 	snop  }
0x19d: {  	[tilespmem:s15], [sflag:$0x1] =	stream.indirect.gather [hbm4b:s3+s6], $0x1, s14, s6, $0xb8;
	[tilespmem:$0x4000] =	vst v63  }
0x19e: {  	_ = 	snop  }
0x19f: {  	[tilespmem:s17], [sflag:$0x1] =	stream.indirect.gather [hbm4b:s3+s6], $0x1, s16, s6, $0xb8;
	[tilespmem:$0x4000] =	vst v63  }
0x1a0: {  	_ = 	snop  }
0x1a1: {  	[tilespmem:s19], [sflag:$0x1] =	stream.indirect.gather [hbm4b:s3+s6], $0x1, s18, s6, $0xb8;
	[tilespmem:$0x4000] =	vst v63  }
0x1a2: {  	_ = 	snop  }
0x1a3: {  	[tilespmem:s21], [sflag:$0x1] =	stream.indirect.gather [hbm4b:s3+s6], $0x1, s20, s6, $0xb8;
	[tilespmem:$0x4000] =	vst v63  }
0x1a4: {  	_ = 	snop  }
0x1a5: {  	[tilespmem:s23], [sflag:$0x1] =	stream.indirect.gather [hbm4b:s3+s6], $0x1, s22, s6, $0xb8;
	[tilespmem:$0x4000] =	vst v63  }
0x1a6: {  	_ = 	snop  }
0x1a7: {  	[tilespmem:s25], [sflag:$0x1] =	stream.indirect.gather [hbm4b:s3+s6], $0x1, s24, s6, $0xb8;
	[tilespmem:$0x4000] =	vst v63  }
0x1a8: {  	_ = 	snop  }
0x1a9: {  	[tilespmem:s28], [sflag:$0x1] =	stream.indirect.gather [hbm4b:s3+s6], $0x1, s26, s6, $0xb8;
	[tilespmem:$0x4000] =	vst v63  }
0x1aa: {  	_ = 	snop  }
0x1ab: {  	[tilespmem:s30], [sflag:$0x1] =	stream.indirect.gather [hbm4b:s3+s6], $0x1, s29, s6, $0xb8;
	[tilespmem:$0x4000] =	vst v63  }
0x1ac: {  	_ = 	snop  }
0x1ad: {  	[tilespmem:s1], [sflag:$0x1] =	stream.indirect.gather [hbm4b:s3+s6], $0x1, s31, s6, $0xb8;
	[tilespmem:$0x4000] =	vst v63  }
0x1ae: {  	_ =	swait.ge [sflag:s8], $0x80  }
0x1af: {  	[sflag:s8] =	ssyncset.done $0x0  }
0x1b0: {  	[sflag:s8] =	ssyncadd.s32 $0xFFFFFF80  }
0x1b1: {  	_ =	swait.ge [sflag:s8], $0x80  }
0x1b2: {  	[sflag:s8] =	ssyncset.done $0x0  }
0x1b3: {  	[sflag:s8] =	ssyncadd.s32 $0xFFFFFF80  }
0x1b4: {  	_ =	swait.ge [sflag:s8], $0x80  }
0x1b5: {  	[sflag:s8] =	ssyncset.done $0x0  }
0x1b6: {  	[sflag:s8] =	ssyncadd.s32 $0xFFFFFF80  }
0x1b7: {  	_ =	swait.ge [sflag:s8], $0x80  }
0x1b8: {  	[sflag:s8] =	ssyncset.done $0x0  }
0x1b9: {  	[sflag:s8] =	ssyncadd.s32 $0xFFFFFF80  }
0x1ba: {  	_ =	swait.ge [sflag:s8], $0x80  }
0x1bb: {  	[sflag:s8] =	ssyncset.done $0x0  }
0x1bc: {  	[sflag:s8] =	ssyncadd.s32 $0xFFFFFF80  }
0x1bd: {  	_ =	swait.ge [sflag:s8], $0x80  }
0x1be: {  	[sflag:s8] =	ssyncset.done $0x0  }
0x1bf: {  	[sflag:s8] =	ssyncadd.s32 $0xFFFFFF80  }
0x1c0: {  	_ =	swait.ge [sflag:s8], $0x80  }
0x1c1: {  	[sflag:s8] =	ssyncset.done $0x0  }
0x1c2: {  	[sflag:s8] =	ssyncadd.s32 $0xFFFFFF80  }
0x1c3: {  	_ =	swait.ge [sflag:s8], $0x80  }
0x1c4: {  	[sflag:s8] =	ssyncset.done $0x0  }
0x1c5: {  	[sflag:s8] =	ssyncadd.s32 $0xFFFFFF80  }
0x1c6: {  	_ =	swait.ge [sflag:s8], $0x80  }
0x1c7: {  	[sflag:s8] =	ssyncset.done $0x0  }
0x1c8: {  	[sflag:s8] =	ssyncadd.s32 $0xFFFFFF80  }
0x1c9: {  	_ =	swait.ge [sflag:s8], $0x80  }
0x1ca: {  	[sflag:s8] =	ssyncset.done $0x0  }
0x1cb: {  	[sflag:s8] =	ssyncadd.s32 $0xFFFFFF80  }
0x1cc: {  	_ =	swait.ge [sflag:s8], $0x80  }
0x1cd: {  	[sflag:s8] =	ssyncset.done $0x0  }
0x1ce: {  	[sflag:s8] =	ssyncadd.s32 $0xFFFFFF80  }
0x1cf: {  	_ =	swait.ge [sflag:s8], $0x80  }
0x1d0: {  	[sflag:s8] =	ssyncset.done $0x0  }
0x1d1: {  	[sflag:s8] =	ssyncadd.s32 $0xFFFFFF80  }
0x1d2: {  	_ =	swait.ge [sflag:s8], $0x80  }
0x1d3: {  	[sflag:s8] =	ssyncset.done $0x0  }
0x1d4: {  	[sflag:s8] =	ssyncadd.s32 $0xFFFFFF80  }
0x1d5: {  	_ =	swait.ge [sflag:s8], $0x80  }
0x1d6: {  	[sflag:s8] =	ssyncset.done $0x0  }
0x1d7: {  	[sflag:s8] =	ssyncadd.s32 $0xFFFFFF80  }
0x1d8: {  	_ =	swait.ge [sflag:s8], $0x80  }
0x1d9: {  	[sflag:s8] =	ssyncset.done $0x0  }
0x1da: {  	[sflag:s8] =	ssyncadd.s32 $0xFFFFFF80  }
0x1db: {  	_ =	swait.ge [sflag:s8], $0x80  }
0x1dc: {  	p0 =	sne.s32 s4, $0x1;
	[sflag:s8] =	ssyncset.done $0x0  }
.Ltmp0:
0x1dd: {  	s11 =	rddreg [dreg:$0x3];
	[sflag:s8] =	ssyncadd.s32 $0xFFFFFF80;
	(pc) =	sbr.rel @p0 .LBB2_1-.Ltmp0, $4  }
0x1de: {  	[hbm4b:s11+s2] =	stream.linear.scatter [tilespmem:s7], [sflag:$0x2], $0x2000, $0x38;
	[tilespmem:$0x4000] =	vst v63  }
0x1df: {  	_ =	swait.ge [sflag:s5], $0x2000  }
0x1e0: {  	[sflag:s5] =	ssyncset.done $0x0  }
0x1e1: {  	s4 =	sadd.s32 $0xFFFFFFFF, s4;
	[sflag:s5] =	ssyncadd.s32 $0xFFFFE000  }
0x1e2: {  	_ =	sfence.sel $0x180000  }
0x1e3: {  	[bflag:$0x0] =	sbarrier.arrive $0xFFFF  }
0x1e4: {  	_ =	strace $0x90000047  }
0x1e5: {  	s0 =	stileid.u32;
	[bflag:$0x2] =	sbarrier.arrive $0xFFFF  }
0x1e6: {  	p0 =	sne.s32 s0, $0x0;
	s0 =	rddreg [dreg:$0x1]  }
0x1e7: {  	s0 =	sadd.s32 @!p0 $0x100000, s0  }
0x1e8: {  	[sflag:s0] =	ssyncadd.tile.s32 @!p0 $0x1;
	_ =	shalt  }
.Lfunc_end2:
_tile_overlayer_lowered:
.L_overlay_start_2:
0x1e9: {  	(tag) =	ssettag $0x2  }
0x1ea: {  	s0 =	rddreg [dreg:$0x0];
	s2 =	stileid.u32  }
0x1eb: {  	s1 =	rddreg [dreg:$0x1];
	p0 =	sne.s32 s2, $0x0  }
0x1ec: {  	s3 =	rddreg [dreg:$0x2];
	[bflag:$0x3] =	sbarrier.arrive $0xFFFF;
	s2 =	simm.s32 @!p0 $0x1C02  }
0x1ed: {  	[timem:s3], [sflag:s2] =	dma.local @!p0 [hbm:s0], s1  }
0x1ee: {  	s0 =	simm.s32 @!p0 $0x2  }
0x1ef: {  	_ =	swait.ge @!p0 [sflag:s0], s1  }
0x1f0: {  	s1 =	ssub.s32 @!p0 $0x0, s1;
	[sflag:s0] =	ssyncset.done @!p0 $0x0  }
0x1f1: {  	[sflag:s0] =	ssyncadd.s32 @!p0 s1  }
0x1f2: {  	[bflag:$0x3] =	sbarrier.arrive $0xFFFF  }
0x1f3: {  	_ =	shalt  }

</sc_bundles>
